<compile_context>
chip_gen: v7x
topology: tpu7x:2x2x1
jax: 0.10.2.dev20260603
libtpu: 0.0.44.dev20260713+nightly
codegen_flags: <defaults>
</compile_context>

<pallas_src>
import jax
import jax.numpy as jnp
from jax import lax
from jax.experimental import pallas as pl
from jax.experimental.pallas import tpu as pltpu
from jax.experimental.pallas import tpu_sc as plsc

F32 = jnp.float32

NUM_CORES = 2
NUM_SUBCORES = 16
NW = NUM_CORES * NUM_SUBCORES
K = 128
DEGW = 8
NBUF = 4

_SC_PARAMS = pltpu.CompilerParams(use_tc_tiling_on_sc=False)



def _gather_scatter_loop(tab, sidx, didx, bufs, gsems, ssems, acc, nch,
                         deg=None):
    if deg is not None:
        ones_v, dacc, dsem = deg
    pltpu.async_copy(tab.at[sidx.at[0]], bufs[0], gsems[0])
    pltpu.async_copy(tab.at[sidx.at[1]], bufs[1], gsems[1])

    def step(j, carry):
        @pl.when(j + 2 < nch)
        def _():
            for a in range(NBUF):
                def refill(a=a):
                    @pl.when(j >= 2)
                    def _():
                        pltpu.make_async_copy(
                            bufs[a], acc.at[didx.at[j - 2]], ssems[a]).wait()
                    pltpu.async_copy(tab.at[sidx.at[j + 2]], bufs[a],
                                     gsems[a])
                pl.when((j + 2) % NBUF == a)(refill)

        for b in range(NBUF):
            def consume(b=b):
                pltpu.make_async_copy(tab.at[sidx.at[j]], bufs[b],
                                      gsems[b]).wait()
                pltpu.async_copy(bufs[b], acc.at[didx.at[j]], ssems[b],
                                 add=True)
            pl.when(j % NBUF == b)(consume)

        if deg is not None:
            @pl.when(j >= 1)
            def _():
                pltpu.make_async_copy(ones_v, dacc.at[didx.at[j - 1]],
                                      dsem).wait()
            pltpu.async_copy(ones_v, dacc.at[didx.at[j]], dsem, add=True)
        return carry

    lax.fori_loop(0, nch, step, 0)
    for jj in range(nch - NBUF, nch):
        pltpu.make_async_copy(bufs[jj % NBUF], acc.at[didx.at[jj]],
                              ssems[jj % NBUF]).wait()
    if deg is not None:
        pltpu.make_async_copy(ones_v, dacc.at[didx.at[nch - 1]], dsem).wait()


def _make_sc_layer1(n_pad, rows_per_tile, nch2, hw):
    mesh = plsc.VectorSubcoreMesh(
        core_axis_name="c", subcore_axis_name="s",
        num_cores=NUM_CORES, num_subcores=NUM_SUBCORES)

    def body(tab0, tab1, srcr, dstr, zeros_w, zeros_d, ones_h, out, deg_out,
             sidx, didx, b0, b1, b2, b3, ones_v, acc, dacc,
             g0, g1, g2, g3, s0, s1, s2, s3, dsem):
        bufs = (b0, b1, b2, b3)
        gsems = (g0, g1, g2, g3)
        ssems = (s0, s1, s2, s3)
        c = lax.axis_index("c")
        s = lax.axis_index("s")
        row0 = s * rows_per_tile
        sl = pl.ds(row0, rows_per_tile)

        pltpu.sync_copy(zeros_w, acc.at[sl])
        pltpu.sync_copy(zeros_d, dacc.at[sl])
        pltpu.sync_copy(ones_h, ones_v)
        pltpu.sync_copy(srcr.at[s], sidx)
        pltpu.sync_copy(dstr.at[s], didx)
        plsc.subcore_barrier()

        deg = (ones_v, dacc, dsem)

        @pl.when(c == 0)
        def _():
            _gather_scatter_loop(tab0, sidx, didx, bufs, gsems, ssems, acc,
                                 nch2, deg)

        @pl.when(c == 1)
        def _():
            _gather_scatter_loop(tab1, sidx, didx, bufs, gsems, ssems, acc,
                                 nch2, deg)

        plsc.subcore_barrier()
        pltpu.sync_copy(acc.at[sl], out.at[c, sl])
        pltpu.sync_copy(dacc.at[sl], deg_out.at[c, sl])

    return pl.kernel(
        body,
        out_type=[
            jax.ShapeDtypeStruct((NUM_CORES, n_pad, hw), F32),
            jax.ShapeDtypeStruct((NUM_CORES, n_pad, DEGW), F32),
        ],
        mesh=mesh,
        compiler_params=_SC_PARAMS,
        scratch_types=(
            [pltpu.VMEM((nch2, K), jnp.int32)] * 2 +
            [pltpu.VMEM((K, hw), F32)] * NBUF +
            [pltpu.VMEM((K, DEGW), F32)] +
            [pltpu.VMEM_SHARED((n_pad, hw), F32),
             pltpu.VMEM_SHARED((n_pad, DEGW), F32)] +
            [pltpu.SemaphoreType.DMA] * (2 * NBUF + 1)))


def _make_sc_layer2(n_pad, rows_per_tile, nch, w):
    mesh = plsc.VectorSubcoreMesh(
        core_axis_name="c", subcore_axis_name="s",
        num_cores=NUM_CORES, num_subcores=NUM_SUBCORES)

    def body(tab, srcr, dstr, zeros_w, out, sidx, didx, b0, b1, b2, b3, acc,
             g0, g1, g2, g3, s0, s1, s2, s3):
        bufs = (b0, b1, b2, b3)
        gsems = (g0, g1, g2, g3)
        ssems = (s0, s1, s2, s3)
        c = lax.axis_index("c")
        s = lax.axis_index("s")
        wid = c * NUM_SUBCORES + s
        row0 = s * rows_per_tile
        sl = pl.ds(row0, rows_per_tile)

        pltpu.sync_copy(zeros_w, acc.at[sl])
        pltpu.sync_copy(srcr.at[wid], sidx)
        pltpu.sync_copy(dstr.at[wid], didx)
        plsc.subcore_barrier()

        _gather_scatter_loop(tab, sidx, didx, bufs, gsems, ssems, acc, nch)

        plsc.subcore_barrier()
        pltpu.sync_copy(acc.at[sl], out.at[c, sl])

    return pl.kernel(
        body,
        out_type=jax.ShapeDtypeStruct((NUM_CORES, n_pad, w), F32),
        mesh=mesh,
        compiler_params=_SC_PARAMS,
        scratch_types=(
            [pltpu.VMEM((nch, K), jnp.int32)] * 2 +
            [pltpu.VMEM((K, w), F32)] * NBUF +
            [pltpu.VMEM_SHARED((n_pad, w), F32)] +
            [pltpu.SemaphoreType.DMA] * (2 * NBUF)))



def _tc_lin(x, wl, wr, bl, bn):
    n, d = x.shape
    h = wl.shape[0]
    hh = h // 2
    dn = (((1,), (1,)), ((), ()))

    def body(x_ref, wl_ref, wr_ref, bl_ref, ya_ref, yb_ref, z_ref):
        xb = x_ref[...]
        y = lax.dot_general(xb, wl_ref[...], dn, preferred_element_type=F32)
        ya_ref[...] = y[:, :hh]
        yb_ref[...] = y[:, hh:]
        z_ref[...] = lax.dot_general(xb, wr_ref[...], dn,
                                     preferred_element_type=F32) + bl_ref[...]

    grid = (n // bn,)
    hw = hh
    return pl.pallas_call(
        body,
        grid=grid,
        in_specs=[
            pl.BlockSpec((bn, d), lambda i: (i, 0)),
            pl.BlockSpec((h, d), lambda i: (0, 0)),
            pl.BlockSpec((h, d), lambda i: (0, 0)),
            pl.BlockSpec((1, h), lambda i: (0, 0)),
        ],
        out_specs=[
            pl.BlockSpec((bn, hw), lambda i: (i, 0)),
            pl.BlockSpec((bn, hw), lambda i: (i, 0)),
            pl.BlockSpec((bn, h), lambda i: (i, 0)),
        ],
        out_shape=[
            jax.ShapeDtypeStruct((n, hw), F32),
            jax.ShapeDtypeStruct((n, hw), F32),
            jax.ShapeDtypeStruct((n, h), F32),
        ],
    )(x, wl, wr, bl)


def _tc_combine_stats(agg, degs, z1, bn):
    n, h = z1.shape
    hw = agg.shape[2]

    def body(a_ref, d_ref, z_ref, h_ref, st_ref, dg_ref):
        i = pl.program_id(0)
        a = jnp.concatenate([a_ref[0], a_ref[1]], axis=1)
        dg = d_ref[0][:, 0:1]
        hp = a / jnp.maximum(dg, 1.0) + z_ref[...]
        h_ref[...] = hp
        dg_ref[...] = dg
        s1 = jnp.sum(hp, axis=0, keepdims=True)
        s2 = jnp.sum(hp * hp, axis=0, keepdims=True)

        @pl.when(i == 0)
        def _():
            st_ref[...] = jnp.zeros_like(st_ref)

        st_ref[...] += jnp.concatenate([s1, s2], axis=0)

    grid = (n // bn,)
    return pl.pallas_call(
        body,
        grid=grid,
        in_specs=[
            pl.BlockSpec((2, bn, hw), lambda i: (0, i, 0)),
            pl.BlockSpec((1, bn, DEGW), lambda i: (0, i, 0)),
            pl.BlockSpec((bn, h), lambda i: (i, 0)),
        ],
        out_specs=[
            pl.BlockSpec((bn, h), lambda i: (i, 0)),
            pl.BlockSpec((2, h), lambda i: (0, 0)),
            pl.BlockSpec((bn, 1), lambda i: (i, 0)),
        ],
        out_shape=[
            jax.ShapeDtypeStruct((n, h), F32),
            jax.ShapeDtypeStruct((2, h), F32),
            jax.ShapeDtypeStruct((n, 1), F32),
        ],
    )(agg, degs, z1)


def _tc_bn_lin(hpre, stats, gamma, beta, wl2, wr2, bl2, bn):
    n, h = hpre.shape
    c = wl2.shape[0]
    dn = (((1,), (1,)), ((), ()))
    inv_n = 1.0 / n

    def body(h_ref, st_ref, g_ref, b_ref, wl_ref, wr_ref, bl_ref,
             y_ref, z_ref):
        mu = st_ref[0:1] * inv_n
        var = st_ref[1:2] * inv_n - mu * mu
        scale = g_ref[...] * lax.rsqrt(var + 1e-5)
        shift = b_ref[...] - mu * scale
        hn = jnp.maximum(h_ref[...] * scale + shift, 0.0)
        y_ref[...] = lax.dot_general(hn, wl_ref[...], dn,
                                     preferred_element_type=F32)
        z_ref[...] = lax.dot_general(hn, wr_ref[...], dn,
                                     preferred_element_type=F32) + bl_ref[...]

    grid = (n // bn,)
    return pl.pallas_call(
        body,
        grid=grid,
        in_specs=[
            pl.BlockSpec((bn, h), lambda i: (i, 0)),
            pl.BlockSpec((2, h), lambda i: (0, 0)),
            pl.BlockSpec((1, h), lambda i: (0, 0)),
            pl.BlockSpec((1, h), lambda i: (0, 0)),
            pl.BlockSpec((c, h), lambda i: (0, 0)),
            pl.BlockSpec((c, h), lambda i: (0, 0)),
            pl.BlockSpec((1, c), lambda i: (0, 0)),
        ],
        out_specs=[
            pl.BlockSpec((bn, c), lambda i: (i, 0)),
            pl.BlockSpec((bn, c), lambda i: (i, 0)),
        ],
        out_shape=[
            jax.ShapeDtypeStruct((n, c), F32),
            jax.ShapeDtypeStruct((n, c), F32),
        ],
    )(hpre, stats, gamma, beta, wl2, wr2, bl2)


def _tc_final(agg, deg, z2, bn):
    n, c = z2.shape

    def body(a_ref, d_ref, z_ref, o_ref):
        a = a_ref[0] + a_ref[1]
        o_ref[...] = a / jnp.maximum(d_ref[...], 1.0) + z_ref[...]

    grid = (n // bn,)
    return pl.pallas_call(
        body,
        grid=grid,
        in_specs=[
            pl.BlockSpec((2, bn, c), lambda i: (0, i, 0)),
            pl.BlockSpec((bn, 1), lambda i: (i, 0)),
            pl.BlockSpec((bn, c), lambda i: (i, 0)),
        ],
        out_specs=pl.BlockSpec((bn, c), lambda i: (i, 0)),
        out_shape=jax.ShapeDtypeStruct((n, c), F32),
    )(agg, deg, z2)



def kernel(x, edge_index, Wl1, bl1, Wr1, gamma, beta, Wl2, bl2, Wr2):
    n, d = x.shape
    e = edge_index.shape[1]
    h = Wl1.shape[0]
    c = Wl2.shape[0]

    nch = -(-e // (NW * K))
    nch2 = 2 * nch
    e_pad = NW * K * nch
    rows_per_tile = -(-(n + 1) // (NUM_SUBCORES * 8)) * 8
    n_pad = NUM_SUBCORES * rows_per_tile

    src = edge_index[0]
    dst = edge_index[1]
    pad = e_pad - e
    if pad:
        src = jnp.concatenate([src, jnp.zeros((pad,), jnp.int32)])
        dst = jnp.concatenate([dst, jnp.full((pad,), n, jnp.int32)])
    srcr16 = src.reshape(NUM_SUBCORES, nch2, K)
    dstr16 = dst.reshape(NUM_SUBCORES, nch2, K)
    srcr32 = src.reshape(NW, nch, K)
    dstr32 = dst.reshape(NW, nch, K)

    hw = h // 2
    zeros_hw = jnp.zeros((rows_per_tile, hw), F32)
    zeros_dg = jnp.zeros((rows_per_tile, DEGW), F32)
    zeros_c = jnp.zeros((rows_per_tile, c), F32)
    ones_kd = jnp.ones((K, DEGW), F32)

    bn = 1000 if n % 1000 == 0 else 8 * (n // 8)

    y1a, y1b, z1 = _tc_lin(x, Wl1, Wr1, bl1.reshape(1, h), bn)
    seg1 = _make_sc_layer1(n_pad, rows_per_tile, nch2, hw)
    agg1, degs = seg1(y1a, y1b, srcr16, dstr16, zeros_hw, zeros_dg, ones_kd)

    hpre, stats, deg = _tc_combine_stats(agg1, degs, z1, bn)
    y2, z2 = _tc_bn_lin(hpre, stats, gamma.reshape(1, h), beta.reshape(1, h),
                        Wl2, Wr2, bl2.reshape(1, c), bn)

    seg2 = _make_sc_layer2(n_pad, rows_per_tile, nch, c)
    agg2 = seg2(y2, srcr32, dstr32, zeros_c)
    out = _tc_final(agg2, deg, z2, bn)
    return out

# --- scband reference (transcript-rebuilt; emitter-appended) ---
"""Pipeline reference for scband-graph-sage-78176994721838 (READ-ONLY COPY).

The authoritative reference and input builder live on the scoring server;
editing this copy changes nothing except your own understanding.
"""

import jax, jax.numpy as jnp
import numpy as np

N = 10000
E = 320000
D = 128
H = 128
C = 40


def setup_inputs(seed: int = 0) -> dict:
    key = jax.random.key(seed)
    ks = jax.random.split(key, 12)
    x = jax.random.normal(ks[0], (N, D), dtype=jnp.float32)
    edge_index = jax.random.randint(ks[1], (2, E), 0, N, dtype=jnp.int32)
    s1 = 1.0 / np.sqrt(D)
    s2 = 1.0 / np.sqrt(H)
    Wl1 = jax.random.uniform(ks[2], (H, D), jnp.float32, -s1, s1)
    bl1 = jax.random.uniform(ks[3], (H,), jnp.float32, -s1, s1)
    Wr1 = jax.random.uniform(ks[4], (H, D), jnp.float32, -s1, s1)
    gamma = jnp.ones((H,), jnp.float32)
    beta = jnp.zeros((H,), jnp.float32)
    Wl2 = jax.random.uniform(ks[5], (C, H), jnp.float32, -s2, s2)
    bl2 = jax.random.uniform(ks[6], (C,), jnp.float32, -s2, s2)
    Wr2 = jax.random.uniform(ks[7], (C, H), jnp.float32, -s2, s2)
    return {"x": x, "edge_index": edge_index, "Wl1": Wl1, "bl1": bl1, "Wr1": Wr1,
            "gamma": gamma, "beta": beta, "Wl2": Wl2, "bl2": bl2, "Wr2": Wr2}


def _sage_conv(x, src, dst, Wl, bl, Wr, n_nodes):
    # PyG SAGEConv (aggr='mean'): out = lin_l(mean_j x_j) + lin_r(x_i)
    msg = jnp.take(x, src, axis=0)                      # gather over edges
    agg = jax.ops.segment_sum(msg, dst, num_segments=n_nodes)
    deg = jax.ops.segment_sum(jnp.ones((src.shape[0],), jnp.float32), dst, num_segments=n_nodes)
    agg = agg / jnp.clip(deg, 1.0, None)[:, None]
    return agg @ Wl.T + bl + x @ Wr.T


def reference(x, edge_index, Wl1, bl1, Wr1, gamma, beta, Wl2, bl2, Wr2):
    src = edge_index[0]
    dst = edge_index[1]
    h = _sage_conv(x, src, dst, Wl1, bl1, Wr1, N)
    # BatchNorm1d (batch statistics, biased variance)
    mu = jnp.mean(h, axis=0)
    var = jnp.mean((h - mu) ** 2, axis=0)
    h = (h - mu) / jnp.sqrt(var + 1e-5) * gamma + beta
    h = jax.nn.relu(h)
    # dropout omitted (deterministic reference)
    out = _sage_conv(h, src, dst, Wl2, bl2, Wr2, N)
    return out

if __name__ == "__main__":
    import jax
    _d = setup_inputs()
    print(jax.jit(kernel)(*tuple(_d.values())))

</pallas_src>

<mosaic_0001>
#map = affine_map<(d0, d1) -> (0, 0)>
#map1 = affine_map<(d0, d1) -> (0, 0, 0)>
module attributes {stable_mosaic.version = 14 : i64} {
  func.func @body(%arg0: i32, %arg1: i32, %arg2: memref<10000x64xf32, #tpu.memory_space<hbm>>, %arg3: memref<10000x64xf32, #tpu.memory_space<hbm>>, %arg4: memref<16x158x128xi32, #tpu.memory_space<hbm>>, %arg5: memref<16x158x128xi32, #tpu.memory_space<hbm>>, %arg6: memref<632x64xf32, #tpu.memory_space<hbm>>, %arg7: memref<632x8xf32, #tpu.memory_space<hbm>>, %arg8: memref<128x8xf32, #tpu.memory_space<hbm>>, %arg9: memref<2x10112x64xf32, #tpu.memory_space<hbm>>, %arg10: memref<2x10112x8xf32, #tpu.memory_space<hbm>>, %arg11: memref<158x128xi32, #tpu.memory_space<vmem>>, %arg12: memref<158x128xi32, #tpu.memory_space<vmem>>, %arg13: memref<128x64xf32, #tpu.memory_space<vmem>>, %arg14: memref<128x64xf32, #tpu.memory_space<vmem>>, %arg15: memref<128x64xf32, #tpu.memory_space<vmem>>, %arg16: memref<128x64xf32, #tpu.memory_space<vmem>>, %arg17: memref<128x8xf32, #tpu.memory_space<vmem>>, %arg18: memref<10112x64xf32, #tpu.memory_space<vmem_shared>>, %arg19: memref<10112x8xf32, #tpu.memory_space<vmem_shared>>, %arg20: memref<!tpu.dma_semaphore, #tpu.memory_space<semaphore_mem>>, %arg21: memref<!tpu.dma_semaphore, #tpu.memory_space<semaphore_mem>>, %arg22: memref<!tpu.dma_semaphore, #tpu.memory_space<semaphore_mem>>, %arg23: memref<!tpu.dma_semaphore, #tpu.memory_space<semaphore_mem>>, %arg24: memref<!tpu.dma_semaphore, #tpu.memory_space<semaphore_mem>>, %arg25: memref<!tpu.dma_semaphore, #tpu.memory_space<semaphore_mem>>, %arg26: memref<!tpu.dma_semaphore, #tpu.memory_space<semaphore_mem>>, %arg27: memref<!tpu.dma_semaphore, #tpu.memory_space<semaphore_mem>>, %arg28: memref<!tpu.dma_semaphore, #tpu.memory_space<semaphore_mem>>) attributes {dimension_semantics = [#tpu.dimension_semantics<core_parallel>, #tpu.dimension_semantics<subcore_parallel>], iteration_bounds = array<i64: 2, 16>, scalar_prefetch = 0 : i64, scratch_operands = 18 : i64, tpu.core_type = #tpu.core_type<sc_vector_subcore>, window_params = [{transform_indices = #map}, {transform_indices = #map}, {transform_indices = #map1}, {transform_indices = #map1}, {transform_indices = #map}, {transform_indices = #map}, {transform_indices = #map}, {transform_indices = #map1}, {transform_indices = #map1}]} {
    %mul3A = arith.constant 632 : i32
    %mul3A_0 = arith.muli %arg1, %mul3A : i32
    "tpu.region"() ({
      %run_scoped3A = tpu.sem_alloc : memref<!tpu.dma_semaphore, #tpu.memory_space<semaphore_mem>>
      %dma_start3A = arith.constant 0 : i32
      %dma_start3A_9 = tpu.memref_slice %arg18[%mul3A_0, %dma_start3A] : memref<10112x64xf32, #tpu.memory_space<vmem_shared>> -> memref<632x64xf32, #tpu.memory_space<vmem_shared>>
      tpu.enqueue_dma source(%arg6 : memref<632x64xf32, #tpu.memory_space<hbm>>) target(%dma_start3A_9 : memref<632x64xf32, #tpu.memory_space<vmem_shared>>) target_semaphore(%run_scoped3A : memref<!tpu.dma_semaphore, #tpu.memory_space<semaphore_mem>>)
      %dma_wait3A = arith.constant 0 : i32
      %dma_wait3A_10 = tpu.memref_slice %arg18[%mul3A_0, %dma_wait3A] : memref<10112x64xf32, #tpu.memory_space<vmem_shared>> -> memref<632x64xf32, #tpu.memory_space<vmem_shared>>
      tpu.wait_dma2 semaphore(%run_scoped3A : memref<!tpu.dma_semaphore, #tpu.memory_space<semaphore_mem>>) src(%arg6 : memref<632x64xf32, #tpu.memory_space<hbm>>) dst(%dma_wait3A_10 : memref<632x64xf32, #tpu.memory_space<vmem_shared>>)
      tpu.yield
    }) : () -> ()
    "tpu.region"() ({
      %run_scoped3A = tpu.sem_alloc : memref<!tpu.dma_semaphore, #tpu.memory_space<semaphore_mem>>
      %dma_start3A = arith.constant 0 : i32
      %dma_start3A_9 = tpu.memref_slice %arg19[%mul3A_0, %dma_start3A] : memref<10112x8xf32, #tpu.memory_space<vmem_shared>> -> memref<632x8xf32, #tpu.memory_space<vmem_shared>>
      tpu.enqueue_dma source(%arg7 : memref<632x8xf32, #tpu.memory_space<hbm>>) target(%dma_start3A_9 : memref<632x8xf32, #tpu.memory_space<vmem_shared>>) target_semaphore(%run_scoped3A : memref<!tpu.dma_semaphore, #tpu.memory_space<semaphore_mem>>)
      %dma_wait3A = arith.constant 0 : i32
      %dma_wait3A_10 = tpu.memref_slice %arg19[%mul3A_0, %dma_wait3A] : memref<10112x8xf32, #tpu.memory_space<vmem_shared>> -> memref<632x8xf32, #tpu.memory_space<vmem_shared>>
      tpu.wait_dma2 semaphore(%run_scoped3A : memref<!tpu.dma_semaphore, #tpu.memory_space<semaphore_mem>>) src(%arg7 : memref<632x8xf32, #tpu.memory_space<hbm>>) dst(%dma_wait3A_10 : memref<632x8xf32, #tpu.memory_space<vmem_shared>>)
      tpu.yield
    }) : () -> ()
    "tpu.region"() ({
      %run_scoped3A = tpu.sem_alloc : memref<!tpu.dma_semaphore, #tpu.memory_space<semaphore_mem>>
      tpu.enqueue_dma source(%arg8 : memref<128x8xf32, #tpu.memory_space<hbm>>) target(%arg17 : memref<128x8xf32, #tpu.memory_space<vmem>>) target_semaphore(%run_scoped3A : memref<!tpu.dma_semaphore, #tpu.memory_space<semaphore_mem>>)
      tpu.wait_dma2 semaphore(%run_scoped3A : memref<!tpu.dma_semaphore, #tpu.memory_space<semaphore_mem>>) src(%arg8 : memref<128x8xf32, #tpu.memory_space<hbm>>) dst(%arg17 : memref<128x8xf32, #tpu.memory_space<vmem>>)
      tpu.yield
    }) : () -> ()
    "tpu.region"() ({
      %run_scoped3A = tpu.sem_alloc : memref<!tpu.dma_semaphore, #tpu.memory_space<semaphore_mem>>
      %dma_start3A = arith.constant 0 : i32
      %dma_start3A_9 = arith.constant 0 : i32
      %dma_start3A_10 = tpu.memref_slice %arg4[%arg1, %dma_start3A, %dma_start3A_9] : memref<16x158x128xi32, #tpu.memory_space<hbm>> -> memref<1x158x128xi32, #tpu.memory_space<hbm>>
      %dma_start3A_11 = tpu.memref_squeeze %dma_start3A_10 : memref<1x158x128xi32, #tpu.memory_space<hbm>> -> memref<158x128xi32, #tpu.memory_space<hbm>>
      %dma_start3A_12 = arith.constant 0 : i32
      %dma_start3A_13 = arith.constant 0 : i32
      %dma_start3A_14 = tpu.memref_slice %arg4[%arg1, %dma_start3A_12, %dma_start3A_13] : memref<16x158x128xi32, #tpu.memory_space<hbm>> -> memref<1x158x128xi32, #tpu.memory_space<hbm>>
      %dma_start3A_15 = tpu.memref_squeeze %dma_start3A_14 : memref<1x158x128xi32, #tpu.memory_space<hbm>> -> memref<158x128xi32, #tpu.memory_space<hbm>>
      tpu.enqueue_dma source(%dma_start3A_15 : memref<158x128xi32, #tpu.memory_space<hbm>>) target(%arg11 : memref<158x128xi32, #tpu.memory_space<vmem>>) target_semaphore(%run_scoped3A : memref<!tpu.dma_semaphore, #tpu.memory_space<semaphore_mem>>)
      %dma_wait3A = arith.constant 0 : i32
      %dma_wait3A_16 = arith.constant 0 : i32
      %dma_wait3A_17 = tpu.memref_slice %arg4[%arg1, %dma_wait3A, %dma_wait3A_16] : memref<16x158x128xi32, #tpu.memory_space<hbm>> -> memref<1x158x128xi32, #tpu.memory_space<hbm>>
      %dma_wait3A_18 = tpu.memref_squeeze %dma_wait3A_17 : memref<1x158x128xi32, #tpu.memory_space<hbm>> -> memref<158x128xi32, #tpu.memory_space<hbm>>
      %dma_wait3A_19 = arith.constant 0 : i32
      %dma_wait3A_20 = arith.constant 0 : i32
      %dma_wait3A_21 = tpu.memref_slice %arg4[%arg1, %dma_wait3A_19, %dma_wait3A_20] : memref<16x158x128xi32, #tpu.memory_space<hbm>> -> memref<1x158x128xi32, #tpu.memory_space<hbm>>
      %dma_wait3A_22 = tpu.memref_squeeze %dma_wait3A_21 : memref<1x158x128xi32, #tpu.memory_space<hbm>> -> memref<158x128xi32, #tpu.memory_space<hbm>>
      tpu.wait_dma2 semaphore(%run_scoped3A : memref<!tpu.dma_semaphore, #tpu.memory_space<semaphore_mem>>) src(%dma_wait3A_22 : memref<158x128xi32, #tpu.memory_space<hbm>>) dst(%arg11 : memref<158x128xi32, #tpu.memory_space<vmem>>)
      tpu.yield
    }) : () -> ()
    "tpu.region"() ({
      %run_scoped3A = tpu.sem_alloc : memref<!tpu.dma_semaphore, #tpu.memory_space<semaphore_mem>>
      %dma_start3A = arith.constant 0 : i32
      %dma_start3A_9 = arith.constant 0 : i32
      %dma_start3A_10 = tpu.memref_slice %arg5[%arg1, %dma_start3A, %dma_start3A_9] : memref<16x158x128xi32, #tpu.memory_space<hbm>> -> memref<1x158x128xi32, #tpu.memory_space<hbm>>
      %dma_start3A_11 = tpu.memref_squeeze %dma_start3A_10 : memref<1x158x128xi32, #tpu.memory_space<hbm>> -> memref<158x128xi32, #tpu.memory_space<hbm>>
      %dma_start3A_12 = arith.constant 0 : i32
      %dma_start3A_13 = arith.constant 0 : i32
      %dma_start3A_14 = tpu.memref_slice %arg5[%arg1, %dma_start3A_12, %dma_start3A_13] : memref<16x158x128xi32, #tpu.memory_space<hbm>> -> memref<1x158x128xi32, #tpu.memory_space<hbm>>
      %dma_start3A_15 = tpu.memref_squeeze %dma_start3A_14 : memref<1x158x128xi32, #tpu.memory_space<hbm>> -> memref<158x128xi32, #tpu.memory_space<hbm>>
      tpu.enqueue_dma source(%dma_start3A_15 : memref<158x128xi32, #tpu.memory_space<hbm>>) target(%arg12 : memref<158x128xi32, #tpu.memory_space<vmem>>) target_semaphore(%run_scoped3A : memref<!tpu.dma_semaphore, #tpu.memory_space<semaphore_mem>>)
      %dma_wait3A = arith.constant 0 : i32
      %dma_wait3A_16 = arith.constant 0 : i32
      %dma_wait3A_17 = tpu.memref_slice %arg5[%arg1, %dma_wait3A, %dma_wait3A_16] : memref<16x158x128xi32, #tpu.memory_space<hbm>> -> memref<1x158x128xi32, #tpu.memory_space<hbm>>
      %dma_wait3A_18 = tpu.memref_squeeze %dma_wait3A_17 : memref<1x158x128xi32, #tpu.memory_space<hbm>> -> memref<158x128xi32, #tpu.memory_space<hbm>>
      %dma_wait3A_19 = arith.constant 0 : i32
      %dma_wait3A_20 = arith.constant 0 : i32
      %dma_wait3A_21 = tpu.memref_slice %arg5[%arg1, %dma_wait3A_19, %dma_wait3A_20] : memref<16x158x128xi32, #tpu.memory_space<hbm>> -> memref<1x158x128xi32, #tpu.memory_space<hbm>>
      %dma_wait3A_22 = tpu.memref_squeeze %dma_wait3A_21 : memref<1x158x128xi32, #tpu.memory_space<hbm>> -> memref<158x128xi32, #tpu.memory_space<hbm>>
      tpu.wait_dma2 semaphore(%run_scoped3A : memref<!tpu.dma_semaphore, #tpu.memory_space<semaphore_mem>>) src(%dma_wait3A_22 : memref<158x128xi32, #tpu.memory_space<hbm>>) dst(%arg12 : memref<158x128xi32, #tpu.memory_space<vmem>>)
      tpu.yield
    }) : () -> ()
    %barrier3A = arith.constant 0 : index
    tpu.barrier barrier_id(%barrier3A)
    %eq3A = arith.constant 0 : i32
    %eq3A_1 = arith.cmpi eq, %arg0, %eq3A : i32
    %convert_element_type3A = arith.extui %eq3A_1 : i1 to i32
    %cond3A = arith.constant 0 : i32
    %cond3A_2 = arith.cmpi ne, %convert_element_type3A, %cond3A : i32
    scf.if %cond3A_2 {
      %dma_start3A = arith.constant 0 : i32
      %dma_start3A_9 = arith.constant 0 : i32
      %dma_start3A_10 = tpu.memref_slice %arg11[%dma_start3A, %dma_start3A_9] : memref<158x128xi32, #tpu.memory_space<vmem>> -> memref<1x128xi32, #tpu.memory_space<vmem>>
      %dma_start3A_11 = tpu.memref_squeeze %dma_start3A_10 : memref<1x128xi32, #tpu.memory_space<vmem>> -> memref<128xi32, #tpu.memory_space<vmem>>
      %dma_start3A_12 = arith.constant 0 : i32
      %dma_start3A_13 = arith.constant 0 : i32
      %dma_start3A_14 = tpu.memref_slice %arg2[%dma_start3A_12, %dma_start3A_13] : memref<10000x64xf32, #tpu.memory_space<hbm>> -> memref<10000x64xf32, #tpu.memory_space<hbm>>
      tpu.enqueue_indirect_dma source(%dma_start3A_14 : memref<10000x64xf32, #tpu.memory_space<hbm>>) target(%arg13 : memref<128x64xf32, #tpu.memory_space<vmem>>) offsets(%dma_start3A_11 : memref<128xi32, #tpu.memory_space<vmem>>) semaphore(%arg20 : memref<!tpu.dma_semaphore, #tpu.memory_space<semaphore_mem>>)
      %dma_start3A_15 = arith.constant 1 : i32
      %dma_start3A_16 = arith.constant 0 : i32
      %dma_start3A_17 = tpu.memref_slice %arg11[%dma_start3A_15, %dma_start3A_16] : memref<158x128xi32, #tpu.memory_space<vmem>> -> memref<1x128xi32, #tpu.memory_space<vmem>>
      %dma_start3A_18 = tpu.memref_squeeze %dma_start3A_17 : memref<1x128xi32, #tpu.memory_space<vmem>> -> memref<128xi32, #tpu.memory_space<vmem>>
      %dma_start3A_19 = arith.constant 0 : i32
      %dma_start3A_20 = arith.constant 0 : i32
      %dma_start3A_21 = tpu.memref_slice %arg2[%dma_start3A_19, %dma_start3A_20] : memref<10000x64xf32, #tpu.memory_space<hbm>> -> memref<10000x64xf32, #tpu.memory_space<hbm>>
      tpu.enqueue_indirect_dma source(%dma_start3A_21 : memref<10000x64xf32, #tpu.memory_space<hbm>>) target(%arg14 : memref<128x64xf32, #tpu.memory_space<vmem>>) offsets(%dma_start3A_18 : memref<128xi32, #tpu.memory_space<vmem>>) semaphore(%arg21 : memref<!tpu.dma_semaphore, #tpu.memory_space<semaphore_mem>>)
      %scan3A = arith.constant 0 : i32
      %scan3A_22 = arith.constant 0 : i32
      %scan3A_23 = arith.constant 158 : i32
      %scan3A_24 = arith.addi %scan3A_22, %scan3A_23 : i32
      %scan3A_25 = arith.constant 1 : i32
      scf.for %scan3A_61 = %scan3A_22 to %scan3A_24 step %scan3A_25  : i32 {
        %add3A = arith.constant 2 : i32
        %add3A_62 = arith.addi %scan3A_61, %add3A : i32
        %lt3A = arith.constant 158 : i32
        %lt3A_63 = arith.cmpi slt, %add3A_62, %lt3A : i32
        %convert_element_type3A_64 = arith.extui %lt3A_63 : i1 to i32
        %cond3A_65 = arith.constant 0 : i32
        %cond3A_66 = arith.cmpi ne, %convert_element_type3A_64, %cond3A_65 : i32
        scf.if %cond3A_66 {
          %add3A_156 = arith.constant 2 : i32
          %add3A_157 = arith.addi %scan3A_61, %add3A_156 : i32
          %jit3A_158 = arith.constant 4 : i32
          %eq3A_159 = arith.constant 0 : i32
          %eq3A_160 = arith.cmpi eq, %jit3A_158, %eq3A_159 : i32
          %jit3A_161 = arith.constant 1 : i32
          %select_n3A_162 = arith.select %eq3A_160, %jit3A_161, %jit3A_158 : i32
          %rem3A_163 = arith.remsi %add3A_157, %select_n3A_162 : i32
          %ne3A_164 = arith.constant 0 : i32
          %ne3A_165 = arith.cmpi ne, %rem3A_163, %ne3A_164 : i32
          %lt3A_166 = arith.constant 0 : i32
          %lt3A_167 = arith.cmpi slt, %rem3A_163, %lt3A_166 : i32
          %lt3A_168 = arith.constant 0 : i32
          %lt3A_169 = arith.cmpi slt, %select_n3A_162, %lt3A_168 : i32
          %ne3A_170 = arith.xori %lt3A_167, %lt3A_169 : i1
          %and3A_171 = arith.andi %ne3A_170, %ne3A_165 : i1
          %add3A_172 = arith.addi %rem3A_163, %select_n3A_162 : i32
          %select_n3A_173 = arith.select %and3A_171, %add3A_172, %rem3A_163 : i32
          %eq3A_174 = arith.constant 0 : i32
          %eq3A_175 = arith.cmpi eq, %select_n3A_173, %eq3A_174 : i32
          %convert_element_type3A_176 = arith.extui %eq3A_175 : i1 to i32
          %cond3A_177 = arith.constant 0 : i32
          %cond3A_178 = arith.cmpi ne, %convert_element_type3A_176, %cond3A_177 : i32
          scf.if %cond3A_178 {
            %ge3A_248 = arith.constant 2 : i32
            %ge3A_249 = arith.cmpi sge, %scan3A_61, %ge3A_248 : i32
            %convert_element_type3A_250 = arith.extui %ge3A_249 : i1 to i32
            %cond3A_251 = arith.constant 0 : i32
            %cond3A_252 = arith.cmpi ne, %convert_element_type3A_250, %cond3A_251 : i32
            scf.if %cond3A_252 {
              %sub3A = arith.constant 2 : i32
              %sub3A_261 = arith.subi %scan3A_61, %sub3A : i32
              %dma_wait3A_262 = arith.constant 0 : i32
              %dma_wait3A_263 = tpu.memref_slice %arg12[%sub3A_261, %dma_wait3A_262] : memref<158x128xi32, #tpu.memory_space<vmem>> -> memref<1x128xi32, #tpu.memory_space<vmem>>
              %dma_wait3A_264 = tpu.memref_squeeze %dma_wait3A_263 : memref<1x128xi32, #tpu.memory_space<vmem>> -> memref<128xi32, #tpu.memory_space<vmem>>
              %dma_wait3A_265 = arith.constant 0 : i32
              %dma_wait3A_266 = arith.constant 0 : i32
              %dma_wait3A_267 = tpu.memref_slice %arg18[%dma_wait3A_265, %dma_wait3A_266] : memref<10112x64xf32, #tpu.memory_space<vmem_shared>> -> memref<10112x64xf32, #tpu.memory_space<vmem_shared>>
              tpu.wait_indirect_dma semaphore(%arg24 : memref<!tpu.dma_semaphore, #tpu.memory_space<semaphore_mem>>) src(%arg13 : memref<128x64xf32, #tpu.memory_space<vmem>>) dst(%dma_wait3A_267 : memref<10112x64xf32, #tpu.memory_space<vmem_shared>>)
            } else {
            }
            %add3A_253 = arith.constant 2 : i32
            %add3A_254 = arith.addi %scan3A_61, %add3A_253 : i32
            %dma_start3A_255 = arith.constant 0 : i32
            %dma_start3A_256 = tpu.memref_slice %arg11[%add3A_254, %dma_start3A_255] : memref<158x128xi32, #tpu.memory_space<vmem>> -> memref<1x128xi32, #tpu.memory_space<vmem>>
            %dma_start3A_257 = tpu.memref_squeeze %dma_start3A_256 : memref<1x128xi32, #tpu.memory_space<vmem>> -> memref<128xi32, #tpu.memory_space<vmem>>
            %dma_start3A_258 = arith.constant 0 : i32
            %dma_start3A_259 = arith.constant 0 : i32
            %dma_start3A_260 = tpu.memref_slice %arg2[%dma_start3A_258, %dma_start3A_259] : memref<10000x64xf32, #tpu.memory_space<hbm>> -> memref<10000x64xf32, #tpu.memory_space<hbm>>
            tpu.enqueue_indirect_dma source(%dma_start3A_260 : memref<10000x64xf32, #tpu.memory_space<hbm>>) target(%arg13 : memref<128x64xf32, #tpu.memory_space<vmem>>) offsets(%dma_start3A_257 : memref<128xi32, #tpu.memory_space<vmem>>) semaphore(%arg20 : memref<!tpu.dma_semaphore, #tpu.memory_space<semaphore_mem>>)
          } else {
          }
          %add3A_179 = arith.constant 2 : i32
          %add3A_180 = arith.addi %scan3A_61, %add3A_179 : i32
          %jit3A_181 = arith.constant 4 : i32
          %eq3A_182 = arith.constant 0 : i32
          %eq3A_183 = arith.cmpi eq, %jit3A_181, %eq3A_182 : i32
          %jit3A_184 = arith.constant 1 : i32
          %select_n3A_185 = arith.select %eq3A_183, %jit3A_184, %jit3A_181 : i32
          %rem3A_186 = arith.remsi %add3A_180, %select_n3A_185 : i32
          %ne3A_187 = arith.constant 0 : i32
          %ne3A_188 = arith.cmpi ne, %rem3A_186, %ne3A_187 : i32
          %lt3A_189 = arith.constant 0 : i32
          %lt3A_190 = arith.cmpi slt, %rem3A_186, %lt3A_189 : i32
          %lt3A_191 = arith.constant 0 : i32
          %lt3A_192 = arith.cmpi slt, %select_n3A_185, %lt3A_191 : i32
          %ne3A_193 = arith.xori %lt3A_190, %lt3A_192 : i1
          %and3A_194 = arith.andi %ne3A_193, %ne3A_188 : i1
          %add3A_195 = arith.addi %rem3A_186, %select_n3A_185 : i32
          %select_n3A_196 = arith.select %and3A_194, %add3A_195, %rem3A_186 : i32
          %eq3A_197 = arith.constant 1 : i32
          %eq3A_198 = arith.cmpi eq, %select_n3A_196, %eq3A_197 : i32
          %convert_element_type3A_199 = arith.extui %eq3A_198 : i1 to i32
          %cond3A_200 = arith.constant 0 : i32
          %cond3A_201 = arith.cmpi ne, %convert_element_type3A_199, %cond3A_200 : i32
          scf.if %cond3A_201 {
            %ge3A_248 = arith.constant 2 : i32
            %ge3A_249 = arith.cmpi sge, %scan3A_61, %ge3A_248 : i32
            %convert_element_type3A_250 = arith.extui %ge3A_249 : i1 to i32
            %cond3A_251 = arith.constant 0 : i32
            %cond3A_252 = arith.cmpi ne, %convert_element_type3A_250, %cond3A_251 : i32
            scf.if %cond3A_252 {
              %sub3A = arith.constant 2 : i32
              %sub3A_261 = arith.subi %scan3A_61, %sub3A : i32
              %dma_wait3A_262 = arith.constant 0 : i32
              %dma_wait3A_263 = tpu.memref_slice %arg12[%sub3A_261, %dma_wait3A_262] : memref<158x128xi32, #tpu.memory_space<vmem>> -> memref<1x128xi32, #tpu.memory_space<vmem>>
              %dma_wait3A_264 = tpu.memref_squeeze %dma_wait3A_263 : memref<1x128xi32, #tpu.memory_space<vmem>> -> memref<128xi32, #tpu.memory_space<vmem>>
              %dma_wait3A_265 = arith.constant 0 : i32
              %dma_wait3A_266 = arith.constant 0 : i32
              %dma_wait3A_267 = tpu.memref_slice %arg18[%dma_wait3A_265, %dma_wait3A_266] : memref<10112x64xf32, #tpu.memory_space<vmem_shared>> -> memref<10112x64xf32, #tpu.memory_space<vmem_shared>>
              tpu.wait_indirect_dma semaphore(%arg25 : memref<!tpu.dma_semaphore, #tpu.memory_space<semaphore_mem>>) src(%arg14 : memref<128x64xf32, #tpu.memory_space<vmem>>) dst(%dma_wait3A_267 : memref<10112x64xf32, #tpu.memory_space<vmem_shared>>)
            } else {
            }
            %add3A_253 = arith.constant 2 : i32
            %add3A_254 = arith.addi %scan3A_61, %add3A_253 : i32
            %dma_start3A_255 = arith.constant 0 : i32
            %dma_start3A_256 = tpu.memref_slice %arg11[%add3A_254, %dma_start3A_255] : memref<158x128xi32, #tpu.memory_space<vmem>> -> memref<1x128xi32, #tpu.memory_space<vmem>>
            %dma_start3A_257 = tpu.memref_squeeze %dma_start3A_256 : memref<1x128xi32, #tpu.memory_space<vmem>> -> memref<128xi32, #tpu.memory_space<vmem>>
            %dma_start3A_258 = arith.constant 0 : i32
            %dma_start3A_259 = arith.constant 0 : i32
            %dma_start3A_260 = tpu.memref_slice %arg2[%dma_start3A_258, %dma_start3A_259] : memref<10000x64xf32, #tpu.memory_space<hbm>> -> memref<10000x64xf32, #tpu.memory_space<hbm>>
            tpu.enqueue_indirect_dma source(%dma_start3A_260 : memref<10000x64xf32, #tpu.memory_space<hbm>>) target(%arg14 : memref<128x64xf32, #tpu.memory_space<vmem>>) offsets(%dma_start3A_257 : memref<128xi32, #tpu.memory_space<vmem>>) semaphore(%arg21 : memref<!tpu.dma_semaphore, #tpu.memory_space<semaphore_mem>>)
          } else {
          }
          %add3A_202 = arith.constant 2 : i32
          %add3A_203 = arith.addi %scan3A_61, %add3A_202 : i32
          %jit3A_204 = arith.constant 4 : i32
          %eq3A_205 = arith.constant 0 : i32
          %eq3A_206 = arith.cmpi eq, %jit3A_204, %eq3A_205 : i32
          %jit3A_207 = arith.constant 1 : i32
          %select_n3A_208 = arith.select %eq3A_206, %jit3A_207, %jit3A_204 : i32
          %rem3A_209 = arith.remsi %add3A_203, %select_n3A_208 : i32
          %ne3A_210 = arith.constant 0 : i32
          %ne3A_211 = arith.cmpi ne, %rem3A_209, %ne3A_210 : i32
          %lt3A_212 = arith.constant 0 : i32
          %lt3A_213 = arith.cmpi slt, %rem3A_209, %lt3A_212 : i32
          %lt3A_214 = arith.constant 0 : i32
          %lt3A_215 = arith.cmpi slt, %select_n3A_208, %lt3A_214 : i32
          %ne3A_216 = arith.xori %lt3A_213, %lt3A_215 : i1
          %and3A_217 = arith.andi %ne3A_216, %ne3A_211 : i1
          %add3A_218 = arith.addi %rem3A_209, %select_n3A_208 : i32
          %select_n3A_219 = arith.select %and3A_217, %add3A_218, %rem3A_209 : i32
          %eq3A_220 = arith.constant 2 : i32
          %eq3A_221 = arith.cmpi eq, %select_n3A_219, %eq3A_220 : i32
          %convert_element_type3A_222 = arith.extui %eq3A_221 : i1 to i32
          %cond3A_223 = arith.constant 0 : i32
          %cond3A_224 = arith.cmpi ne, %convert_element_type3A_222, %cond3A_223 : i32
          scf.if %cond3A_224 {
            %ge3A_248 = arith.constant 2 : i32
            %ge3A_249 = arith.cmpi sge, %scan3A_61, %ge3A_248 : i32
            %convert_element_type3A_250 = arith.extui %ge3A_249 : i1 to i32
            %cond3A_251 = arith.constant 0 : i32
            %cond3A_252 = arith.cmpi ne, %convert_element_type3A_250, %cond3A_251 : i32
            scf.if %cond3A_252 {
              %sub3A = arith.constant 2 : i32
              %sub3A_261 = arith.subi %scan3A_61, %sub3A : i32
              %dma_wait3A_262 = arith.constant 0 : i32
              %dma_wait3A_263 = tpu.memref_slice %arg12[%sub3A_261, %dma_wait3A_262] : memref<158x128xi32, #tpu.memory_space<vmem>> -> memref<1x128xi32, #tpu.memory_space<vmem>>
              %dma_wait3A_264 = tpu.memref_squeeze %dma_wait3A_263 : memref<1x128xi32, #tpu.memory_space<vmem>> -> memref<128xi32, #tpu.memory_space<vmem>>
              %dma_wait3A_265 = arith.constant 0 : i32
              %dma_wait3A_266 = arith.constant 0 : i32
              %dma_wait3A_267 = tpu.memref_slice %arg18[%dma_wait3A_265, %dma_wait3A_266] : memref<10112x64xf32, #tpu.memory_space<vmem_shared>> -> memref<10112x64xf32, #tpu.memory_space<vmem_shared>>
              tpu.wait_indirect_dma semaphore(%arg26 : memref<!tpu.dma_semaphore, #tpu.memory_space<semaphore_mem>>) src(%arg15 : memref<128x64xf32, #tpu.memory_space<vmem>>) dst(%dma_wait3A_267 : memref<10112x64xf32, #tpu.memory_space<vmem_shared>>)
            } else {
            }
            %add3A_253 = arith.constant 2 : i32
            %add3A_254 = arith.addi %scan3A_61, %add3A_253 : i32
            %dma_start3A_255 = arith.constant 0 : i32
            %dma_start3A_256 = tpu.memref_slice %arg11[%add3A_254, %dma_start3A_255] : memref<158x128xi32, #tpu.memory_space<vmem>> -> memref<1x128xi32, #tpu.memory_space<vmem>>
            %dma_start3A_257 = tpu.memref_squeeze %dma_start3A_256 : memref<1x128xi32, #tpu.memory_space<vmem>> -> memref<128xi32, #tpu.memory_space<vmem>>
            %dma_start3A_258 = arith.constant 0 : i32
            %dma_start3A_259 = arith.constant 0 : i32
            %dma_start3A_260 = tpu.memref_slice %arg2[%dma_start3A_258, %dma_start3A_259] : memref<10000x64xf32, #tpu.memory_space<hbm>> -> memref<10000x64xf32, #tpu.memory_space<hbm>>
            tpu.enqueue_indirect_dma source(%dma_start3A_260 : memref<10000x64xf32, #tpu.memory_space<hbm>>) target(%arg15 : memref<128x64xf32, #tpu.memory_space<vmem>>) offsets(%dma_start3A_257 : memref<128xi32, #tpu.memory_space<vmem>>) semaphore(%arg22 : memref<!tpu.dma_semaphore, #tpu.memory_space<semaphore_mem>>)
          } else {
          }
          %add3A_225 = arith.constant 2 : i32
          %add3A_226 = arith.addi %scan3A_61, %add3A_225 : i32
          %jit3A_227 = arith.constant 4 : i32
          %eq3A_228 = arith.constant 0 : i32
          %eq3A_229 = arith.cmpi eq, %jit3A_227, %eq3A_228 : i32
          %jit3A_230 = arith.constant 1 : i32
          %select_n3A_231 = arith.select %eq3A_229, %jit3A_230, %jit3A_227 : i32
          %rem3A_232 = arith.remsi %add3A_226, %select_n3A_231 : i32
          %ne3A_233 = arith.constant 0 : i32
          %ne3A_234 = arith.cmpi ne, %rem3A_232, %ne3A_233 : i32
          %lt3A_235 = arith.constant 0 : i32
          %lt3A_236 = arith.cmpi slt, %rem3A_232, %lt3A_235 : i32
          %lt3A_237 = arith.constant 0 : i32
          %lt3A_238 = arith.cmpi slt, %select_n3A_231, %lt3A_237 : i32
          %ne3A_239 = arith.xori %lt3A_236, %lt3A_238 : i1
          %and3A_240 = arith.andi %ne3A_239, %ne3A_234 : i1
          %add3A_241 = arith.addi %rem3A_232, %select_n3A_231 : i32
          %select_n3A_242 = arith.select %and3A_240, %add3A_241, %rem3A_232 : i32
          %eq3A_243 = arith.constant 3 : i32
          %eq3A_244 = arith.cmpi eq, %select_n3A_242, %eq3A_243 : i32
          %convert_element_type3A_245 = arith.extui %eq3A_244 : i1 to i32
          %cond3A_246 = arith.constant 0 : i32
          %cond3A_247 = arith.cmpi ne, %convert_element_type3A_245, %cond3A_246 : i32
          scf.if %cond3A_247 {
            %ge3A_248 = arith.constant 2 : i32
            %ge3A_249 = arith.cmpi sge, %scan3A_61, %ge3A_248 : i32
            %convert_element_type3A_250 = arith.extui %ge3A_249 : i1 to i32
            %cond3A_251 = arith.constant 0 : i32
            %cond3A_252 = arith.cmpi ne, %convert_element_type3A_250, %cond3A_251 : i32
            scf.if %cond3A_252 {
              %sub3A = arith.constant 2 : i32
              %sub3A_261 = arith.subi %scan3A_61, %sub3A : i32
              %dma_wait3A_262 = arith.constant 0 : i32
              %dma_wait3A_263 = tpu.memref_slice %arg12[%sub3A_261, %dma_wait3A_262] : memref<158x128xi32, #tpu.memory_space<vmem>> -> memref<1x128xi32, #tpu.memory_space<vmem>>
              %dma_wait3A_264 = tpu.memref_squeeze %dma_wait3A_263 : memref<1x128xi32, #tpu.memory_space<vmem>> -> memref<128xi32, #tpu.memory_space<vmem>>
              %dma_wait3A_265 = arith.constant 0 : i32
              %dma_wait3A_266 = arith.constant 0 : i32
              %dma_wait3A_267 = tpu.memref_slice %arg18[%dma_wait3A_265, %dma_wait3A_266] : memref<10112x64xf32, #tpu.memory_space<vmem_shared>> -> memref<10112x64xf32, #tpu.memory_space<vmem_shared>>
              tpu.wait_indirect_dma semaphore(%arg27 : memref<!tpu.dma_semaphore, #tpu.memory_space<semaphore_mem>>) src(%arg16 : memref<128x64xf32, #tpu.memory_space<vmem>>) dst(%dma_wait3A_267 : memref<10112x64xf32, #tpu.memory_space<vmem_shared>>)
            } else {
            }
            %add3A_253 = arith.constant 2 : i32
            %add3A_254 = arith.addi %scan3A_61, %add3A_253 : i32
            %dma_start3A_255 = arith.constant 0 : i32
            %dma_start3A_256 = tpu.memref_slice %arg11[%add3A_254, %dma_start3A_255] : memref<158x128xi32, #tpu.memory_space<vmem>> -> memref<1x128xi32, #tpu.memory_space<vmem>>
            %dma_start3A_257 = tpu.memref_squeeze %dma_start3A_256 : memref<1x128xi32, #tpu.memory_space<vmem>> -> memref<128xi32, #tpu.memory_space<vmem>>
            %dma_start3A_258 = arith.constant 0 : i32
            %dma_start3A_259 = arith.constant 0 : i32
            %dma_start3A_260 = tpu.memref_slice %arg2[%dma_start3A_258, %dma_start3A_259] : memref<10000x64xf32, #tpu.memory_space<hbm>> -> memref<10000x64xf32, #tpu.memory_space<hbm>>
            tpu.enqueue_indirect_dma source(%dma_start3A_260 : memref<10000x64xf32, #tpu.memory_space<hbm>>) target(%arg16 : memref<128x64xf32, #tpu.memory_space<vmem>>) offsets(%dma_start3A_257 : memref<128xi32, #tpu.memory_space<vmem>>) semaphore(%arg23 : memref<!tpu.dma_semaphore, #tpu.memory_space<semaphore_mem>>)
          } else {
          }
        } else {
        }
        %jit3A = arith.constant 4 : i32
        %eq3A_67 = arith.constant 0 : i32
        %eq3A_68 = arith.cmpi eq, %jit3A, %eq3A_67 : i32
        %jit3A_69 = arith.constant 1 : i32
        %select_n3A = arith.select %eq3A_68, %jit3A_69, %jit3A : i32
        %rem3A = arith.remsi %scan3A_61, %select_n3A : i32
        %ne3A = arith.constant 0 : i32
        %ne3A_70 = arith.cmpi ne, %rem3A, %ne3A : i32
        %lt3A_71 = arith.constant 0 : i32
        %lt3A_72 = arith.cmpi slt, %rem3A, %lt3A_71 : i32
        %lt3A_73 = arith.constant 0 : i32
        %lt3A_74 = arith.cmpi slt, %select_n3A, %lt3A_73 : i32
        %ne3A_75 = arith.xori %lt3A_72, %lt3A_74 : i1
        %and3A = arith.andi %ne3A_75, %ne3A_70 : i1
        %add3A_76 = arith.addi %rem3A, %select_n3A : i32
        %select_n3A_77 = arith.select %and3A, %add3A_76, %rem3A : i32
        %eq3A_78 = arith.constant 0 : i32
        %eq3A_79 = arith.cmpi eq, %select_n3A_77, %eq3A_78 : i32
        %convert_element_type3A_80 = arith.extui %eq3A_79 : i1 to i32
        %cond3A_81 = arith.constant 0 : i32
        %cond3A_82 = arith.cmpi ne, %convert_element_type3A_80, %cond3A_81 : i32
        scf.if %cond3A_82 {
          %dma_wait3A_156 = arith.constant 0 : i32
          %dma_wait3A_157 = tpu.memref_slice %arg11[%scan3A_61, %dma_wait3A_156] : memref<158x128xi32, #tpu.memory_space<vmem>> -> memref<1x128xi32, #tpu.memory_space<vmem>>
          %dma_wait3A_158 = tpu.memref_squeeze %dma_wait3A_157 : memref<1x128xi32, #tpu.memory_space<vmem>> -> memref<128xi32, #tpu.memory_space<vmem>>
          %dma_wait3A_159 = arith.constant 0 : i32
          %dma_wait3A_160 = arith.constant 0 : i32
          %dma_wait3A_161 = tpu.memref_slice %arg2[%dma_wait3A_159, %dma_wait3A_160] : memref<10000x64xf32, #tpu.memory_space<hbm>> -> memref<10000x64xf32, #tpu.memory_space<hbm>>
          tpu.wait_indirect_dma semaphore(%arg20 : memref<!tpu.dma_semaphore, #tpu.memory_space<semaphore_mem>>) src(%dma_wait3A_161 : memref<10000x64xf32, #tpu.memory_space<hbm>>) dst(%arg13 : memref<128x64xf32, #tpu.memory_space<vmem>>)
          %dma_start3A_162 = arith.constant 0 : i32
          %dma_start3A_163 = tpu.memref_slice %arg12[%scan3A_61, %dma_start3A_162] : memref<158x128xi32, #tpu.memory_space<vmem>> -> memref<1x128xi32, #tpu.memory_space<vmem>>
          %dma_start3A_164 = tpu.memref_squeeze %dma_start3A_163 : memref<1x128xi32, #tpu.memory_space<vmem>> -> memref<128xi32, #tpu.memory_space<vmem>>
          %dma_start3A_165 = arith.constant 0 : i32
          %dma_start3A_166 = arith.constant 0 : i32
          %dma_start3A_167 = tpu.memref_slice %arg18[%dma_start3A_165, %dma_start3A_166] : memref<10112x64xf32, #tpu.memory_space<vmem_shared>> -> memref<10112x64xf32, #tpu.memory_space<vmem_shared>>
          tpu.enqueue_indirect_dma source(%arg13 : memref<128x64xf32, #tpu.memory_space<vmem>>) target(%dma_start3A_167 : memref<10112x64xf32, #tpu.memory_space<vmem_shared>>) offsets(%dma_start3A_164 : memref<128xi32, #tpu.memory_space<vmem>>) semaphore(%arg24 : memref<!tpu.dma_semaphore, #tpu.memory_space<semaphore_mem>>) {add = true}
        } else {
        }
        %jit3A_83 = arith.constant 4 : i32
        %eq3A_84 = arith.constant 0 : i32
        %eq3A_85 = arith.cmpi eq, %jit3A_83, %eq3A_84 : i32
        %jit3A_86 = arith.constant 1 : i32
        %select_n3A_87 = arith.select %eq3A_85, %jit3A_86, %jit3A_83 : i32
        %rem3A_88 = arith.remsi %scan3A_61, %select_n3A_87 : i32
        %ne3A_89 = arith.constant 0 : i32
        %ne3A_90 = arith.cmpi ne, %rem3A_88, %ne3A_89 : i32
        %lt3A_91 = arith.constant 0 : i32
        %lt3A_92 = arith.cmpi slt, %rem3A_88, %lt3A_91 : i32
        %lt3A_93 = arith.constant 0 : i32
        %lt3A_94 = arith.cmpi slt, %select_n3A_87, %lt3A_93 : i32
        %ne3A_95 = arith.xori %lt3A_92, %lt3A_94 : i1
        %and3A_96 = arith.andi %ne3A_95, %ne3A_90 : i1
        %add3A_97 = arith.addi %rem3A_88, %select_n3A_87 : i32
        %select_n3A_98 = arith.select %and3A_96, %add3A_97, %rem3A_88 : i32
        %eq3A_99 = arith.constant 1 : i32
        %eq3A_100 = arith.cmpi eq, %select_n3A_98, %eq3A_99 : i32
        %convert_element_type3A_101 = arith.extui %eq3A_100 : i1 to i32
        %cond3A_102 = arith.constant 0 : i32
        %cond3A_103 = arith.cmpi ne, %convert_element_type3A_101, %cond3A_102 : i32
        scf.if %cond3A_103 {
          %dma_wait3A_156 = arith.constant 0 : i32
          %dma_wait3A_157 = tpu.memref_slice %arg11[%scan3A_61, %dma_wait3A_156] : memref<158x128xi32, #tpu.memory_space<vmem>> -> memref<1x128xi32, #tpu.memory_space<vmem>>
          %dma_wait3A_158 = tpu.memref_squeeze %dma_wait3A_157 : memref<1x128xi32, #tpu.memory_space<vmem>> -> memref<128xi32, #tpu.memory_space<vmem>>
          %dma_wait3A_159 = arith.constant 0 : i32
          %dma_wait3A_160 = arith.constant 0 : i32
          %dma_wait3A_161 = tpu.memref_slice %arg2[%dma_wait3A_159, %dma_wait3A_160] : memref<10000x64xf32, #tpu.memory_space<hbm>> -> memref<10000x64xf32, #tpu.memory_space<hbm>>
          tpu.wait_indirect_dma semaphore(%arg21 : memref<!tpu.dma_semaphore, #tpu.memory_space<semaphore_mem>>) src(%dma_wait3A_161 : memref<10000x64xf32, #tpu.memory_space<hbm>>) dst(%arg14 : memref<128x64xf32, #tpu.memory_space<vmem>>)
          %dma_start3A_162 = arith.constant 0 : i32
          %dma_start3A_163 = tpu.memref_slice %arg12[%scan3A_61, %dma_start3A_162] : memref<158x128xi32, #tpu.memory_space<vmem>> -> memref<1x128xi32, #tpu.memory_space<vmem>>
          %dma_start3A_164 = tpu.memref_squeeze %dma_start3A_163 : memref<1x128xi32, #tpu.memory_space<vmem>> -> memref<128xi32, #tpu.memory_space<vmem>>
          %dma_start3A_165 = arith.constant 0 : i32
          %dma_start3A_166 = arith.constant 0 : i32
          %dma_start3A_167 = tpu.memref_slice %arg18[%dma_start3A_165, %dma_start3A_166] : memref<10112x64xf32, #tpu.memory_space<vmem_shared>> -> memref<10112x64xf32, #tpu.memory_space<vmem_shared>>
          tpu.enqueue_indirect_dma source(%arg14 : memref<128x64xf32, #tpu.memory_space<vmem>>) target(%dma_start3A_167 : memref<10112x64xf32, #tpu.memory_space<vmem_shared>>) offsets(%dma_start3A_164 : memref<128xi32, #tpu.memory_space<vmem>>) semaphore(%arg25 : memref<!tpu.dma_semaphore, #tpu.memory_space<semaphore_mem>>) {add = true}
        } else {
        }
        %jit3A_104 = arith.constant 4 : i32
        %eq3A_105 = arith.constant 0 : i32
        %eq3A_106 = arith.cmpi eq, %jit3A_104, %eq3A_105 : i32
        %jit3A_107 = arith.constant 1 : i32
        %select_n3A_108 = arith.select %eq3A_106, %jit3A_107, %jit3A_104 : i32
        %rem3A_109 = arith.remsi %scan3A_61, %select_n3A_108 : i32
        %ne3A_110 = arith.constant 0 : i32
        %ne3A_111 = arith.cmpi ne, %rem3A_109, %ne3A_110 : i32
        %lt3A_112 = arith.constant 0 : i32
        %lt3A_113 = arith.cmpi slt, %rem3A_109, %lt3A_112 : i32
        %lt3A_114 = arith.constant 0 : i32
        %lt3A_115 = arith.cmpi slt, %select_n3A_108, %lt3A_114 : i32
        %ne3A_116 = arith.xori %lt3A_113, %lt3A_115 : i1
        %and3A_117 = arith.andi %ne3A_116, %ne3A_111 : i1
        %add3A_118 = arith.addi %rem3A_109, %select_n3A_108 : i32
        %select_n3A_119 = arith.select %and3A_117, %add3A_118, %rem3A_109 : i32
        %eq3A_120 = arith.constant 2 : i32
        %eq3A_121 = arith.cmpi eq, %select_n3A_119, %eq3A_120 : i32
        %convert_element_type3A_122 = arith.extui %eq3A_121 : i1 to i32
        %cond3A_123 = arith.constant 0 : i32
        %cond3A_124 = arith.cmpi ne, %convert_element_type3A_122, %cond3A_123 : i32
        scf.if %cond3A_124 {
          %dma_wait3A_156 = arith.constant 0 : i32
          %dma_wait3A_157 = tpu.memref_slice %arg11[%scan3A_61, %dma_wait3A_156] : memref<158x128xi32, #tpu.memory_space<vmem>> -> memref<1x128xi32, #tpu.memory_space<vmem>>
          %dma_wait3A_158 = tpu.memref_squeeze %dma_wait3A_157 : memref<1x128xi32, #tpu.memory_space<vmem>> -> memref<128xi32, #tpu.memory_space<vmem>>
          %dma_wait3A_159 = arith.constant 0 : i32
          %dma_wait3A_160 = arith.constant 0 : i32
          %dma_wait3A_161 = tpu.memref_slice %arg2[%dma_wait3A_159, %dma_wait3A_160] : memref<10000x64xf32, #tpu.memory_space<hbm>> -> memref<10000x64xf32, #tpu.memory_space<hbm>>
          tpu.wait_indirect_dma semaphore(%arg22 : memref<!tpu.dma_semaphore, #tpu.memory_space<semaphore_mem>>) src(%dma_wait3A_161 : memref<10000x64xf32, #tpu.memory_space<hbm>>) dst(%arg15 : memref<128x64xf32, #tpu.memory_space<vmem>>)
          %dma_start3A_162 = arith.constant 0 : i32
          %dma_start3A_163 = tpu.memref_slice %arg12[%scan3A_61, %dma_start3A_162] : memref<158x128xi32, #tpu.memory_space<vmem>> -> memref<1x128xi32, #tpu.memory_space<vmem>>
          %dma_start3A_164 = tpu.memref_squeeze %dma_start3A_163 : memref<1x128xi32, #tpu.memory_space<vmem>> -> memref<128xi32, #tpu.memory_space<vmem>>
          %dma_start3A_165 = arith.constant 0 : i32
          %dma_start3A_166 = arith.constant 0 : i32
          %dma_start3A_167 = tpu.memref_slice %arg18[%dma_start3A_165, %dma_start3A_166] : memref<10112x64xf32, #tpu.memory_space<vmem_shared>> -> memref<10112x64xf32, #tpu.memory_space<vmem_shared>>
          tpu.enqueue_indirect_dma source(%arg15 : memref<128x64xf32, #tpu.memory_space<vmem>>) target(%dma_start3A_167 : memref<10112x64xf32, #tpu.memory_space<vmem_shared>>) offsets(%dma_start3A_164 : memref<128xi32, #tpu.memory_space<vmem>>) semaphore(%arg26 : memref<!tpu.dma_semaphore, #tpu.memory_space<semaphore_mem>>) {add = true}
        } else {
        }
        %jit3A_125 = arith.constant 4 : i32
        %eq3A_126 = arith.constant 0 : i32
        %eq3A_127 = arith.cmpi eq, %jit3A_125, %eq3A_126 : i32
        %jit3A_128 = arith.constant 1 : i32
        %select_n3A_129 = arith.select %eq3A_127, %jit3A_128, %jit3A_125 : i32
        %rem3A_130 = arith.remsi %scan3A_61, %select_n3A_129 : i32
        %ne3A_131 = arith.constant 0 : i32
        %ne3A_132 = arith.cmpi ne, %rem3A_130, %ne3A_131 : i32
        %lt3A_133 = arith.constant 0 : i32
        %lt3A_134 = arith.cmpi slt, %rem3A_130, %lt3A_133 : i32
        %lt3A_135 = arith.constant 0 : i32
        %lt3A_136 = arith.cmpi slt, %select_n3A_129, %lt3A_135 : i32
        %ne3A_137 = arith.xori %lt3A_134, %lt3A_136 : i1
        %and3A_138 = arith.andi %ne3A_137, %ne3A_132 : i1
        %add3A_139 = arith.addi %rem3A_130, %select_n3A_129 : i32
        %select_n3A_140 = arith.select %and3A_138, %add3A_139, %rem3A_130 : i32
        %eq3A_141 = arith.constant 3 : i32
        %eq3A_142 = arith.cmpi eq, %select_n3A_140, %eq3A_141 : i32
        %convert_element_type3A_143 = arith.extui %eq3A_142 : i1 to i32
        %cond3A_144 = arith.constant 0 : i32
        %cond3A_145 = arith.cmpi ne, %convert_element_type3A_143, %cond3A_144 : i32
        scf.if %cond3A_145 {
          %dma_wait3A_156 = arith.constant 0 : i32
          %dma_wait3A_157 = tpu.memref_slice %arg11[%scan3A_61, %dma_wait3A_156] : memref<158x128xi32, #tpu.memory_space<vmem>> -> memref<1x128xi32, #tpu.memory_space<vmem>>
          %dma_wait3A_158 = tpu.memref_squeeze %dma_wait3A_157 : memref<1x128xi32, #tpu.memory_space<vmem>> -> memref<128xi32, #tpu.memory_space<vmem>>
          %dma_wait3A_159 = arith.constant 0 : i32
          %dma_wait3A_160 = arith.constant 0 : i32
          %dma_wait3A_161 = tpu.memref_slice %arg2[%dma_wait3A_159, %dma_wait3A_160] : memref<10000x64xf32, #tpu.memory_space<hbm>> -> memref<10000x64xf32, #tpu.memory_space<hbm>>
          tpu.wait_indirect_dma semaphore(%arg23 : memref<!tpu.dma_semaphore, #tpu.memory_space<semaphore_mem>>) src(%dma_wait3A_161 : memref<10000x64xf32, #tpu.memory_space<hbm>>) dst(%arg16 : memref<128x64xf32, #tpu.memory_space<vmem>>)
          %dma_start3A_162 = arith.constant 0 : i32
          %dma_start3A_163 = tpu.memref_slice %arg12[%scan3A_61, %dma_start3A_162] : memref<158x128xi32, #tpu.memory_space<vmem>> -> memref<1x128xi32, #tpu.memory_space<vmem>>
          %dma_start3A_164 = tpu.memref_squeeze %dma_start3A_163 : memref<1x128xi32, #tpu.memory_space<vmem>> -> memref<128xi32, #tpu.memory_space<vmem>>
          %dma_start3A_165 = arith.constant 0 : i32
          %dma_start3A_166 = arith.constant 0 : i32
          %dma_start3A_167 = tpu.memref_slice %arg18[%dma_start3A_165, %dma_start3A_166] : memref<10112x64xf32, #tpu.memory_space<vmem_shared>> -> memref<10112x64xf32, #tpu.memory_space<vmem_shared>>
          tpu.enqueue_indirect_dma source(%arg16 : memref<128x64xf32, #tpu.memory_space<vmem>>) target(%dma_start3A_167 : memref<10112x64xf32, #tpu.memory_space<vmem_shared>>) offsets(%dma_start3A_164 : memref<128xi32, #tpu.memory_space<vmem>>) semaphore(%arg27 : memref<!tpu.dma_semaphore, #tpu.memory_space<semaphore_mem>>) {add = true}
        } else {
        }
        %ge3A = arith.constant 1 : i32
        %ge3A_146 = arith.cmpi sge, %scan3A_61, %ge3A : i32
        %convert_element_type3A_147 = arith.extui %ge3A_146 : i1 to i32
        %cond3A_148 = arith.constant 0 : i32
        %cond3A_149 = arith.cmpi ne, %convert_element_type3A_147, %cond3A_148 : i32
        scf.if %cond3A_149 {
          %sub3A = arith.constant 1 : i32
          %sub3A_156 = arith.subi %scan3A_61, %sub3A : i32
          %dma_wait3A_157 = arith.constant 0 : i32
          %dma_wait3A_158 = tpu.memref_slice %arg12[%sub3A_156, %dma_wait3A_157] : memref<158x128xi32, #tpu.memory_space<vmem>> -> memref<1x128xi32, #tpu.memory_space<vmem>>
          %dma_wait3A_159 = tpu.memref_squeeze %dma_wait3A_158 : memref<1x128xi32, #tpu.memory_space<vmem>> -> memref<128xi32, #tpu.memory_space<vmem>>
          %dma_wait3A_160 = arith.constant 0 : i32
          %dma_wait3A_161 = arith.constant 0 : i32
          %dma_wait3A_162 = tpu.memref_slice %arg19[%dma_wait3A_160, %dma_wait3A_161] : memref<10112x8xf32, #tpu.memory_space<vmem_shared>> -> memref<10112x8xf32, #tpu.memory_space<vmem_shared>>
          tpu.wait_indirect_dma semaphore(%arg28 : memref<!tpu.dma_semaphore, #tpu.memory_space<semaphore_mem>>) src(%arg17 : memref<128x8xf32, #tpu.memory_space<vmem>>) dst(%dma_wait3A_162 : memref<10112x8xf32, #tpu.memory_space<vmem_shared>>)
        } else {
        }
        %dma_start3A_150 = arith.constant 0 : i32
        %dma_start3A_151 = tpu.memref_slice %arg12[%scan3A_61, %dma_start3A_150] : memref<158x128xi32, #tpu.memory_space<vmem>> -> memref<1x128xi32, #tpu.memory_space<vmem>>
        %dma_start3A_152 = tpu.memref_squeeze %dma_start3A_151 : memref<1x128xi32, #tpu.memory_space<vmem>> -> memref<128xi32, #tpu.memory_space<vmem>>
        %dma_start3A_153 = arith.constant 0 : i32
        %dma_start3A_154 = arith.constant 0 : i32
        %dma_start3A_155 = tpu.memref_slice %arg19[%dma_start3A_153, %dma_start3A_154] : memref<10112x8xf32, #tpu.memory_space<vmem_shared>> -> memref<10112x8xf32, #tpu.memory_space<vmem_shared>>
        tpu.enqueue_indirect_dma source(%arg17 : memref<128x8xf32, #tpu.memory_space<vmem>>) target(%dma_start3A_155 : memref<10112x8xf32, #tpu.memory_space<vmem_shared>>) offsets(%dma_start3A_152 : memref<128xi32, #tpu.memory_space<vmem>>) semaphore(%arg28 : memref<!tpu.dma_semaphore, #tpu.memory_space<semaphore_mem>>) {add = true}
      }
      %scan3A_26 = arith.constant 158 : i32
      %dma_wait3A = arith.constant 154 : i32
      %dma_wait3A_27 = arith.constant 0 : i32
      %dma_wait3A_28 = tpu.memref_slice %arg12[%dma_wait3A, %dma_wait3A_27] : memref<158x128xi32, #tpu.memory_space<vmem>> -> memref<1x128xi32, #tpu.memory_space<vmem>>
      %dma_wait3A_29 = tpu.memref_squeeze %dma_wait3A_28 : memref<1x128xi32, #tpu.memory_space<vmem>> -> memref<128xi32, #tpu.memory_space<vmem>>
      %dma_wait3A_30 = arith.constant 0 : i32
      %dma_wait3A_31 = arith.constant 0 : i32
      %dma_wait3A_32 = tpu.memref_slice %arg18[%dma_wait3A_30, %dma_wait3A_31] : memref<10112x64xf32, #tpu.memory_space<vmem_shared>> -> memref<10112x64xf32, #tpu.memory_space<vmem_shared>>
      tpu.wait_indirect_dma semaphore(%arg26 : memref<!tpu.dma_semaphore, #tpu.memory_space<semaphore_mem>>) src(%arg15 : memref<128x64xf32, #tpu.memory_space<vmem>>) dst(%dma_wait3A_32 : memref<10112x64xf32, #tpu.memory_space<vmem_shared>>)
      %dma_wait3A_33 = arith.constant 155 : i32
      %dma_wait3A_34 = arith.constant 0 : i32
      %dma_wait3A_35 = tpu.memref_slice %arg12[%dma_wait3A_33, %dma_wait3A_34] : memref<158x128xi32, #tpu.memory_space<vmem>> -> memref<1x128xi32, #tpu.memory_space<vmem>>
      %dma_wait3A_36 = tpu.memref_squeeze %dma_wait3A_35 : memref<1x128xi32, #tpu.memory_space<vmem>> -> memref<128xi32, #tpu.memory_space<vmem>>
      %dma_wait3A_37 = arith.constant 0 : i32
      %dma_wait3A_38 = arith.constant 0 : i32
      %dma_wait3A_39 = tpu.memref_slice %arg18[%dma_wait3A_37, %dma_wait3A_38] : memref<10112x64xf32, #tpu.memory_space<vmem_shared>> -> memref<10112x64xf32, #tpu.memory_space<vmem_shared>>
      tpu.wait_indirect_dma semaphore(%arg27 : memref<!tpu.dma_semaphore, #tpu.memory_space<semaphore_mem>>) src(%arg16 : memref<128x64xf32, #tpu.memory_space<vmem>>) dst(%dma_wait3A_39 : memref<10112x64xf32, #tpu.memory_space<vmem_shared>>)
      %dma_wait3A_40 = arith.constant 156 : i32
      %dma_wait3A_41 = arith.constant 0 : i32
      %dma_wait3A_42 = tpu.memref_slice %arg12[%dma_wait3A_40, %dma_wait3A_41] : memref<158x128xi32, #tpu.memory_space<vmem>> -> memref<1x128xi32, #tpu.memory_space<vmem>>
      %dma_wait3A_43 = tpu.memref_squeeze %dma_wait3A_42 : memref<1x128xi32, #tpu.memory_space<vmem>> -> memref<128xi32, #tpu.memory_space<vmem>>
      %dma_wait3A_44 = arith.constant 0 : i32
      %dma_wait3A_45 = arith.constant 0 : i32
      %dma_wait3A_46 = tpu.memref_slice %arg18[%dma_wait3A_44, %dma_wait3A_45] : memref<10112x64xf32, #tpu.memory_space<vmem_shared>> -> memref<10112x64xf32, #tpu.memory_space<vmem_shared>>
      tpu.wait_indirect_dma semaphore(%arg24 : memref<!tpu.dma_semaphore, #tpu.memory_space<semaphore_mem>>) src(%arg13 : memref<128x64xf32, #tpu.memory_space<vmem>>) dst(%dma_wait3A_46 : memref<10112x64xf32, #tpu.memory_space<vmem_shared>>)
      %dma_wait3A_47 = arith.constant 157 : i32
      %dma_wait3A_48 = arith.constant 0 : i32
      %dma_wait3A_49 = tpu.memref_slice %arg12[%dma_wait3A_47, %dma_wait3A_48] : memref<158x128xi32, #tpu.memory_space<vmem>> -> memref<1x128xi32, #tpu.memory_space<vmem>>
      %dma_wait3A_50 = tpu.memref_squeeze %dma_wait3A_49 : memref<1x128xi32, #tpu.memory_space<vmem>> -> memref<128xi32, #tpu.memory_space<vmem>>
      %dma_wait3A_51 = arith.constant 0 : i32
      %dma_wait3A_52 = arith.constant 0 : i32
      %dma_wait3A_53 = tpu.memref_slice %arg18[%dma_wait3A_51, %dma_wait3A_52] : memref<10112x64xf32, #tpu.memory_space<vmem_shared>> -> memref<10112x64xf32, #tpu.memory_space<vmem_shared>>
      tpu.wait_indirect_dma semaphore(%arg25 : memref<!tpu.dma_semaphore, #tpu.memory_space<semaphore_mem>>) src(%arg14 : memref<128x64xf32, #tpu.memory_space<vmem>>) dst(%dma_wait3A_53 : memref<10112x64xf32, #tpu.memory_space<vmem_shared>>)
      %dma_wait3A_54 = arith.constant 157 : i32
      %dma_wait3A_55 = arith.constant 0 : i32
      %dma_wait3A_56 = tpu.memref_slice %arg12[%dma_wait3A_54, %dma_wait3A_55] : memref<158x128xi32, #tpu.memory_space<vmem>> -> memref<1x128xi32, #tpu.memory_space<vmem>>
      %dma_wait3A_57 = tpu.memref_squeeze %dma_wait3A_56 : memref<1x128xi32, #tpu.memory_space<vmem>> -> memref<128xi32, #tpu.memory_space<vmem>>
      %dma_wait3A_58 = arith.constant 0 : i32
      %dma_wait3A_59 = arith.constant 0 : i32
      %dma_wait3A_60 = tpu.memref_slice %arg19[%dma_wait3A_58, %dma_wait3A_59] : memref<10112x8xf32, #tpu.memory_space<vmem_shared>> -> memref<10112x8xf32, #tpu.memory_space<vmem_shared>>
      tpu.wait_indirect_dma semaphore(%arg28 : memref<!tpu.dma_semaphore, #tpu.memory_space<semaphore_mem>>) src(%arg17 : memref<128x8xf32, #tpu.memory_space<vmem>>) dst(%dma_wait3A_60 : memref<10112x8xf32, #tpu.memory_space<vmem_shared>>)
    } else {
    }
    %eq3A_3 = arith.constant 1 : i32
    %eq3A_4 = arith.cmpi eq, %arg0, %eq3A_3 : i32
    %convert_element_type3A_5 = arith.extui %eq3A_4 : i1 to i32
    %cond3A_6 = arith.constant 0 : i32
    %cond3A_7 = arith.cmpi ne, %convert_element_type3A_5, %cond3A_6 : i32
    scf.if %cond3A_7 {
      %dma_start3A = arith.constant 0 : i32
      %dma_start3A_9 = arith.constant 0 : i32
      %dma_start3A_10 = tpu.memref_slice %arg11[%dma_start3A, %dma_start3A_9] : memref<158x128xi32, #tpu.memory_space<vmem>> -> memref<1x128xi32, #tpu.memory_space<vmem>>
      %dma_start3A_11 = tpu.memref_squeeze %dma_start3A_10 : memref<1x128xi32, #tpu.memory_space<vmem>> -> memref<128xi32, #tpu.memory_space<vmem>>
      %dma_start3A_12 = arith.constant 0 : i32
      %dma_start3A_13 = arith.constant 0 : i32
      %dma_start3A_14 = tpu.memref_slice %arg3[%dma_start3A_12, %dma_start3A_13] : memref<10000x64xf32, #tpu.memory_space<hbm>> -> memref<10000x64xf32, #tpu.memory_space<hbm>>
      tpu.enqueue_indirect_dma source(%dma_start3A_14 : memref<10000x64xf32, #tpu.memory_space<hbm>>) target(%arg13 : memref<128x64xf32, #tpu.memory_space<vmem>>) offsets(%dma_start3A_11 : memref<128xi32, #tpu.memory_space<vmem>>) semaphore(%arg20 : memref<!tpu.dma_semaphore, #tpu.memory_space<semaphore_mem>>)
      %dma_start3A_15 = arith.constant 1 : i32
      %dma_start3A_16 = arith.constant 0 : i32
      %dma_start3A_17 = tpu.memref_slice %arg11[%dma_start3A_15, %dma_start3A_16] : memref<158x128xi32, #tpu.memory_space<vmem>> -> memref<1x128xi32, #tpu.memory_space<vmem>>
      %dma_start3A_18 = tpu.memref_squeeze %dma_start3A_17 : memref<1x128xi32, #tpu.memory_space<vmem>> -> memref<128xi32, #tpu.memory_space<vmem>>
      %dma_start3A_19 = arith.constant 0 : i32
      %dma_start3A_20 = arith.constant 0 : i32
      %dma_start3A_21 = tpu.memref_slice %arg3[%dma_start3A_19, %dma_start3A_20] : memref<10000x64xf32, #tpu.memory_space<hbm>> -> memref<10000x64xf32, #tpu.memory_space<hbm>>
      tpu.enqueue_indirect_dma source(%dma_start3A_21 : memref<10000x64xf32, #tpu.memory_space<hbm>>) target(%arg14 : memref<128x64xf32, #tpu.memory_space<vmem>>) offsets(%dma_start3A_18 : memref<128xi32, #tpu.memory_space<vmem>>) semaphore(%arg21 : memref<!tpu.dma_semaphore, #tpu.memory_space<semaphore_mem>>)
      %scan3A = arith.constant 0 : i32
      %scan3A_22 = arith.constant 0 : i32
      %scan3A_23 = arith.constant 158 : i32
      %scan3A_24 = arith.addi %scan3A_22, %scan3A_23 : i32
      %scan3A_25 = arith.constant 1 : i32
      scf.for %scan3A_61 = %scan3A_22 to %scan3A_24 step %scan3A_25  : i32 {
        %add3A = arith.constant 2 : i32
        %add3A_62 = arith.addi %scan3A_61, %add3A : i32
        %lt3A = arith.constant 158 : i32
        %lt3A_63 = arith.cmpi slt, %add3A_62, %lt3A : i32
        %convert_element_type3A_64 = arith.extui %lt3A_63 : i1 to i32
        %cond3A_65 = arith.constant 0 : i32
        %cond3A_66 = arith.cmpi ne, %convert_element_type3A_64, %cond3A_65 : i32
        scf.if %cond3A_66 {
          %add3A_156 = arith.constant 2 : i32
          %add3A_157 = arith.addi %scan3A_61, %add3A_156 : i32
          %jit3A_158 = arith.constant 4 : i32
          %eq3A_159 = arith.constant 0 : i32
          %eq3A_160 = arith.cmpi eq, %jit3A_158, %eq3A_159 : i32
          %jit3A_161 = arith.constant 1 : i32
          %select_n3A_162 = arith.select %eq3A_160, %jit3A_161, %jit3A_158 : i32
          %rem3A_163 = arith.remsi %add3A_157, %select_n3A_162 : i32
          %ne3A_164 = arith.constant 0 : i32
          %ne3A_165 = arith.cmpi ne, %rem3A_163, %ne3A_164 : i32
          %lt3A_166 = arith.constant 0 : i32
          %lt3A_167 = arith.cmpi slt, %rem3A_163, %lt3A_166 : i32
          %lt3A_168 = arith.constant 0 : i32
          %lt3A_169 = arith.cmpi slt, %select_n3A_162, %lt3A_168 : i32
          %ne3A_170 = arith.xori %lt3A_167, %lt3A_169 : i1
          %and3A_171 = arith.andi %ne3A_170, %ne3A_165 : i1
          %add3A_172 = arith.addi %rem3A_163, %select_n3A_162 : i32
          %select_n3A_173 = arith.select %and3A_171, %add3A_172, %rem3A_163 : i32
          %eq3A_174 = arith.constant 0 : i32
          %eq3A_175 = arith.cmpi eq, %select_n3A_173, %eq3A_174 : i32
          %convert_element_type3A_176 = arith.extui %eq3A_175 : i1 to i32
          %cond3A_177 = arith.constant 0 : i32
          %cond3A_178 = arith.cmpi ne, %convert_element_type3A_176, %cond3A_177 : i32
          scf.if %cond3A_178 {
            %ge3A_248 = arith.constant 2 : i32
            %ge3A_249 = arith.cmpi sge, %scan3A_61, %ge3A_248 : i32
            %convert_element_type3A_250 = arith.extui %ge3A_249 : i1 to i32
            %cond3A_251 = arith.constant 0 : i32
            %cond3A_252 = arith.cmpi ne, %convert_element_type3A_250, %cond3A_251 : i32
            scf.if %cond3A_252 {
              %sub3A = arith.constant 2 : i32
              %sub3A_261 = arith.subi %scan3A_61, %sub3A : i32
              %dma_wait3A_262 = arith.constant 0 : i32
              %dma_wait3A_263 = tpu.memref_slice %arg12[%sub3A_261, %dma_wait3A_262] : memref<158x128xi32, #tpu.memory_space<vmem>> -> memref<1x128xi32, #tpu.memory_space<vmem>>
              %dma_wait3A_264 = tpu.memref_squeeze %dma_wait3A_263 : memref<1x128xi32, #tpu.memory_space<vmem>> -> memref<128xi32, #tpu.memory_space<vmem>>
              %dma_wait3A_265 = arith.constant 0 : i32
              %dma_wait3A_266 = arith.constant 0 : i32
              %dma_wait3A_267 = tpu.memref_slice %arg18[%dma_wait3A_265, %dma_wait3A_266] : memref<10112x64xf32, #tpu.memory_space<vmem_shared>> -> memref<10112x64xf32, #tpu.memory_space<vmem_shared>>
              tpu.wait_indirect_dma semaphore(%arg24 : memref<!tpu.dma_semaphore, #tpu.memory_space<semaphore_mem>>) src(%arg13 : memref<128x64xf32, #tpu.memory_space<vmem>>) dst(%dma_wait3A_267 : memref<10112x64xf32, #tpu.memory_space<vmem_shared>>)
            } else {
            }
            %add3A_253 = arith.constant 2 : i32
            %add3A_254 = arith.addi %scan3A_61, %add3A_253 : i32
            %dma_start3A_255 = arith.constant 0 : i32
            %dma_start3A_256 = tpu.memref_slice %arg11[%add3A_254, %dma_start3A_255] : memref<158x128xi32, #tpu.memory_space<vmem>> -> memref<1x128xi32, #tpu.memory_space<vmem>>
            %dma_start3A_257 = tpu.memref_squeeze %dma_start3A_256 : memref<1x128xi32, #tpu.memory_space<vmem>> -> memref<128xi32, #tpu.memory_space<vmem>>
            %dma_start3A_258 = arith.constant 0 : i32
            %dma_start3A_259 = arith.constant 0 : i32
            %dma_start3A_260 = tpu.memref_slice %arg3[%dma_start3A_258, %dma_start3A_259] : memref<10000x64xf32, #tpu.memory_space<hbm>> -> memref<10000x64xf32, #tpu.memory_space<hbm>>
            tpu.enqueue_indirect_dma source(%dma_start3A_260 : memref<10000x64xf32, #tpu.memory_space<hbm>>) target(%arg13 : memref<128x64xf32, #tpu.memory_space<vmem>>) offsets(%dma_start3A_257 : memref<128xi32, #tpu.memory_space<vmem>>) semaphore(%arg20 : memref<!tpu.dma_semaphore, #tpu.memory_space<semaphore_mem>>)
          } else {
          }
          %add3A_179 = arith.constant 2 : i32
          %add3A_180 = arith.addi %scan3A_61, %add3A_179 : i32
          %jit3A_181 = arith.constant 4 : i32
          %eq3A_182 = arith.constant 0 : i32
          %eq3A_183 = arith.cmpi eq, %jit3A_181, %eq3A_182 : i32
          %jit3A_184 = arith.constant 1 : i32
          %select_n3A_185 = arith.select %eq3A_183, %jit3A_184, %jit3A_181 : i32
          %rem3A_186 = arith.remsi %add3A_180, %select_n3A_185 : i32
          %ne3A_187 = arith.constant 0 : i32
          %ne3A_188 = arith.cmpi ne, %rem3A_186, %ne3A_187 : i32
          %lt3A_189 = arith.constant 0 : i32
          %lt3A_190 = arith.cmpi slt, %rem3A_186, %lt3A_189 : i32
          %lt3A_191 = arith.constant 0 : i32
          %lt3A_192 = arith.cmpi slt, %select_n3A_185, %lt3A_191 : i32
          %ne3A_193 = arith.xori %lt3A_190, %lt3A_192 : i1
          %and3A_194 = arith.andi %ne3A_193, %ne3A_188 : i1
          %add3A_195 = arith.addi %rem3A_186, %select_n3A_185 : i32
          %select_n3A_196 = arith.select %and3A_194, %add3A_195, %rem3A_186 : i32
          %eq3A_197 = arith.constant 1 : i32
          %eq3A_198 = arith.cmpi eq, %select_n3A_196, %eq3A_197 : i32
          %convert_element_type3A_199 = arith.extui %eq3A_198 : i1 to i32
          %cond3A_200 = arith.constant 0 : i32
          %cond3A_201 = arith.cmpi ne, %convert_element_type3A_199, %cond3A_200 : i32
          scf.if %cond3A_201 {
            %ge3A_248 = arith.constant 2 : i32
            %ge3A_249 = arith.cmpi sge, %scan3A_61, %ge3A_248 : i32
            %convert_element_type3A_250 = arith.extui %ge3A_249 : i1 to i32
            %cond3A_251 = arith.constant 0 : i32
            %cond3A_252 = arith.cmpi ne, %convert_element_type3A_250, %cond3A_251 : i32
            scf.if %cond3A_252 {
              %sub3A = arith.constant 2 : i32
              %sub3A_261 = arith.subi %scan3A_61, %sub3A : i32
              %dma_wait3A_262 = arith.constant 0 : i32
              %dma_wait3A_263 = tpu.memref_slice %arg12[%sub3A_261, %dma_wait3A_262] : memref<158x128xi32, #tpu.memory_space<vmem>> -> memref<1x128xi32, #tpu.memory_space<vmem>>
              %dma_wait3A_264 = tpu.memref_squeeze %dma_wait3A_263 : memref<1x128xi32, #tpu.memory_space<vmem>> -> memref<128xi32, #tpu.memory_space<vmem>>
              %dma_wait3A_265 = arith.constant 0 : i32
              %dma_wait3A_266 = arith.constant 0 : i32
              %dma_wait3A_267 = tpu.memref_slice %arg18[%dma_wait3A_265, %dma_wait3A_266] : memref<10112x64xf32, #tpu.memory_space<vmem_shared>> -> memref<10112x64xf32, #tpu.memory_space<vmem_shared>>
              tpu.wait_indirect_dma semaphore(%arg25 : memref<!tpu.dma_semaphore, #tpu.memory_space<semaphore_mem>>) src(%arg14 : memref<128x64xf32, #tpu.memory_space<vmem>>) dst(%dma_wait3A_267 : memref<10112x64xf32, #tpu.memory_space<vmem_shared>>)
            } else {
            }
            %add3A_253 = arith.constant 2 : i32
            %add3A_254 = arith.addi %scan3A_61, %add3A_253 : i32
            %dma_start3A_255 = arith.constant 0 : i32
            %dma_start3A_256 = tpu.memref_slice %arg11[%add3A_254, %dma_start3A_255] : memref<158x128xi32, #tpu.memory_space<vmem>> -> memref<1x128xi32, #tpu.memory_space<vmem>>
            %dma_start3A_257 = tpu.memref_squeeze %dma_start3A_256 : memref<1x128xi32, #tpu.memory_space<vmem>> -> memref<128xi32, #tpu.memory_space<vmem>>
            %dma_start3A_258 = arith.constant 0 : i32
            %dma_start3A_259 = arith.constant 0 : i32
            %dma_start3A_260 = tpu.memref_slice %arg3[%dma_start3A_258, %dma_start3A_259] : memref<10000x64xf32, #tpu.memory_space<hbm>> -> memref<10000x64xf32, #tpu.memory_space<hbm>>
            tpu.enqueue_indirect_dma source(%dma_start3A_260 : memref<10000x64xf32, #tpu.memory_space<hbm>>) target(%arg14 : memref<128x64xf32, #tpu.memory_space<vmem>>) offsets(%dma_start3A_257 : memref<128xi32, #tpu.memory_space<vmem>>) semaphore(%arg21 : memref<!tpu.dma_semaphore, #tpu.memory_space<semaphore_mem>>)
          } else {
          }
          %add3A_202 = arith.constant 2 : i32
          %add3A_203 = arith.addi %scan3A_61, %add3A_202 : i32
          %jit3A_204 = arith.constant 4 : i32
          %eq3A_205 = arith.constant 0 : i32
          %eq3A_206 = arith.cmpi eq, %jit3A_204, %eq3A_205 : i32
          %jit3A_207 = arith.constant 1 : i32
          %select_n3A_208 = arith.select %eq3A_206, %jit3A_207, %jit3A_204 : i32
          %rem3A_209 = arith.remsi %add3A_203, %select_n3A_208 : i32
          %ne3A_210 = arith.constant 0 : i32
          %ne3A_211 = arith.cmpi ne, %rem3A_209, %ne3A_210 : i32
          %lt3A_212 = arith.constant 0 : i32
          %lt3A_213 = arith.cmpi slt, %rem3A_209, %lt3A_212 : i32
          %lt3A_214 = arith.constant 0 : i32
          %lt3A_215 = arith.cmpi slt, %select_n3A_208, %lt3A_214 : i32
          %ne3A_216 = arith.xori %lt3A_213, %lt3A_215 : i1
          %and3A_217 = arith.andi %ne3A_216, %ne3A_211 : i1
          %add3A_218 = arith.addi %rem3A_209, %select_n3A_208 : i32
          %select_n3A_219 = arith.select %and3A_217, %add3A_218, %rem3A_209 : i32
          %eq3A_220 = arith.constant 2 : i32
          %eq3A_221 = arith.cmpi eq, %select_n3A_219, %eq3A_220 : i32
          %convert_element_type3A_222 = arith.extui %eq3A_221 : i1 to i32
          %cond3A_223 = arith.constant 0 : i32
          %cond3A_224 = arith.cmpi ne, %convert_element_type3A_222, %cond3A_223 : i32
          scf.if %cond3A_224 {
            %ge3A_248 = arith.constant 2 : i32
            %ge3A_249 = arith.cmpi sge, %scan3A_61, %ge3A_248 : i32
            %convert_element_type3A_250 = arith.extui %ge3A_249 : i1 to i32
            %cond3A_251 = arith.constant 0 : i32
            %cond3A_252 = arith.cmpi ne, %convert_element_type3A_250, %cond3A_251 : i32
            scf.if %cond3A_252 {
              %sub3A = arith.constant 2 : i32
              %sub3A_261 = arith.subi %scan3A_61, %sub3A : i32
              %dma_wait3A_262 = arith.constant 0 : i32
              %dma_wait3A_263 = tpu.memref_slice %arg12[%sub3A_261, %dma_wait3A_262] : memref<158x128xi32, #tpu.memory_space<vmem>> -> memref<1x128xi32, #tpu.memory_space<vmem>>
              %dma_wait3A_264 = tpu.memref_squeeze %dma_wait3A_263 : memref<1x128xi32, #tpu.memory_space<vmem>> -> memref<128xi32, #tpu.memory_space<vmem>>
              %dma_wait3A_265 = arith.constant 0 : i32
              %dma_wait3A_266 = arith.constant 0 : i32
              %dma_wait3A_267 = tpu.memref_slice %arg18[%dma_wait3A_265, %dma_wait3A_266] : memref<10112x64xf32, #tpu.memory_space<vmem_shared>> -> memref<10112x64xf32, #tpu.memory_space<vmem_shared>>
              tpu.wait_indirect_dma semaphore(%arg26 : memref<!tpu.dma_semaphore, #tpu.memory_space<semaphore_mem>>) src(%arg15 : memref<128x64xf32, #tpu.memory_space<vmem>>) dst(%dma_wait3A_267 : memref<10112x64xf32, #tpu.memory_space<vmem_shared>>)
            } else {
            }
            %add3A_253 = arith.constant 2 : i32
            %add3A_254 = arith.addi %scan3A_61, %add3A_253 : i32
            %dma_start3A_255 = arith.constant 0 : i32
            %dma_start3A_256 = tpu.memref_slice %arg11[%add3A_254, %dma_start3A_255] : memref<158x128xi32, #tpu.memory_space<vmem>> -> memref<1x128xi32, #tpu.memory_space<vmem>>
            %dma_start3A_257 = tpu.memref_squeeze %dma_start3A_256 : memref<1x128xi32, #tpu.memory_space<vmem>> -> memref<128xi32, #tpu.memory_space<vmem>>
            %dma_start3A_258 = arith.constant 0 : i32
            %dma_start3A_259 = arith.constant 0 : i32
            %dma_start3A_260 = tpu.memref_slice %arg3[%dma_start3A_258, %dma_start3A_259] : memref<10000x64xf32, #tpu.memory_space<hbm>> -> memref<10000x64xf32, #tpu.memory_space<hbm>>
            tpu.enqueue_indirect_dma source(%dma_start3A_260 : memref<10000x64xf32, #tpu.memory_space<hbm>>) target(%arg15 : memref<128x64xf32, #tpu.memory_space<vmem>>) offsets(%dma_start3A_257 : memref<128xi32, #tpu.memory_space<vmem>>) semaphore(%arg22 : memref<!tpu.dma_semaphore, #tpu.memory_space<semaphore_mem>>)
          } else {
          }
          %add3A_225 = arith.constant 2 : i32
          %add3A_226 = arith.addi %scan3A_61, %add3A_225 : i32
          %jit3A_227 = arith.constant 4 : i32
          %eq3A_228 = arith.constant 0 : i32
          %eq3A_229 = arith.cmpi eq, %jit3A_227, %eq3A_228 : i32
          %jit3A_230 = arith.constant 1 : i32
          %select_n3A_231 = arith.select %eq3A_229, %jit3A_230, %jit3A_227 : i32
          %rem3A_232 = arith.remsi %add3A_226, %select_n3A_231 : i32
          %ne3A_233 = arith.constant 0 : i32
          %ne3A_234 = arith.cmpi ne, %rem3A_232, %ne3A_233 : i32
          %lt3A_235 = arith.constant 0 : i32
          %lt3A_236 = arith.cmpi slt, %rem3A_232, %lt3A_235 : i32
          %lt3A_237 = arith.constant 0 : i32
          %lt3A_238 = arith.cmpi slt, %select_n3A_231, %lt3A_237 : i32
          %ne3A_239 = arith.xori %lt3A_236, %lt3A_238 : i1
          %and3A_240 = arith.andi %ne3A_239, %ne3A_234 : i1
          %add3A_241 = arith.addi %rem3A_232, %select_n3A_231 : i32
          %select_n3A_242 = arith.select %and3A_240, %add3A_241, %rem3A_232 : i32
          %eq3A_243 = arith.constant 3 : i32
          %eq3A_244 = arith.cmpi eq, %select_n3A_242, %eq3A_243 : i32
          %convert_element_type3A_245 = arith.extui %eq3A_244 : i1 to i32
          %cond3A_246 = arith.constant 0 : i32
          %cond3A_247 = arith.cmpi ne, %convert_element_type3A_245, %cond3A_246 : i32
          scf.if %cond3A_247 {
            %ge3A_248 = arith.constant 2 : i32
            %ge3A_249 = arith.cmpi sge, %scan3A_61, %ge3A_248 : i32
            %convert_element_type3A_250 = arith.extui %ge3A_249 : i1 to i32
            %cond3A_251 = arith.constant 0 : i32
            %cond3A_252 = arith.cmpi ne, %convert_element_type3A_250, %cond3A_251 : i32
            scf.if %cond3A_252 {
              %sub3A = arith.constant 2 : i32
              %sub3A_261 = arith.subi %scan3A_61, %sub3A : i32
              %dma_wait3A_262 = arith.constant 0 : i32
              %dma_wait3A_263 = tpu.memref_slice %arg12[%sub3A_261, %dma_wait3A_262] : memref<158x128xi32, #tpu.memory_space<vmem>> -> memref<1x128xi32, #tpu.memory_space<vmem>>
              %dma_wait3A_264 = tpu.memref_squeeze %dma_wait3A_263 : memref<1x128xi32, #tpu.memory_space<vmem>> -> memref<128xi32, #tpu.memory_space<vmem>>
              %dma_wait3A_265 = arith.constant 0 : i32
              %dma_wait3A_266 = arith.constant 0 : i32
              %dma_wait3A_267 = tpu.memref_slice %arg18[%dma_wait3A_265, %dma_wait3A_266] : memref<10112x64xf32, #tpu.memory_space<vmem_shared>> -> memref<10112x64xf32, #tpu.memory_space<vmem_shared>>
              tpu.wait_indirect_dma semaphore(%arg27 : memref<!tpu.dma_semaphore, #tpu.memory_space<semaphore_mem>>) src(%arg16 : memref<128x64xf32, #tpu.memory_space<vmem>>) dst(%dma_wait3A_267 : memref<10112x64xf32, #tpu.memory_space<vmem_shared>>)
            } else {
            }
            %add3A_253 = arith.constant 2 : i32
            %add3A_254 = arith.addi %scan3A_61, %add3A_253 : i32
            %dma_start3A_255 = arith.constant 0 : i32
            %dma_start3A_256 = tpu.memref_slice %arg11[%add3A_254, %dma_start3A_255] : memref<158x128xi32, #tpu.memory_space<vmem>> -> memref<1x128xi32, #tpu.memory_space<vmem>>
            %dma_start3A_257 = tpu.memref_squeeze %dma_start3A_256 : memref<1x128xi32, #tpu.memory_space<vmem>> -> memref<128xi32, #tpu.memory_space<vmem>>
            %dma_start3A_258 = arith.constant 0 : i32
            %dma_start3A_259 = arith.constant 0 : i32
            %dma_start3A_260 = tpu.memref_slice %arg3[%dma_start3A_258, %dma_start3A_259] : memref<10000x64xf32, #tpu.memory_space<hbm>> -> memref<10000x64xf32, #tpu.memory_space<hbm>>
            tpu.enqueue_indirect_dma source(%dma_start3A_260 : memref<10000x64xf32, #tpu.memory_space<hbm>>) target(%arg16 : memref<128x64xf32, #tpu.memory_space<vmem>>) offsets(%dma_start3A_257 : memref<128xi32, #tpu.memory_space<vmem>>) semaphore(%arg23 : memref<!tpu.dma_semaphore, #tpu.memory_space<semaphore_mem>>)
          } else {
          }
        } else {
        }
        %jit3A = arith.constant 4 : i32
        %eq3A_67 = arith.constant 0 : i32
        %eq3A_68 = arith.cmpi eq, %jit3A, %eq3A_67 : i32
        %jit3A_69 = arith.constant 1 : i32
        %select_n3A = arith.select %eq3A_68, %jit3A_69, %jit3A : i32
        %rem3A = arith.remsi %scan3A_61, %select_n3A : i32
        %ne3A = arith.constant 0 : i32
        %ne3A_70 = arith.cmpi ne, %rem3A, %ne3A : i32
        %lt3A_71 = arith.constant 0 : i32
        %lt3A_72 = arith.cmpi slt, %rem3A, %lt3A_71 : i32
        %lt3A_73 = arith.constant 0 : i32
        %lt3A_74 = arith.cmpi slt, %select_n3A, %lt3A_73 : i32
        %ne3A_75 = arith.xori %lt3A_72, %lt3A_74 : i1
        %and3A = arith.andi %ne3A_75, %ne3A_70 : i1
        %add3A_76 = arith.addi %rem3A, %select_n3A : i32
        %select_n3A_77 = arith.select %and3A, %add3A_76, %rem3A : i32
        %eq3A_78 = arith.constant 0 : i32
        %eq3A_79 = arith.cmpi eq, %select_n3A_77, %eq3A_78 : i32
        %convert_element_type3A_80 = arith.extui %eq3A_79 : i1 to i32
        %cond3A_81 = arith.constant 0 : i32
        %cond3A_82 = arith.cmpi ne, %convert_element_type3A_80, %cond3A_81 : i32
        scf.if %cond3A_82 {
          %dma_wait3A_156 = arith.constant 0 : i32
          %dma_wait3A_157 = tpu.memref_slice %arg11[%scan3A_61, %dma_wait3A_156] : memref<158x128xi32, #tpu.memory_space<vmem>> -> memref<1x128xi32, #tpu.memory_space<vmem>>
          %dma_wait3A_158 = tpu.memref_squeeze %dma_wait3A_157 : memref<1x128xi32, #tpu.memory_space<vmem>> -> memref<128xi32, #tpu.memory_space<vmem>>
          %dma_wait3A_159 = arith.constant 0 : i32
          %dma_wait3A_160 = arith.constant 0 : i32
          %dma_wait3A_161 = tpu.memref_slice %arg3[%dma_wait3A_159, %dma_wait3A_160] : memref<10000x64xf32, #tpu.memory_space<hbm>> -> memref<10000x64xf32, #tpu.memory_space<hbm>>
          tpu.wait_indirect_dma semaphore(%arg20 : memref<!tpu.dma_semaphore, #tpu.memory_space<semaphore_mem>>) src(%dma_wait3A_161 : memref<10000x64xf32, #tpu.memory_space<hbm>>) dst(%arg13 : memref<128x64xf32, #tpu.memory_space<vmem>>)
          %dma_start3A_162 = arith.constant 0 : i32
          %dma_start3A_163 = tpu.memref_slice %arg12[%scan3A_61, %dma_start3A_162] : memref<158x128xi32, #tpu.memory_space<vmem>> -> memref<1x128xi32, #tpu.memory_space<vmem>>
          %dma_start3A_164 = tpu.memref_squeeze %dma_start3A_163 : memref<1x128xi32, #tpu.memory_space<vmem>> -> memref<128xi32, #tpu.memory_space<vmem>>
          %dma_start3A_165 = arith.constant 0 : i32
          %dma_start3A_166 = arith.constant 0 : i32
          %dma_start3A_167 = tpu.memref_slice %arg18[%dma_start3A_165, %dma_start3A_166] : memref<10112x64xf32, #tpu.memory_space<vmem_shared>> -> memref<10112x64xf32, #tpu.memory_space<vmem_shared>>
          tpu.enqueue_indirect_dma source(%arg13 : memref<128x64xf32, #tpu.memory_space<vmem>>) target(%dma_start3A_167 : memref<10112x64xf32, #tpu.memory_space<vmem_shared>>) offsets(%dma_start3A_164 : memref<128xi32, #tpu.memory_space<vmem>>) semaphore(%arg24 : memref<!tpu.dma_semaphore, #tpu.memory_space<semaphore_mem>>) {add = true}
        } else {
        }
        %jit3A_83 = arith.constant 4 : i32
        %eq3A_84 = arith.constant 0 : i32
        %eq3A_85 = arith.cmpi eq, %jit3A_83, %eq3A_84 : i32
        %jit3A_86 = arith.constant 1 : i32
        %select_n3A_87 = arith.select %eq3A_85, %jit3A_86, %jit3A_83 : i32
        %rem3A_88 = arith.remsi %scan3A_61, %select_n3A_87 : i32
        %ne3A_89 = arith.constant 0 : i32
        %ne3A_90 = arith.cmpi ne, %rem3A_88, %ne3A_89 : i32
        %lt3A_91 = arith.constant 0 : i32
        %lt3A_92 = arith.cmpi slt, %rem3A_88, %lt3A_91 : i32
        %lt3A_93 = arith.constant 0 : i32
        %lt3A_94 = arith.cmpi slt, %select_n3A_87, %lt3A_93 : i32
        %ne3A_95 = arith.xori %lt3A_92, %lt3A_94 : i1
        %and3A_96 = arith.andi %ne3A_95, %ne3A_90 : i1
        %add3A_97 = arith.addi %rem3A_88, %select_n3A_87 : i32
        %select_n3A_98 = arith.select %and3A_96, %add3A_97, %rem3A_88 : i32
        %eq3A_99 = arith.constant 1 : i32
        %eq3A_100 = arith.cmpi eq, %select_n3A_98, %eq3A_99 : i32
        %convert_element_type3A_101 = arith.extui %eq3A_100 : i1 to i32
        %cond3A_102 = arith.constant 0 : i32
        %cond3A_103 = arith.cmpi ne, %convert_element_type3A_101, %cond3A_102 : i32
        scf.if %cond3A_103 {
          %dma_wait3A_156 = arith.constant 0 : i32
          %dma_wait3A_157 = tpu.memref_slice %arg11[%scan3A_61, %dma_wait3A_156] : memref<158x128xi32, #tpu.memory_space<vmem>> -> memref<1x128xi32, #tpu.memory_space<vmem>>
          %dma_wait3A_158 = tpu.memref_squeeze %dma_wait3A_157 : memref<1x128xi32, #tpu.memory_space<vmem>> -> memref<128xi32, #tpu.memory_space<vmem>>
          %dma_wait3A_159 = arith.constant 0 : i32
          %dma_wait3A_160 = arith.constant 0 : i32
          %dma_wait3A_161 = tpu.memref_slice %arg3[%dma_wait3A_159, %dma_wait3A_160] : memref<10000x64xf32, #tpu.memory_space<hbm>> -> memref<10000x64xf32, #tpu.memory_space<hbm>>
          tpu.wait_indirect_dma semaphore(%arg21 : memref<!tpu.dma_semaphore, #tpu.memory_space<semaphore_mem>>) src(%dma_wait3A_161 : memref<10000x64xf32, #tpu.memory_space<hbm>>) dst(%arg14 : memref<128x64xf32, #tpu.memory_space<vmem>>)
          %dma_start3A_162 = arith.constant 0 : i32
          %dma_start3A_163 = tpu.memref_slice %arg12[%scan3A_61, %dma_start3A_162] : memref<158x128xi32, #tpu.memory_space<vmem>> -> memref<1x128xi32, #tpu.memory_space<vmem>>
          %dma_start3A_164 = tpu.memref_squeeze %dma_start3A_163 : memref<1x128xi32, #tpu.memory_space<vmem>> -> memref<128xi32, #tpu.memory_space<vmem>>
          %dma_start3A_165 = arith.constant 0 : i32
          %dma_start3A_166 = arith.constant 0 : i32
          %dma_start3A_167 = tpu.memref_slice %arg18[%dma_start3A_165, %dma_start3A_166] : memref<10112x64xf32, #tpu.memory_space<vmem_shared>> -> memref<10112x64xf32, #tpu.memory_space<vmem_shared>>
          tpu.enqueue_indirect_dma source(%arg14 : memref<128x64xf32, #tpu.memory_space<vmem>>) target(%dma_start3A_167 : memref<10112x64xf32, #tpu.memory_space<vmem_shared>>) offsets(%dma_start3A_164 : memref<128xi32, #tpu.memory_space<vmem>>) semaphore(%arg25 : memref<!tpu.dma_semaphore, #tpu.memory_space<semaphore_mem>>) {add = true}
        } else {
        }
        %jit3A_104 = arith.constant 4 : i32
        %eq3A_105 = arith.constant 0 : i32
        %eq3A_106 = arith.cmpi eq, %jit3A_104, %eq3A_105 : i32
        %jit3A_107 = arith.constant 1 : i32
        %select_n3A_108 = arith.select %eq3A_106, %jit3A_107, %jit3A_104 : i32
        %rem3A_109 = arith.remsi %scan3A_61, %select_n3A_108 : i32
        %ne3A_110 = arith.constant 0 : i32
        %ne3A_111 = arith.cmpi ne, %rem3A_109, %ne3A_110 : i32
        %lt3A_112 = arith.constant 0 : i32
        %lt3A_113 = arith.cmpi slt, %rem3A_109, %lt3A_112 : i32
        %lt3A_114 = arith.constant 0 : i32
        %lt3A_115 = arith.cmpi slt, %select_n3A_108, %lt3A_114 : i32
        %ne3A_116 = arith.xori %lt3A_113, %lt3A_115 : i1
        %and3A_117 = arith.andi %ne3A_116, %ne3A_111 : i1
        %add3A_118 = arith.addi %rem3A_109, %select_n3A_108 : i32
        %select_n3A_119 = arith.select %and3A_117, %add3A_118, %rem3A_109 : i32
        %eq3A_120 = arith.constant 2 : i32
        %eq3A_121 = arith.cmpi eq, %select_n3A_119, %eq3A_120 : i32
        %convert_element_type3A_122 = arith.extui %eq3A_121 : i1 to i32
        %cond3A_123 = arith.constant 0 : i32
        %cond3A_124 = arith.cmpi ne, %convert_element_type3A_122, %cond3A_123 : i32
        scf.if %cond3A_124 {
          %dma_wait3A_156 = arith.constant 0 : i32
          %dma_wait3A_157 = tpu.memref_slice %arg11[%scan3A_61, %dma_wait3A_156] : memref<158x128xi32, #tpu.memory_space<vmem>> -> memref<1x128xi32, #tpu.memory_space<vmem>>
          %dma_wait3A_158 = tpu.memref_squeeze %dma_wait3A_157 : memref<1x128xi32, #tpu.memory_space<vmem>> -> memref<128xi32, #tpu.memory_space<vmem>>
          %dma_wait3A_159 = arith.constant 0 : i32
          %dma_wait3A_160 = arith.constant 0 : i32
          %dma_wait3A_161 = tpu.memref_slice %arg3[%dma_wait3A_159, %dma_wait3A_160] : memref<10000x64xf32, #tpu.memory_space<hbm>> -> memref<10000x64xf32, #tpu.memory_space<hbm>>
          tpu.wait_indirect_dma semaphore(%arg22 : memref<!tpu.dma_semaphore, #tpu.memory_space<semaphore_mem>>) src(%dma_wait3A_161 : memref<10000x64xf32, #tpu.memory_space<hbm>>) dst(%arg15 : memref<128x64xf32, #tpu.memory_space<vmem>>)
          %dma_start3A_162 = arith.constant 0 : i32
          %dma_start3A_163 = tpu.memref_slice %arg12[%scan3A_61, %dma_start3A_162] : memref<158x128xi32, #tpu.memory_space<vmem>> -> memref<1x128xi32, #tpu.memory_space<vmem>>
          %dma_start3A_164 = tpu.memref_squeeze %dma_start3A_163 : memref<1x128xi32, #tpu.memory_space<vmem>> -> memref<128xi32, #tpu.memory_space<vmem>>
          %dma_start3A_165 = arith.constant 0 : i32
          %dma_start3A_166 = arith.constant 0 : i32
          %dma_start3A_167 = tpu.memref_slice %arg18[%dma_start3A_165, %dma_start3A_166] : memref<10112x64xf32, #tpu.memory_space<vmem_shared>> -> memref<10112x64xf32, #tpu.memory_space<vmem_shared>>
          tpu.enqueue_indirect_dma source(%arg15 : memref<128x64xf32, #tpu.memory_space<vmem>>) target(%dma_start3A_167 : memref<10112x64xf32, #tpu.memory_space<vmem_shared>>) offsets(%dma_start3A_164 : memref<128xi32, #tpu.memory_space<vmem>>) semaphore(%arg26 : memref<!tpu.dma_semaphore, #tpu.memory_space<semaphore_mem>>) {add = true}
        } else {
        }
        %jit3A_125 = arith.constant 4 : i32
        %eq3A_126 = arith.constant 0 : i32
        %eq3A_127 = arith.cmpi eq, %jit3A_125, %eq3A_126 : i32
        %jit3A_128 = arith.constant 1 : i32
        %select_n3A_129 = arith.select %eq3A_127, %jit3A_128, %jit3A_125 : i32
        %rem3A_130 = arith.remsi %scan3A_61, %select_n3A_129 : i32
        %ne3A_131 = arith.constant 0 : i32
        %ne3A_132 = arith.cmpi ne, %rem3A_130, %ne3A_131 : i32
        %lt3A_133 = arith.constant 0 : i32
        %lt3A_134 = arith.cmpi slt, %rem3A_130, %lt3A_133 : i32
        %lt3A_135 = arith.constant 0 : i32
        %lt3A_136 = arith.cmpi slt, %select_n3A_129, %lt3A_135 : i32
        %ne3A_137 = arith.xori %lt3A_134, %lt3A_136 : i1
        %and3A_138 = arith.andi %ne3A_137, %ne3A_132 : i1
        %add3A_139 = arith.addi %rem3A_130, %select_n3A_129 : i32
        %select_n3A_140 = arith.select %and3A_138, %add3A_139, %rem3A_130 : i32
        %eq3A_141 = arith.constant 3 : i32
        %eq3A_142 = arith.cmpi eq, %select_n3A_140, %eq3A_141 : i32
        %convert_element_type3A_143 = arith.extui %eq3A_142 : i1 to i32
        %cond3A_144 = arith.constant 0 : i32
        %cond3A_145 = arith.cmpi ne, %convert_element_type3A_143, %cond3A_144 : i32
        scf.if %cond3A_145 {
          %dma_wait3A_156 = arith.constant 0 : i32
          %dma_wait3A_157 = tpu.memref_slice %arg11[%scan3A_61, %dma_wait3A_156] : memref<158x128xi32, #tpu.memory_space<vmem>> -> memref<1x128xi32, #tpu.memory_space<vmem>>
          %dma_wait3A_158 = tpu.memref_squeeze %dma_wait3A_157 : memref<1x128xi32, #tpu.memory_space<vmem>> -> memref<128xi32, #tpu.memory_space<vmem>>
          %dma_wait3A_159 = arith.constant 0 : i32
          %dma_wait3A_160 = arith.constant 0 : i32
          %dma_wait3A_161 = tpu.memref_slice %arg3[%dma_wait3A_159, %dma_wait3A_160] : memref<10000x64xf32, #tpu.memory_space<hbm>> -> memref<10000x64xf32, #tpu.memory_space<hbm>>
          tpu.wait_indirect_dma semaphore(%arg23 : memref<!tpu.dma_semaphore, #tpu.memory_space<semaphore_mem>>) src(%dma_wait3A_161 : memref<10000x64xf32, #tpu.memory_space<hbm>>) dst(%arg16 : memref<128x64xf32, #tpu.memory_space<vmem>>)
          %dma_start3A_162 = arith.constant 0 : i32
          %dma_start3A_163 = tpu.memref_slice %arg12[%scan3A_61, %dma_start3A_162] : memref<158x128xi32, #tpu.memory_space<vmem>> -> memref<1x128xi32, #tpu.memory_space<vmem>>
          %dma_start3A_164 = tpu.memref_squeeze %dma_start3A_163 : memref<1x128xi32, #tpu.memory_space<vmem>> -> memref<128xi32, #tpu.memory_space<vmem>>
          %dma_start3A_165 = arith.constant 0 : i32
          %dma_start3A_166 = arith.constant 0 : i32
          %dma_start3A_167 = tpu.memref_slice %arg18[%dma_start3A_165, %dma_start3A_166] : memref<10112x64xf32, #tpu.memory_space<vmem_shared>> -> memref<10112x64xf32, #tpu.memory_space<vmem_shared>>
          tpu.enqueue_indirect_dma source(%arg16 : memref<128x64xf32, #tpu.memory_space<vmem>>) target(%dma_start3A_167 : memref<10112x64xf32, #tpu.memory_space<vmem_shared>>) offsets(%dma_start3A_164 : memref<128xi32, #tpu.memory_space<vmem>>) semaphore(%arg27 : memref<!tpu.dma_semaphore, #tpu.memory_space<semaphore_mem>>) {add = true}
        } else {
        }
        %ge3A = arith.constant 1 : i32
        %ge3A_146 = arith.cmpi sge, %scan3A_61, %ge3A : i32
        %convert_element_type3A_147 = arith.extui %ge3A_146 : i1 to i32
        %cond3A_148 = arith.constant 0 : i32
        %cond3A_149 = arith.cmpi ne, %convert_element_type3A_147, %cond3A_148 : i32
        scf.if %cond3A_149 {
          %sub3A = arith.constant 1 : i32
          %sub3A_156 = arith.subi %scan3A_61, %sub3A : i32
          %dma_wait3A_157 = arith.constant 0 : i32
          %dma_wait3A_158 = tpu.memref_slice %arg12[%sub3A_156, %dma_wait3A_157] : memref<158x128xi32, #tpu.memory_space<vmem>> -> memref<1x128xi32, #tpu.memory_space<vmem>>
          %dma_wait3A_159 = tpu.memref_squeeze %dma_wait3A_158 : memref<1x128xi32, #tpu.memory_space<vmem>> -> memref<128xi32, #tpu.memory_space<vmem>>
          %dma_wait3A_160 = arith.constant 0 : i32
          %dma_wait3A_161 = arith.constant 0 : i32
          %dma_wait3A_162 = tpu.memref_slice %arg19[%dma_wait3A_160, %dma_wait3A_161] : memref<10112x8xf32, #tpu.memory_space<vmem_shared>> -> memref<10112x8xf32, #tpu.memory_space<vmem_shared>>
          tpu.wait_indirect_dma semaphore(%arg28 : memref<!tpu.dma_semaphore, #tpu.memory_space<semaphore_mem>>) src(%arg17 : memref<128x8xf32, #tpu.memory_space<vmem>>) dst(%dma_wait3A_162 : memref<10112x8xf32, #tpu.memory_space<vmem_shared>>)
        } else {
        }
        %dma_start3A_150 = arith.constant 0 : i32
        %dma_start3A_151 = tpu.memref_slice %arg12[%scan3A_61, %dma_start3A_150] : memref<158x128xi32, #tpu.memory_space<vmem>> -> memref<1x128xi32, #tpu.memory_space<vmem>>
        %dma_start3A_152 = tpu.memref_squeeze %dma_start3A_151 : memref<1x128xi32, #tpu.memory_space<vmem>> -> memref<128xi32, #tpu.memory_space<vmem>>
        %dma_start3A_153 = arith.constant 0 : i32
        %dma_start3A_154 = arith.constant 0 : i32
        %dma_start3A_155 = tpu.memref_slice %arg19[%dma_start3A_153, %dma_start3A_154] : memref<10112x8xf32, #tpu.memory_space<vmem_shared>> -> memref<10112x8xf32, #tpu.memory_space<vmem_shared>>
        tpu.enqueue_indirect_dma source(%arg17 : memref<128x8xf32, #tpu.memory_space<vmem>>) target(%dma_start3A_155 : memref<10112x8xf32, #tpu.memory_space<vmem_shared>>) offsets(%dma_start3A_152 : memref<128xi32, #tpu.memory_space<vmem>>) semaphore(%arg28 : memref<!tpu.dma_semaphore, #tpu.memory_space<semaphore_mem>>) {add = true}
      }
      %scan3A_26 = arith.constant 158 : i32
      %dma_wait3A = arith.constant 154 : i32
      %dma_wait3A_27 = arith.constant 0 : i32
      %dma_wait3A_28 = tpu.memref_slice %arg12[%dma_wait3A, %dma_wait3A_27] : memref<158x128xi32, #tpu.memory_space<vmem>> -> memref<1x128xi32, #tpu.memory_space<vmem>>
      %dma_wait3A_29 = tpu.memref_squeeze %dma_wait3A_28 : memref<1x128xi32, #tpu.memory_space<vmem>> -> memref<128xi32, #tpu.memory_space<vmem>>
      %dma_wait3A_30 = arith.constant 0 : i32
      %dma_wait3A_31 = arith.constant 0 : i32
      %dma_wait3A_32 = tpu.memref_slice %arg18[%dma_wait3A_30, %dma_wait3A_31] : memref<10112x64xf32, #tpu.memory_space<vmem_shared>> -> memref<10112x64xf32, #tpu.memory_space<vmem_shared>>
      tpu.wait_indirect_dma semaphore(%arg26 : memref<!tpu.dma_semaphore, #tpu.memory_space<semaphore_mem>>) src(%arg15 : memref<128x64xf32, #tpu.memory_space<vmem>>) dst(%dma_wait3A_32 : memref<10112x64xf32, #tpu.memory_space<vmem_shared>>)
      %dma_wait3A_33 = arith.constant 155 : i32
      %dma_wait3A_34 = arith.constant 0 : i32
      %dma_wait3A_35 = tpu.memref_slice %arg12[%dma_wait3A_33, %dma_wait3A_34] : memref<158x128xi32, #tpu.memory_space<vmem>> -> memref<1x128xi32, #tpu.memory_space<vmem>>
      %dma_wait3A_36 = tpu.memref_squeeze %dma_wait3A_35 : memref<1x128xi32, #tpu.memory_space<vmem>> -> memref<128xi32, #tpu.memory_space<vmem>>
      %dma_wait3A_37 = arith.constant 0 : i32
      %dma_wait3A_38 = arith.constant 0 : i32
      %dma_wait3A_39 = tpu.memref_slice %arg18[%dma_wait3A_37, %dma_wait3A_38] : memref<10112x64xf32, #tpu.memory_space<vmem_shared>> -> memref<10112x64xf32, #tpu.memory_space<vmem_shared>>
      tpu.wait_indirect_dma semaphore(%arg27 : memref<!tpu.dma_semaphore, #tpu.memory_space<semaphore_mem>>) src(%arg16 : memref<128x64xf32, #tpu.memory_space<vmem>>) dst(%dma_wait3A_39 : memref<10112x64xf32, #tpu.memory_space<vmem_shared>>)
      %dma_wait3A_40 = arith.constant 156 : i32
      %dma_wait3A_41 = arith.constant 0 : i32
      %dma_wait3A_42 = tpu.memref_slice %arg12[%dma_wait3A_40, %dma_wait3A_41] : memref<158x128xi32, #tpu.memory_space<vmem>> -> memref<1x128xi32, #tpu.memory_space<vmem>>
      %dma_wait3A_43 = tpu.memref_squeeze %dma_wait3A_42 : memref<1x128xi32, #tpu.memory_space<vmem>> -> memref<128xi32, #tpu.memory_space<vmem>>
      %dma_wait3A_44 = arith.constant 0 : i32
      %dma_wait3A_45 = arith.constant 0 : i32
      %dma_wait3A_46 = tpu.memref_slice %arg18[%dma_wait3A_44, %dma_wait3A_45] : memref<10112x64xf32, #tpu.memory_space<vmem_shared>> -> memref<10112x64xf32, #tpu.memory_space<vmem_shared>>
      tpu.wait_indirect_dma semaphore(%arg24 : memref<!tpu.dma_semaphore, #tpu.memory_space<semaphore_mem>>) src(%arg13 : memref<128x64xf32, #tpu.memory_space<vmem>>) dst(%dma_wait3A_46 : memref<10112x64xf32, #tpu.memory_space<vmem_shared>>)
      %dma_wait3A_47 = arith.constant 157 : i32
      %dma_wait3A_48 = arith.constant 0 : i32
      %dma_wait3A_49 = tpu.memref_slice %arg12[%dma_wait3A_47, %dma_wait3A_48] : memref<158x128xi32, #tpu.memory_space<vmem>> -> memref<1x128xi32, #tpu.memory_space<vmem>>
      %dma_wait3A_50 = tpu.memref_squeeze %dma_wait3A_49 : memref<1x128xi32, #tpu.memory_space<vmem>> -> memref<128xi32, #tpu.memory_space<vmem>>
      %dma_wait3A_51 = arith.constant 0 : i32
      %dma_wait3A_52 = arith.constant 0 : i32
      %dma_wait3A_53 = tpu.memref_slice %arg18[%dma_wait3A_51, %dma_wait3A_52] : memref<10112x64xf32, #tpu.memory_space<vmem_shared>> -> memref<10112x64xf32, #tpu.memory_space<vmem_shared>>
      tpu.wait_indirect_dma semaphore(%arg25 : memref<!tpu.dma_semaphore, #tpu.memory_space<semaphore_mem>>) src(%arg14 : memref<128x64xf32, #tpu.memory_space<vmem>>) dst(%dma_wait3A_53 : memref<10112x64xf32, #tpu.memory_space<vmem_shared>>)
      %dma_wait3A_54 = arith.constant 157 : i32
      %dma_wait3A_55 = arith.constant 0 : i32
      %dma_wait3A_56 = tpu.memref_slice %arg12[%dma_wait3A_54, %dma_wait3A_55] : memref<158x128xi32, #tpu.memory_space<vmem>> -> memref<1x128xi32, #tpu.memory_space<vmem>>
      %dma_wait3A_57 = tpu.memref_squeeze %dma_wait3A_56 : memref<1x128xi32, #tpu.memory_space<vmem>> -> memref<128xi32, #tpu.memory_space<vmem>>
      %dma_wait3A_58 = arith.constant 0 : i32
      %dma_wait3A_59 = arith.constant 0 : i32
      %dma_wait3A_60 = tpu.memref_slice %arg19[%dma_wait3A_58, %dma_wait3A_59] : memref<10112x8xf32, #tpu.memory_space<vmem_shared>> -> memref<10112x8xf32, #tpu.memory_space<vmem_shared>>
      tpu.wait_indirect_dma semaphore(%arg28 : memref<!tpu.dma_semaphore, #tpu.memory_space<semaphore_mem>>) src(%arg17 : memref<128x8xf32, #tpu.memory_space<vmem>>) dst(%dma_wait3A_60 : memref<10112x8xf32, #tpu.memory_space<vmem_shared>>)
    } else {
    }
    %barrier3A_8 = arith.constant 0 : index
    tpu.barrier barrier_id(%barrier3A_8)
    "tpu.region"() ({
      %run_scoped3A = tpu.sem_alloc : memref<!tpu.dma_semaphore, #tpu.memory_space<semaphore_mem>>
      %dma_start3A = arith.constant 0 : i32
      %dma_start3A_9 = tpu.memref_slice %arg9[%arg0, %mul3A_0, %dma_start3A] : memref<2x10112x64xf32, #tpu.memory_space<hbm>> -> memref<1x632x64xf32, #tpu.memory_space<hbm>>
      %dma_start3A_10 = tpu.memref_squeeze %dma_start3A_9 : memref<1x632x64xf32, #tpu.memory_space<hbm>> -> memref<632x64xf32, #tpu.memory_space<hbm>>
      %dma_start3A_11 = arith.constant 0 : i32
      %dma_start3A_12 = tpu.memref_slice %arg18[%mul3A_0, %dma_start3A_11] : memref<10112x64xf32, #tpu.memory_space<vmem_shared>> -> memref<632x64xf32, #tpu.memory_space<vmem_shared>>
      tpu.enqueue_dma source(%dma_start3A_12 : memref<632x64xf32, #tpu.memory_space<vmem_shared>>) target(%dma_start3A_10 : memref<632x64xf32, #tpu.memory_space<hbm>>) target_semaphore(%run_scoped3A : memref<!tpu.dma_semaphore, #tpu.memory_space<semaphore_mem>>)
      %dma_wait3A = arith.constant 0 : i32
      %dma_wait3A_13 = tpu.memref_slice %arg9[%arg0, %mul3A_0, %dma_wait3A] : memref<2x10112x64xf32, #tpu.memory_space<hbm>> -> memref<1x632x64xf32, #tpu.memory_space<hbm>>
      %dma_wait3A_14 = tpu.memref_squeeze %dma_wait3A_13 : memref<1x632x64xf32, #tpu.memory_space<hbm>> -> memref<632x64xf32, #tpu.memory_space<hbm>>
      %dma_wait3A_15 = arith.constant 0 : i32
      %dma_wait3A_16 = tpu.memref_slice %arg18[%mul3A_0, %dma_wait3A_15] : memref<10112x64xf32, #tpu.memory_space<vmem_shared>> -> memref<632x64xf32, #tpu.memory_space<vmem_shared>>
      tpu.wait_dma2 semaphore(%run_scoped3A : memref<!tpu.dma_semaphore, #tpu.memory_space<semaphore_mem>>) src(%dma_wait3A_16 : memref<632x64xf32, #tpu.memory_space<vmem_shared>>) dst(%dma_wait3A_14 : memref<632x64xf32, #tpu.memory_space<hbm>>)
      tpu.yield
    }) : () -> ()
    "tpu.region"() ({
      %run_scoped3A = tpu.sem_alloc : memref<!tpu.dma_semaphore, #tpu.memory_space<semaphore_mem>>
      %dma_start3A = arith.constant 0 : i32
      %dma_start3A_9 = tpu.memref_slice %arg10[%arg0, %mul3A_0, %dma_start3A] : memref<2x10112x8xf32, #tpu.memory_space<hbm>> -> memref<1x632x8xf32, #tpu.memory_space<hbm>>
      %dma_start3A_10 = tpu.memref_squeeze %dma_start3A_9 : memref<1x632x8xf32, #tpu.memory_space<hbm>> -> memref<632x8xf32, #tpu.memory_space<hbm>>
      %dma_start3A_11 = arith.constant 0 : i32
      %dma_start3A_12 = tpu.memref_slice %arg19[%mul3A_0, %dma_start3A_11] : memref<10112x8xf32, #tpu.memory_space<vmem_shared>> -> memref<632x8xf32, #tpu.memory_space<vmem_shared>>
      tpu.enqueue_dma source(%dma_start3A_12 : memref<632x8xf32, #tpu.memory_space<vmem_shared>>) target(%dma_start3A_10 : memref<632x8xf32, #tpu.memory_space<hbm>>) target_semaphore(%run_scoped3A : memref<!tpu.dma_semaphore, #tpu.memory_space<semaphore_mem>>)
      %dma_wait3A = arith.constant 0 : i32
      %dma_wait3A_13 = tpu.memref_slice %arg10[%arg0, %mul3A_0, %dma_wait3A] : memref<2x10112x8xf32, #tpu.memory_space<hbm>> -> memref<1x632x8xf32, #tpu.memory_space<hbm>>
      %dma_wait3A_14 = tpu.memref_squeeze %dma_wait3A_13 : memref<1x632x8xf32, #tpu.memory_space<hbm>> -> memref<632x8xf32, #tpu.memory_space<hbm>>
      %dma_wait3A_15 = arith.constant 0 : i32
      %dma_wait3A_16 = tpu.memref_slice %arg19[%mul3A_0, %dma_wait3A_15] : memref<10112x8xf32, #tpu.memory_space<vmem_shared>> -> memref<632x8xf32, #tpu.memory_space<vmem_shared>>
      tpu.wait_dma2 semaphore(%run_scoped3A : memref<!tpu.dma_semaphore, #tpu.memory_space<semaphore_mem>>) src(%dma_wait3A_16 : memref<632x8xf32, #tpu.memory_space<vmem_shared>>) dst(%dma_wait3A_14 : memref<632x8xf32, #tpu.memory_space<hbm>>)
      tpu.yield
    }) : () -> ()
    return
  }
}

#map = affine_map<(d0, d1) -> (0, 0)>
#map1 = affine_map<(d0, d1) -> (0, 0, 0)>
module attributes {stable_mosaic.version = 14 : i64} {
  func.func @body(%arg0: i32, %arg1: i32, %arg2: memref<10000x40xf32, #tpu.memory_space<hbm>>, %arg3: memref<32x79x128xi32, #tpu.memory_space<hbm>>, %arg4: memref<32x79x128xi32, #tpu.memory_space<hbm>>, %arg5: memref<632x40xf32, #tpu.memory_space<hbm>>, %arg6: memref<2x10112x40xf32, #tpu.memory_space<hbm>>, %arg7: memref<79x128xi32, #tpu.memory_space<vmem>>, %arg8: memref<79x128xi32, #tpu.memory_space<vmem>>, %arg9: memref<128x40xf32, #tpu.memory_space<vmem>>, %arg10: memref<128x40xf32, #tpu.memory_space<vmem>>, %arg11: memref<128x40xf32, #tpu.memory_space<vmem>>, %arg12: memref<128x40xf32, #tpu.memory_space<vmem>>, %arg13: memref<10112x40xf32, #tpu.memory_space<vmem_shared>>, %arg14: memref<!tpu.dma_semaphore, #tpu.memory_space<semaphore_mem>>, %arg15: memref<!tpu.dma_semaphore, #tpu.memory_space<semaphore_mem>>, %arg16: memref<!tpu.dma_semaphore, #tpu.memory_space<semaphore_mem>>, %arg17: memref<!tpu.dma_semaphore, #tpu.memory_space<semaphore_mem>>, %arg18: memref<!tpu.dma_semaphore, #tpu.memory_space<semaphore_mem>>, %arg19: memref<!tpu.dma_semaphore, #tpu.memory_space<semaphore_mem>>, %arg20: memref<!tpu.dma_semaphore, #tpu.memory_space<semaphore_mem>>, %arg21: memref<!tpu.dma_semaphore, #tpu.memory_space<semaphore_mem>>) attributes {dimension_semantics = [#tpu.dimension_semantics<core_parallel>, #tpu.dimension_semantics<subcore_parallel>], iteration_bounds = array<i64: 2, 16>, scalar_prefetch = 0 : i64, scratch_operands = 15 : i64, tpu.core_type = #tpu.core_type<sc_vector_subcore>, window_params = [{transform_indices = #map}, {transform_indices = #map1}, {transform_indices = #map1}, {transform_indices = #map}, {transform_indices = #map1}]} {
    %mul3A = arith.constant 16 : i32
    %mul3A_0 = arith.muli %arg0, %mul3A : i32
    %add3A = arith.addi %mul3A_0, %arg1 : i32
    %mul3A_1 = arith.constant 632 : i32
    %mul3A_2 = arith.muli %arg1, %mul3A_1 : i32
    "tpu.region"() ({
      %run_scoped3A = tpu.sem_alloc : memref<!tpu.dma_semaphore, #tpu.memory_space<semaphore_mem>>
      %dma_start3A_49 = arith.constant 0 : i32
      %dma_start3A_50 = tpu.memref_slice %arg13[%mul3A_2, %dma_start3A_49] : memref<10112x40xf32, #tpu.memory_space<vmem_shared>> -> memref<632x40xf32, #tpu.memory_space<vmem_shared>>
      tpu.enqueue_dma source(%arg5 : memref<632x40xf32, #tpu.memory_space<hbm>>) target(%dma_start3A_50 : memref<632x40xf32, #tpu.memory_space<vmem_shared>>) target_semaphore(%run_scoped3A : memref<!tpu.dma_semaphore, #tpu.memory_space<semaphore_mem>>)
      %dma_wait3A_51 = arith.constant 0 : i32
      %dma_wait3A_52 = tpu.memref_slice %arg13[%mul3A_2, %dma_wait3A_51] : memref<10112x40xf32, #tpu.memory_space<vmem_shared>> -> memref<632x40xf32, #tpu.memory_space<vmem_shared>>
      tpu.wait_dma2 semaphore(%run_scoped3A : memref<!tpu.dma_semaphore, #tpu.memory_space<semaphore_mem>>) src(%arg5 : memref<632x40xf32, #tpu.memory_space<hbm>>) dst(%dma_wait3A_52 : memref<632x40xf32, #tpu.memory_space<vmem_shared>>)
      tpu.yield
    }) : () -> ()
    "tpu.region"() ({
      %run_scoped3A = tpu.sem_alloc : memref<!tpu.dma_semaphore, #tpu.memory_space<semaphore_mem>>
      %dma_start3A_49 = arith.constant 0 : i32
      %dma_start3A_50 = arith.constant 0 : i32
      %dma_start3A_51 = tpu.memref_slice %arg3[%add3A, %dma_start3A_49, %dma_start3A_50] : memref<32x79x128xi32, #tpu.memory_space<hbm>> -> memref<1x79x128xi32, #tpu.memory_space<hbm>>
      %dma_start3A_52 = tpu.memref_squeeze %dma_start3A_51 : memref<1x79x128xi32, #tpu.memory_space<hbm>> -> memref<79x128xi32, #tpu.memory_space<hbm>>
      %dma_start3A_53 = arith.constant 0 : i32
      %dma_start3A_54 = arith.constant 0 : i32
      %dma_start3A_55 = tpu.memref_slice %arg3[%add3A, %dma_start3A_53, %dma_start3A_54] : memref<32x79x128xi32, #tpu.memory_space<hbm>> -> memref<1x79x128xi32, #tpu.memory_space<hbm>>
      %dma_start3A_56 = tpu.memref_squeeze %dma_start3A_55 : memref<1x79x128xi32, #tpu.memory_space<hbm>> -> memref<79x128xi32, #tpu.memory_space<hbm>>
      tpu.enqueue_dma source(%dma_start3A_56 : memref<79x128xi32, #tpu.memory_space<hbm>>) target(%arg7 : memref<79x128xi32, #tpu.memory_space<vmem>>) target_semaphore(%run_scoped3A : memref<!tpu.dma_semaphore, #tpu.memory_space<semaphore_mem>>)
      %dma_wait3A_57 = arith.constant 0 : i32
      %dma_wait3A_58 = arith.constant 0 : i32
      %dma_wait3A_59 = tpu.memref_slice %arg3[%add3A, %dma_wait3A_57, %dma_wait3A_58] : memref<32x79x128xi32, #tpu.memory_space<hbm>> -> memref<1x79x128xi32, #tpu.memory_space<hbm>>
      %dma_wait3A_60 = tpu.memref_squeeze %dma_wait3A_59 : memref<1x79x128xi32, #tpu.memory_space<hbm>> -> memref<79x128xi32, #tpu.memory_space<hbm>>
      %dma_wait3A_61 = arith.constant 0 : i32
      %dma_wait3A_62 = arith.constant 0 : i32
      %dma_wait3A_63 = tpu.memref_slice %arg3[%add3A, %dma_wait3A_61, %dma_wait3A_62] : memref<32x79x128xi32, #tpu.memory_space<hbm>> -> memref<1x79x128xi32, #tpu.memory_space<hbm>>
      %dma_wait3A_64 = tpu.memref_squeeze %dma_wait3A_63 : memref<1x79x128xi32, #tpu.memory_space<hbm>> -> memref<79x128xi32, #tpu.memory_space<hbm>>
      tpu.wait_dma2 semaphore(%run_scoped3A : memref<!tpu.dma_semaphore, #tpu.memory_space<semaphore_mem>>) src(%dma_wait3A_64 : memref<79x128xi32, #tpu.memory_space<hbm>>) dst(%arg7 : memref<79x128xi32, #tpu.memory_space<vmem>>)
      tpu.yield
    }) : () -> ()
    "tpu.region"() ({
      %run_scoped3A = tpu.sem_alloc : memref<!tpu.dma_semaphore, #tpu.memory_space<semaphore_mem>>
      %dma_start3A_49 = arith.constant 0 : i32
      %dma_start3A_50 = arith.constant 0 : i32
      %dma_start3A_51 = tpu.memref_slice %arg4[%add3A, %dma_start3A_49, %dma_start3A_50] : memref<32x79x128xi32, #tpu.memory_space<hbm>> -> memref<1x79x128xi32, #tpu.memory_space<hbm>>
      %dma_start3A_52 = tpu.memref_squeeze %dma_start3A_51 : memref<1x79x128xi32, #tpu.memory_space<hbm>> -> memref<79x128xi32, #tpu.memory_space<hbm>>
      %dma_start3A_53 = arith.constant 0 : i32
      %dma_start3A_54 = arith.constant 0 : i32
      %dma_start3A_55 = tpu.memref_slice %arg4[%add3A, %dma_start3A_53, %dma_start3A_54] : memref<32x79x128xi32, #tpu.memory_space<hbm>> -> memref<1x79x128xi32, #tpu.memory_space<hbm>>
      %dma_start3A_56 = tpu.memref_squeeze %dma_start3A_55 : memref<1x79x128xi32, #tpu.memory_space<hbm>> -> memref<79x128xi32, #tpu.memory_space<hbm>>
      tpu.enqueue_dma source(%dma_start3A_56 : memref<79x128xi32, #tpu.memory_space<hbm>>) target(%arg8 : memref<79x128xi32, #tpu.memory_space<vmem>>) target_semaphore(%run_scoped3A : memref<!tpu.dma_semaphore, #tpu.memory_space<semaphore_mem>>)
      %dma_wait3A_57 = arith.constant 0 : i32
      %dma_wait3A_58 = arith.constant 0 : i32
      %dma_wait3A_59 = tpu.memref_slice %arg4[%add3A, %dma_wait3A_57, %dma_wait3A_58] : memref<32x79x128xi32, #tpu.memory_space<hbm>> -> memref<1x79x128xi32, #tpu.memory_space<hbm>>
      %dma_wait3A_60 = tpu.memref_squeeze %dma_wait3A_59 : memref<1x79x128xi32, #tpu.memory_space<hbm>> -> memref<79x128xi32, #tpu.memory_space<hbm>>
      %dma_wait3A_61 = arith.constant 0 : i32
      %dma_wait3A_62 = arith.constant 0 : i32
      %dma_wait3A_63 = tpu.memref_slice %arg4[%add3A, %dma_wait3A_61, %dma_wait3A_62] : memref<32x79x128xi32, #tpu.memory_space<hbm>> -> memref<1x79x128xi32, #tpu.memory_space<hbm>>
      %dma_wait3A_64 = tpu.memref_squeeze %dma_wait3A_63 : memref<1x79x128xi32, #tpu.memory_space<hbm>> -> memref<79x128xi32, #tpu.memory_space<hbm>>
      tpu.wait_dma2 semaphore(%run_scoped3A : memref<!tpu.dma_semaphore, #tpu.memory_space<semaphore_mem>>) src(%dma_wait3A_64 : memref<79x128xi32, #tpu.memory_space<hbm>>) dst(%arg8 : memref<79x128xi32, #tpu.memory_space<vmem>>)
      tpu.yield
    }) : () -> ()
    %barrier3A = arith.constant 0 : index
    tpu.barrier barrier_id(%barrier3A)
    %dma_start3A = arith.constant 0 : i32
    %dma_start3A_3 = arith.constant 0 : i32
    %dma_start3A_4 = tpu.memref_slice %arg7[%dma_start3A, %dma_start3A_3] : memref<79x128xi32, #tpu.memory_space<vmem>> -> memref<1x128xi32, #tpu.memory_space<vmem>>
    %dma_start3A_5 = tpu.memref_squeeze %dma_start3A_4 : memref<1x128xi32, #tpu.memory_space<vmem>> -> memref<128xi32, #tpu.memory_space<vmem>>
    %dma_start3A_6 = arith.constant 0 : i32
    %dma_start3A_7 = arith.constant 0 : i32
    %dma_start3A_8 = tpu.memref_slice %arg2[%dma_start3A_6, %dma_start3A_7] : memref<10000x40xf32, #tpu.memory_space<hbm>> -> memref<10000x40xf32, #tpu.memory_space<hbm>>
    tpu.enqueue_indirect_dma source(%dma_start3A_8 : memref<10000x40xf32, #tpu.memory_space<hbm>>) target(%arg9 : memref<128x40xf32, #tpu.memory_space<vmem>>) offsets(%dma_start3A_5 : memref<128xi32, #tpu.memory_space<vmem>>) semaphore(%arg14 : memref<!tpu.dma_semaphore, #tpu.memory_space<semaphore_mem>>)
    %dma_start3A_9 = arith.constant 1 : i32
    %dma_start3A_10 = arith.constant 0 : i32
    %dma_start3A_11 = tpu.memref_slice %arg7[%dma_start3A_9, %dma_start3A_10] : memref<79x128xi32, #tpu.memory_space<vmem>> -> memref<1x128xi32, #tpu.memory_space<vmem>>
    %dma_start3A_12 = tpu.memref_squeeze %dma_start3A_11 : memref<1x128xi32, #tpu.memory_space<vmem>> -> memref<128xi32, #tpu.memory_space<vmem>>
    %dma_start3A_13 = arith.constant 0 : i32
    %dma_start3A_14 = arith.constant 0 : i32
    %dma_start3A_15 = tpu.memref_slice %arg2[%dma_start3A_13, %dma_start3A_14] : memref<10000x40xf32, #tpu.memory_space<hbm>> -> memref<10000x40xf32, #tpu.memory_space<hbm>>
    tpu.enqueue_indirect_dma source(%dma_start3A_15 : memref<10000x40xf32, #tpu.memory_space<hbm>>) target(%arg10 : memref<128x40xf32, #tpu.memory_space<vmem>>) offsets(%dma_start3A_12 : memref<128xi32, #tpu.memory_space<vmem>>) semaphore(%arg15 : memref<!tpu.dma_semaphore, #tpu.memory_space<semaphore_mem>>)
    %scan3A = arith.constant 0 : i32
    %scan3A_16 = arith.constant 0 : i32
    %scan3A_17 = arith.constant 79 : i32
    %scan3A_18 = arith.addi %scan3A_16, %scan3A_17 : i32
    %scan3A_19 = arith.constant 1 : i32
    scf.for %scan3A_49 = %scan3A_16 to %scan3A_18 step %scan3A_19  : i32 {
      %add3A_50 = arith.constant 2 : i32
      %add3A_51 = arith.addi %scan3A_49, %add3A_50 : i32
      %lt3A = arith.constant 79 : i32
      %lt3A_52 = arith.cmpi slt, %add3A_51, %lt3A : i32
      %convert_element_type3A = arith.extui %lt3A_52 : i1 to i32
      %cond3A = arith.constant 0 : i32
      %cond3A_53 = arith.cmpi ne, %convert_element_type3A, %cond3A : i32
      scf.if %cond3A_53 {
        %add3A_132 = arith.constant 2 : i32
        %add3A_133 = arith.addi %scan3A_49, %add3A_132 : i32
        %jit3A_134 = arith.constant 4 : i32
        %eq3A_135 = arith.constant 0 : i32
        %eq3A_136 = arith.cmpi eq, %jit3A_134, %eq3A_135 : i32
        %jit3A_137 = arith.constant 1 : i32
        %select_n3A_138 = arith.select %eq3A_136, %jit3A_137, %jit3A_134 : i32
        %rem3A_139 = arith.remsi %add3A_133, %select_n3A_138 : i32
        %ne3A_140 = arith.constant 0 : i32
        %ne3A_141 = arith.cmpi ne, %rem3A_139, %ne3A_140 : i32
        %lt3A_142 = arith.constant 0 : i32
        %lt3A_143 = arith.cmpi slt, %rem3A_139, %lt3A_142 : i32
        %lt3A_144 = arith.constant 0 : i32
        %lt3A_145 = arith.cmpi slt, %select_n3A_138, %lt3A_144 : i32
        %ne3A_146 = arith.xori %lt3A_143, %lt3A_145 : i1
        %and3A_147 = arith.andi %ne3A_146, %ne3A_141 : i1
        %add3A_148 = arith.addi %rem3A_139, %select_n3A_138 : i32
        %select_n3A_149 = arith.select %and3A_147, %add3A_148, %rem3A_139 : i32
        %eq3A_150 = arith.constant 0 : i32
        %eq3A_151 = arith.cmpi eq, %select_n3A_149, %eq3A_150 : i32
        %convert_element_type3A_152 = arith.extui %eq3A_151 : i1 to i32
        %cond3A_153 = arith.constant 0 : i32
        %cond3A_154 = arith.cmpi ne, %convert_element_type3A_152, %cond3A_153 : i32
        scf.if %cond3A_154 {
          %ge3A = arith.constant 2 : i32
          %ge3A_224 = arith.cmpi sge, %scan3A_49, %ge3A : i32
          %convert_element_type3A_225 = arith.extui %ge3A_224 : i1 to i32
          %cond3A_226 = arith.constant 0 : i32
          %cond3A_227 = arith.cmpi ne, %convert_element_type3A_225, %cond3A_226 : i32
          scf.if %cond3A_227 {
            %sub3A = arith.constant 2 : i32
            %sub3A_236 = arith.subi %scan3A_49, %sub3A : i32
            %dma_wait3A_237 = arith.constant 0 : i32
            %dma_wait3A_238 = tpu.memref_slice %arg8[%sub3A_236, %dma_wait3A_237] : memref<79x128xi32, #tpu.memory_space<vmem>> -> memref<1x128xi32, #tpu.memory_space<vmem>>
            %dma_wait3A_239 = tpu.memref_squeeze %dma_wait3A_238 : memref<1x128xi32, #tpu.memory_space<vmem>> -> memref<128xi32, #tpu.memory_space<vmem>>
            %dma_wait3A_240 = arith.constant 0 : i32
            %dma_wait3A_241 = arith.constant 0 : i32
            %dma_wait3A_242 = tpu.memref_slice %arg13[%dma_wait3A_240, %dma_wait3A_241] : memref<10112x40xf32, #tpu.memory_space<vmem_shared>> -> memref<10112x40xf32, #tpu.memory_space<vmem_shared>>
            tpu.wait_indirect_dma semaphore(%arg18 : memref<!tpu.dma_semaphore, #tpu.memory_space<semaphore_mem>>) src(%arg9 : memref<128x40xf32, #tpu.memory_space<vmem>>) dst(%dma_wait3A_242 : memref<10112x40xf32, #tpu.memory_space<vmem_shared>>)
          } else {
          }
          %add3A_228 = arith.constant 2 : i32
          %add3A_229 = arith.addi %scan3A_49, %add3A_228 : i32
          %dma_start3A_230 = arith.constant 0 : i32
          %dma_start3A_231 = tpu.memref_slice %arg7[%add3A_229, %dma_start3A_230] : memref<79x128xi32, #tpu.memory_space<vmem>> -> memref<1x128xi32, #tpu.memory_space<vmem>>
          %dma_start3A_232 = tpu.memref_squeeze %dma_start3A_231 : memref<1x128xi32, #tpu.memory_space<vmem>> -> memref<128xi32, #tpu.memory_space<vmem>>
          %dma_start3A_233 = arith.constant 0 : i32
          %dma_start3A_234 = arith.constant 0 : i32
          %dma_start3A_235 = tpu.memref_slice %arg2[%dma_start3A_233, %dma_start3A_234] : memref<10000x40xf32, #tpu.memory_space<hbm>> -> memref<10000x40xf32, #tpu.memory_space<hbm>>
          tpu.enqueue_indirect_dma source(%dma_start3A_235 : memref<10000x40xf32, #tpu.memory_space<hbm>>) target(%arg9 : memref<128x40xf32, #tpu.memory_space<vmem>>) offsets(%dma_start3A_232 : memref<128xi32, #tpu.memory_space<vmem>>) semaphore(%arg14 : memref<!tpu.dma_semaphore, #tpu.memory_space<semaphore_mem>>)
        } else {
        }
        %add3A_155 = arith.constant 2 : i32
        %add3A_156 = arith.addi %scan3A_49, %add3A_155 : i32
        %jit3A_157 = arith.constant 4 : i32
        %eq3A_158 = arith.constant 0 : i32
        %eq3A_159 = arith.cmpi eq, %jit3A_157, %eq3A_158 : i32
        %jit3A_160 = arith.constant 1 : i32
        %select_n3A_161 = arith.select %eq3A_159, %jit3A_160, %jit3A_157 : i32
        %rem3A_162 = arith.remsi %add3A_156, %select_n3A_161 : i32
        %ne3A_163 = arith.constant 0 : i32
        %ne3A_164 = arith.cmpi ne, %rem3A_162, %ne3A_163 : i32
        %lt3A_165 = arith.constant 0 : i32
        %lt3A_166 = arith.cmpi slt, %rem3A_162, %lt3A_165 : i32
        %lt3A_167 = arith.constant 0 : i32
        %lt3A_168 = arith.cmpi slt, %select_n3A_161, %lt3A_167 : i32
        %ne3A_169 = arith.xori %lt3A_166, %lt3A_168 : i1
        %and3A_170 = arith.andi %ne3A_169, %ne3A_164 : i1
        %add3A_171 = arith.addi %rem3A_162, %select_n3A_161 : i32
        %select_n3A_172 = arith.select %and3A_170, %add3A_171, %rem3A_162 : i32
        %eq3A_173 = arith.constant 1 : i32
        %eq3A_174 = arith.cmpi eq, %select_n3A_172, %eq3A_173 : i32
        %convert_element_type3A_175 = arith.extui %eq3A_174 : i1 to i32
        %cond3A_176 = arith.constant 0 : i32
        %cond3A_177 = arith.cmpi ne, %convert_element_type3A_175, %cond3A_176 : i32
        scf.if %cond3A_177 {
          %ge3A = arith.constant 2 : i32
          %ge3A_224 = arith.cmpi sge, %scan3A_49, %ge3A : i32
          %convert_element_type3A_225 = arith.extui %ge3A_224 : i1 to i32
          %cond3A_226 = arith.constant 0 : i32
          %cond3A_227 = arith.cmpi ne, %convert_element_type3A_225, %cond3A_226 : i32
          scf.if %cond3A_227 {
            %sub3A = arith.constant 2 : i32
            %sub3A_236 = arith.subi %scan3A_49, %sub3A : i32
            %dma_wait3A_237 = arith.constant 0 : i32
            %dma_wait3A_238 = tpu.memref_slice %arg8[%sub3A_236, %dma_wait3A_237] : memref<79x128xi32, #tpu.memory_space<vmem>> -> memref<1x128xi32, #tpu.memory_space<vmem>>
            %dma_wait3A_239 = tpu.memref_squeeze %dma_wait3A_238 : memref<1x128xi32, #tpu.memory_space<vmem>> -> memref<128xi32, #tpu.memory_space<vmem>>
            %dma_wait3A_240 = arith.constant 0 : i32
            %dma_wait3A_241 = arith.constant 0 : i32
            %dma_wait3A_242 = tpu.memref_slice %arg13[%dma_wait3A_240, %dma_wait3A_241] : memref<10112x40xf32, #tpu.memory_space<vmem_shared>> -> memref<10112x40xf32, #tpu.memory_space<vmem_shared>>
            tpu.wait_indirect_dma semaphore(%arg19 : memref<!tpu.dma_semaphore, #tpu.memory_space<semaphore_mem>>) src(%arg10 : memref<128x40xf32, #tpu.memory_space<vmem>>) dst(%dma_wait3A_242 : memref<10112x40xf32, #tpu.memory_space<vmem_shared>>)
          } else {
          }
          %add3A_228 = arith.constant 2 : i32
          %add3A_229 = arith.addi %scan3A_49, %add3A_228 : i32
          %dma_start3A_230 = arith.constant 0 : i32
          %dma_start3A_231 = tpu.memref_slice %arg7[%add3A_229, %dma_start3A_230] : memref<79x128xi32, #tpu.memory_space<vmem>> -> memref<1x128xi32, #tpu.memory_space<vmem>>
          %dma_start3A_232 = tpu.memref_squeeze %dma_start3A_231 : memref<1x128xi32, #tpu.memory_space<vmem>> -> memref<128xi32, #tpu.memory_space<vmem>>
          %dma_start3A_233 = arith.constant 0 : i32
          %dma_start3A_234 = arith.constant 0 : i32
          %dma_start3A_235 = tpu.memref_slice %arg2[%dma_start3A_233, %dma_start3A_234] : memref<10000x40xf32, #tpu.memory_space<hbm>> -> memref<10000x40xf32, #tpu.memory_space<hbm>>
          tpu.enqueue_indirect_dma source(%dma_start3A_235 : memref<10000x40xf32, #tpu.memory_space<hbm>>) target(%arg10 : memref<128x40xf32, #tpu.memory_space<vmem>>) offsets(%dma_start3A_232 : memref<128xi32, #tpu.memory_space<vmem>>) semaphore(%arg15 : memref<!tpu.dma_semaphore, #tpu.memory_space<semaphore_mem>>)
        } else {
        }
        %add3A_178 = arith.constant 2 : i32
        %add3A_179 = arith.addi %scan3A_49, %add3A_178 : i32
        %jit3A_180 = arith.constant 4 : i32
        %eq3A_181 = arith.constant 0 : i32
        %eq3A_182 = arith.cmpi eq, %jit3A_180, %eq3A_181 : i32
        %jit3A_183 = arith.constant 1 : i32
        %select_n3A_184 = arith.select %eq3A_182, %jit3A_183, %jit3A_180 : i32
        %rem3A_185 = arith.remsi %add3A_179, %select_n3A_184 : i32
        %ne3A_186 = arith.constant 0 : i32
        %ne3A_187 = arith.cmpi ne, %rem3A_185, %ne3A_186 : i32
        %lt3A_188 = arith.constant 0 : i32
        %lt3A_189 = arith.cmpi slt, %rem3A_185, %lt3A_188 : i32
        %lt3A_190 = arith.constant 0 : i32
        %lt3A_191 = arith.cmpi slt, %select_n3A_184, %lt3A_190 : i32
        %ne3A_192 = arith.xori %lt3A_189, %lt3A_191 : i1
        %and3A_193 = arith.andi %ne3A_192, %ne3A_187 : i1
        %add3A_194 = arith.addi %rem3A_185, %select_n3A_184 : i32
        %select_n3A_195 = arith.select %and3A_193, %add3A_194, %rem3A_185 : i32
        %eq3A_196 = arith.constant 2 : i32
        %eq3A_197 = arith.cmpi eq, %select_n3A_195, %eq3A_196 : i32
        %convert_element_type3A_198 = arith.extui %eq3A_197 : i1 to i32
        %cond3A_199 = arith.constant 0 : i32
        %cond3A_200 = arith.cmpi ne, %convert_element_type3A_198, %cond3A_199 : i32
        scf.if %cond3A_200 {
          %ge3A = arith.constant 2 : i32
          %ge3A_224 = arith.cmpi sge, %scan3A_49, %ge3A : i32
          %convert_element_type3A_225 = arith.extui %ge3A_224 : i1 to i32
          %cond3A_226 = arith.constant 0 : i32
          %cond3A_227 = arith.cmpi ne, %convert_element_type3A_225, %cond3A_226 : i32
          scf.if %cond3A_227 {
            %sub3A = arith.constant 2 : i32
            %sub3A_236 = arith.subi %scan3A_49, %sub3A : i32
            %dma_wait3A_237 = arith.constant 0 : i32
            %dma_wait3A_238 = tpu.memref_slice %arg8[%sub3A_236, %dma_wait3A_237] : memref<79x128xi32, #tpu.memory_space<vmem>> -> memref<1x128xi32, #tpu.memory_space<vmem>>
            %dma_wait3A_239 = tpu.memref_squeeze %dma_wait3A_238 : memref<1x128xi32, #tpu.memory_space<vmem>> -> memref<128xi32, #tpu.memory_space<vmem>>
            %dma_wait3A_240 = arith.constant 0 : i32
            %dma_wait3A_241 = arith.constant 0 : i32
            %dma_wait3A_242 = tpu.memref_slice %arg13[%dma_wait3A_240, %dma_wait3A_241] : memref<10112x40xf32, #tpu.memory_space<vmem_shared>> -> memref<10112x40xf32, #tpu.memory_space<vmem_shared>>
            tpu.wait_indirect_dma semaphore(%arg20 : memref<!tpu.dma_semaphore, #tpu.memory_space<semaphore_mem>>) src(%arg11 : memref<128x40xf32, #tpu.memory_space<vmem>>) dst(%dma_wait3A_242 : memref<10112x40xf32, #tpu.memory_space<vmem_shared>>)
          } else {
          }
          %add3A_228 = arith.constant 2 : i32
          %add3A_229 = arith.addi %scan3A_49, %add3A_228 : i32
          %dma_start3A_230 = arith.constant 0 : i32
          %dma_start3A_231 = tpu.memref_slice %arg7[%add3A_229, %dma_start3A_230] : memref<79x128xi32, #tpu.memory_space<vmem>> -> memref<1x128xi32, #tpu.memory_space<vmem>>
          %dma_start3A_232 = tpu.memref_squeeze %dma_start3A_231 : memref<1x128xi32, #tpu.memory_space<vmem>> -> memref<128xi32, #tpu.memory_space<vmem>>
          %dma_start3A_233 = arith.constant 0 : i32
          %dma_start3A_234 = arith.constant 0 : i32
          %dma_start3A_235 = tpu.memref_slice %arg2[%dma_start3A_233, %dma_start3A_234] : memref<10000x40xf32, #tpu.memory_space<hbm>> -> memref<10000x40xf32, #tpu.memory_space<hbm>>
          tpu.enqueue_indirect_dma source(%dma_start3A_235 : memref<10000x40xf32, #tpu.memory_space<hbm>>) target(%arg11 : memref<128x40xf32, #tpu.memory_space<vmem>>) offsets(%dma_start3A_232 : memref<128xi32, #tpu.memory_space<vmem>>) semaphore(%arg16 : memref<!tpu.dma_semaphore, #tpu.memory_space<semaphore_mem>>)
        } else {
        }
        %add3A_201 = arith.constant 2 : i32
        %add3A_202 = arith.addi %scan3A_49, %add3A_201 : i32
        %jit3A_203 = arith.constant 4 : i32
        %eq3A_204 = arith.constant 0 : i32
        %eq3A_205 = arith.cmpi eq, %jit3A_203, %eq3A_204 : i32
        %jit3A_206 = arith.constant 1 : i32
        %select_n3A_207 = arith.select %eq3A_205, %jit3A_206, %jit3A_203 : i32
        %rem3A_208 = arith.remsi %add3A_202, %select_n3A_207 : i32
        %ne3A_209 = arith.constant 0 : i32
        %ne3A_210 = arith.cmpi ne, %rem3A_208, %ne3A_209 : i32
        %lt3A_211 = arith.constant 0 : i32
        %lt3A_212 = arith.cmpi slt, %rem3A_208, %lt3A_211 : i32
        %lt3A_213 = arith.constant 0 : i32
        %lt3A_214 = arith.cmpi slt, %select_n3A_207, %lt3A_213 : i32
        %ne3A_215 = arith.xori %lt3A_212, %lt3A_214 : i1
        %and3A_216 = arith.andi %ne3A_215, %ne3A_210 : i1
        %add3A_217 = arith.addi %rem3A_208, %select_n3A_207 : i32
        %select_n3A_218 = arith.select %and3A_216, %add3A_217, %rem3A_208 : i32
        %eq3A_219 = arith.constant 3 : i32
        %eq3A_220 = arith.cmpi eq, %select_n3A_218, %eq3A_219 : i32
        %convert_element_type3A_221 = arith.extui %eq3A_220 : i1 to i32
        %cond3A_222 = arith.constant 0 : i32
        %cond3A_223 = arith.cmpi ne, %convert_element_type3A_221, %cond3A_222 : i32
        scf.if %cond3A_223 {
          %ge3A = arith.constant 2 : i32
          %ge3A_224 = arith.cmpi sge, %scan3A_49, %ge3A : i32
          %convert_element_type3A_225 = arith.extui %ge3A_224 : i1 to i32
          %cond3A_226 = arith.constant 0 : i32
          %cond3A_227 = arith.cmpi ne, %convert_element_type3A_225, %cond3A_226 : i32
          scf.if %cond3A_227 {
            %sub3A = arith.constant 2 : i32
            %sub3A_236 = arith.subi %scan3A_49, %sub3A : i32
            %dma_wait3A_237 = arith.constant 0 : i32
            %dma_wait3A_238 = tpu.memref_slice %arg8[%sub3A_236, %dma_wait3A_237] : memref<79x128xi32, #tpu.memory_space<vmem>> -> memref<1x128xi32, #tpu.memory_space<vmem>>
            %dma_wait3A_239 = tpu.memref_squeeze %dma_wait3A_238 : memref<1x128xi32, #tpu.memory_space<vmem>> -> memref<128xi32, #tpu.memory_space<vmem>>
            %dma_wait3A_240 = arith.constant 0 : i32
            %dma_wait3A_241 = arith.constant 0 : i32
            %dma_wait3A_242 = tpu.memref_slice %arg13[%dma_wait3A_240, %dma_wait3A_241] : memref<10112x40xf32, #tpu.memory_space<vmem_shared>> -> memref<10112x40xf32, #tpu.memory_space<vmem_shared>>
            tpu.wait_indirect_dma semaphore(%arg21 : memref<!tpu.dma_semaphore, #tpu.memory_space<semaphore_mem>>) src(%arg12 : memref<128x40xf32, #tpu.memory_space<vmem>>) dst(%dma_wait3A_242 : memref<10112x40xf32, #tpu.memory_space<vmem_shared>>)
          } else {
          }
          %add3A_228 = arith.constant 2 : i32
          %add3A_229 = arith.addi %scan3A_49, %add3A_228 : i32
          %dma_start3A_230 = arith.constant 0 : i32
          %dma_start3A_231 = tpu.memref_slice %arg7[%add3A_229, %dma_start3A_230] : memref<79x128xi32, #tpu.memory_space<vmem>> -> memref<1x128xi32, #tpu.memory_space<vmem>>
          %dma_start3A_232 = tpu.memref_squeeze %dma_start3A_231 : memref<1x128xi32, #tpu.memory_space<vmem>> -> memref<128xi32, #tpu.memory_space<vmem>>
          %dma_start3A_233 = arith.constant 0 : i32
          %dma_start3A_234 = arith.constant 0 : i32
          %dma_start3A_235 = tpu.memref_slice %arg2[%dma_start3A_233, %dma_start3A_234] : memref<10000x40xf32, #tpu.memory_space<hbm>> -> memref<10000x40xf32, #tpu.memory_space<hbm>>
          tpu.enqueue_indirect_dma source(%dma_start3A_235 : memref<10000x40xf32, #tpu.memory_space<hbm>>) target(%arg12 : memref<128x40xf32, #tpu.memory_space<vmem>>) offsets(%dma_start3A_232 : memref<128xi32, #tpu.memory_space<vmem>>) semaphore(%arg17 : memref<!tpu.dma_semaphore, #tpu.memory_space<semaphore_mem>>)
        } else {
        }
      } else {
      }
      %jit3A = arith.constant 4 : i32
      %eq3A = arith.constant 0 : i32
      %eq3A_54 = arith.cmpi eq, %jit3A, %eq3A : i32
      %jit3A_55 = arith.constant 1 : i32
      %select_n3A = arith.select %eq3A_54, %jit3A_55, %jit3A : i32
      %rem3A = arith.remsi %scan3A_49, %select_n3A : i32
      %ne3A = arith.constant 0 : i32
      %ne3A_56 = arith.cmpi ne, %rem3A, %ne3A : i32
      %lt3A_57 = arith.constant 0 : i32
      %lt3A_58 = arith.cmpi slt, %rem3A, %lt3A_57 : i32
      %lt3A_59 = arith.constant 0 : i32
      %lt3A_60 = arith.cmpi slt, %select_n3A, %lt3A_59 : i32
      %ne3A_61 = arith.xori %lt3A_58, %lt3A_60 : i1
      %and3A = arith.andi %ne3A_61, %ne3A_56 : i1
      %add3A_62 = arith.addi %rem3A, %select_n3A : i32
      %select_n3A_63 = arith.select %and3A, %add3A_62, %rem3A : i32
      %eq3A_64 = arith.constant 0 : i32
      %eq3A_65 = arith.cmpi eq, %select_n3A_63, %eq3A_64 : i32
      %convert_element_type3A_66 = arith.extui %eq3A_65 : i1 to i32
      %cond3A_67 = arith.constant 0 : i32
      %cond3A_68 = arith.cmpi ne, %convert_element_type3A_66, %cond3A_67 : i32
      scf.if %cond3A_68 {
        %dma_wait3A_132 = arith.constant 0 : i32
        %dma_wait3A_133 = tpu.memref_slice %arg7[%scan3A_49, %dma_wait3A_132] : memref<79x128xi32, #tpu.memory_space<vmem>> -> memref<1x128xi32, #tpu.memory_space<vmem>>
        %dma_wait3A_134 = tpu.memref_squeeze %dma_wait3A_133 : memref<1x128xi32, #tpu.memory_space<vmem>> -> memref<128xi32, #tpu.memory_space<vmem>>
        %dma_wait3A_135 = arith.constant 0 : i32
        %dma_wait3A_136 = arith.constant 0 : i32
        %dma_wait3A_137 = tpu.memref_slice %arg2[%dma_wait3A_135, %dma_wait3A_136] : memref<10000x40xf32, #tpu.memory_space<hbm>> -> memref<10000x40xf32, #tpu.memory_space<hbm>>
        tpu.wait_indirect_dma semaphore(%arg14 : memref<!tpu.dma_semaphore, #tpu.memory_space<semaphore_mem>>) src(%dma_wait3A_137 : memref<10000x40xf32, #tpu.memory_space<hbm>>) dst(%arg9 : memref<128x40xf32, #tpu.memory_space<vmem>>)
        %dma_start3A_138 = arith.constant 0 : i32
        %dma_start3A_139 = tpu.memref_slice %arg8[%scan3A_49, %dma_start3A_138] : memref<79x128xi32, #tpu.memory_space<vmem>> -> memref<1x128xi32, #tpu.memory_space<vmem>>
        %dma_start3A_140 = tpu.memref_squeeze %dma_start3A_139 : memref<1x128xi32, #tpu.memory_space<vmem>> -> memref<128xi32, #tpu.memory_space<vmem>>
        %dma_start3A_141 = arith.constant 0 : i32
        %dma_start3A_142 = arith.constant 0 : i32
        %dma_start3A_143 = tpu.memref_slice %arg13[%dma_start3A_141, %dma_start3A_142] : memref<10112x40xf32, #tpu.memory_space<vmem_shared>> -> memref<10112x40xf32, #tpu.memory_space<vmem_shared>>
        tpu.enqueue_indirect_dma source(%arg9 : memref<128x40xf32, #tpu.memory_space<vmem>>) target(%dma_start3A_143 : memref<10112x40xf32, #tpu.memory_space<vmem_shared>>) offsets(%dma_start3A_140 : memref<128xi32, #tpu.memory_space<vmem>>) semaphore(%arg18 : memref<!tpu.dma_semaphore, #tpu.memory_space<semaphore_mem>>) {add = true}
      } else {
      }
      %jit3A_69 = arith.constant 4 : i32
      %eq3A_70 = arith.constant 0 : i32
      %eq3A_71 = arith.cmpi eq, %jit3A_69, %eq3A_70 : i32
      %jit3A_72 = arith.constant 1 : i32
      %select_n3A_73 = arith.select %eq3A_71, %jit3A_72, %jit3A_69 : i32
      %rem3A_74 = arith.remsi %scan3A_49, %select_n3A_73 : i32
      %ne3A_75 = arith.constant 0 : i32
      %ne3A_76 = arith.cmpi ne, %rem3A_74, %ne3A_75 : i32
      %lt3A_77 = arith.constant 0 : i32
      %lt3A_78 = arith.cmpi slt, %rem3A_74, %lt3A_77 : i32
      %lt3A_79 = arith.constant 0 : i32
      %lt3A_80 = arith.cmpi slt, %select_n3A_73, %lt3A_79 : i32
      %ne3A_81 = arith.xori %lt3A_78, %lt3A_80 : i1
      %and3A_82 = arith.andi %ne3A_81, %ne3A_76 : i1
      %add3A_83 = arith.addi %rem3A_74, %select_n3A_73 : i32
      %select_n3A_84 = arith.select %and3A_82, %add3A_83, %rem3A_74 : i32
      %eq3A_85 = arith.constant 1 : i32
      %eq3A_86 = arith.cmpi eq, %select_n3A_84, %eq3A_85 : i32
      %convert_element_type3A_87 = arith.extui %eq3A_86 : i1 to i32
      %cond3A_88 = arith.constant 0 : i32
      %cond3A_89 = arith.cmpi ne, %convert_element_type3A_87, %cond3A_88 : i32
      scf.if %cond3A_89 {
        %dma_wait3A_132 = arith.constant 0 : i32
        %dma_wait3A_133 = tpu.memref_slice %arg7[%scan3A_49, %dma_wait3A_132] : memref<79x128xi32, #tpu.memory_space<vmem>> -> memref<1x128xi32, #tpu.memory_space<vmem>>
        %dma_wait3A_134 = tpu.memref_squeeze %dma_wait3A_133 : memref<1x128xi32, #tpu.memory_space<vmem>> -> memref<128xi32, #tpu.memory_space<vmem>>
        %dma_wait3A_135 = arith.constant 0 : i32
        %dma_wait3A_136 = arith.constant 0 : i32
        %dma_wait3A_137 = tpu.memref_slice %arg2[%dma_wait3A_135, %dma_wait3A_136] : memref<10000x40xf32, #tpu.memory_space<hbm>> -> memref<10000x40xf32, #tpu.memory_space<hbm>>
        tpu.wait_indirect_dma semaphore(%arg15 : memref<!tpu.dma_semaphore, #tpu.memory_space<semaphore_mem>>) src(%dma_wait3A_137 : memref<10000x40xf32, #tpu.memory_space<hbm>>) dst(%arg10 : memref<128x40xf32, #tpu.memory_space<vmem>>)
        %dma_start3A_138 = arith.constant 0 : i32
        %dma_start3A_139 = tpu.memref_slice %arg8[%scan3A_49, %dma_start3A_138] : memref<79x128xi32, #tpu.memory_space<vmem>> -> memref<1x128xi32, #tpu.memory_space<vmem>>
        %dma_start3A_140 = tpu.memref_squeeze %dma_start3A_139 : memref<1x128xi32, #tpu.memory_space<vmem>> -> memref<128xi32, #tpu.memory_space<vmem>>
        %dma_start3A_141 = arith.constant 0 : i32
        %dma_start3A_142 = arith.constant 0 : i32
        %dma_start3A_143 = tpu.memref_slice %arg13[%dma_start3A_141, %dma_start3A_142] : memref<10112x40xf32, #tpu.memory_space<vmem_shared>> -> memref<10112x40xf32, #tpu.memory_space<vmem_shared>>
        tpu.enqueue_indirect_dma source(%arg10 : memref<128x40xf32, #tpu.memory_space<vmem>>) target(%dma_start3A_143 : memref<10112x40xf32, #tpu.memory_space<vmem_shared>>) offsets(%dma_start3A_140 : memref<128xi32, #tpu.memory_space<vmem>>) semaphore(%arg19 : memref<!tpu.dma_semaphore, #tpu.memory_space<semaphore_mem>>) {add = true}
      } else {
      }
      %jit3A_90 = arith.constant 4 : i32
      %eq3A_91 = arith.constant 0 : i32
      %eq3A_92 = arith.cmpi eq, %jit3A_90, %eq3A_91 : i32
      %jit3A_93 = arith.constant 1 : i32
      %select_n3A_94 = arith.select %eq3A_92, %jit3A_93, %jit3A_90 : i32
      %rem3A_95 = arith.remsi %scan3A_49, %select_n3A_94 : i32
      %ne3A_96 = arith.constant 0 : i32
      %ne3A_97 = arith.cmpi ne, %rem3A_95, %ne3A_96 : i32
      %lt3A_98 = arith.constant 0 : i32
      %lt3A_99 = arith.cmpi slt, %rem3A_95, %lt3A_98 : i32
      %lt3A_100 = arith.constant 0 : i32
      %lt3A_101 = arith.cmpi slt, %select_n3A_94, %lt3A_100 : i32
      %ne3A_102 = arith.xori %lt3A_99, %lt3A_101 : i1
      %and3A_103 = arith.andi %ne3A_102, %ne3A_97 : i1
      %add3A_104 = arith.addi %rem3A_95, %select_n3A_94 : i32
      %select_n3A_105 = arith.select %and3A_103, %add3A_104, %rem3A_95 : i32
      %eq3A_106 = arith.constant 2 : i32
      %eq3A_107 = arith.cmpi eq, %select_n3A_105, %eq3A_106 : i32
      %convert_element_type3A_108 = arith.extui %eq3A_107 : i1 to i32
      %cond3A_109 = arith.constant 0 : i32
      %cond3A_110 = arith.cmpi ne, %convert_element_type3A_108, %cond3A_109 : i32
      scf.if %cond3A_110 {
        %dma_wait3A_132 = arith.constant 0 : i32
        %dma_wait3A_133 = tpu.memref_slice %arg7[%scan3A_49, %dma_wait3A_132] : memref<79x128xi32, #tpu.memory_space<vmem>> -> memref<1x128xi32, #tpu.memory_space<vmem>>
        %dma_wait3A_134 = tpu.memref_squeeze %dma_wait3A_133 : memref<1x128xi32, #tpu.memory_space<vmem>> -> memref<128xi32, #tpu.memory_space<vmem>>
        %dma_wait3A_135 = arith.constant 0 : i32
        %dma_wait3A_136 = arith.constant 0 : i32
        %dma_wait3A_137 = tpu.memref_slice %arg2[%dma_wait3A_135, %dma_wait3A_136] : memref<10000x40xf32, #tpu.memory_space<hbm>> -> memref<10000x40xf32, #tpu.memory_space<hbm>>
        tpu.wait_indirect_dma semaphore(%arg16 : memref<!tpu.dma_semaphore, #tpu.memory_space<semaphore_mem>>) src(%dma_wait3A_137 : memref<10000x40xf32, #tpu.memory_space<hbm>>) dst(%arg11 : memref<128x40xf32, #tpu.memory_space<vmem>>)
        %dma_start3A_138 = arith.constant 0 : i32
        %dma_start3A_139 = tpu.memref_slice %arg8[%scan3A_49, %dma_start3A_138] : memref<79x128xi32, #tpu.memory_space<vmem>> -> memref<1x128xi32, #tpu.memory_space<vmem>>
        %dma_start3A_140 = tpu.memref_squeeze %dma_start3A_139 : memref<1x128xi32, #tpu.memory_space<vmem>> -> memref<128xi32, #tpu.memory_space<vmem>>
        %dma_start3A_141 = arith.constant 0 : i32
        %dma_start3A_142 = arith.constant 0 : i32
        %dma_start3A_143 = tpu.memref_slice %arg13[%dma_start3A_141, %dma_start3A_142] : memref<10112x40xf32, #tpu.memory_space<vmem_shared>> -> memref<10112x40xf32, #tpu.memory_space<vmem_shared>>
        tpu.enqueue_indirect_dma source(%arg11 : memref<128x40xf32, #tpu.memory_space<vmem>>) target(%dma_start3A_143 : memref<10112x40xf32, #tpu.memory_space<vmem_shared>>) offsets(%dma_start3A_140 : memref<128xi32, #tpu.memory_space<vmem>>) semaphore(%arg20 : memref<!tpu.dma_semaphore, #tpu.memory_space<semaphore_mem>>) {add = true}
      } else {
      }
      %jit3A_111 = arith.constant 4 : i32
      %eq3A_112 = arith.constant 0 : i32
      %eq3A_113 = arith.cmpi eq, %jit3A_111, %eq3A_112 : i32
      %jit3A_114 = arith.constant 1 : i32
      %select_n3A_115 = arith.select %eq3A_113, %jit3A_114, %jit3A_111 : i32
      %rem3A_116 = arith.remsi %scan3A_49, %select_n3A_115 : i32
      %ne3A_117 = arith.constant 0 : i32
      %ne3A_118 = arith.cmpi ne, %rem3A_116, %ne3A_117 : i32
      %lt3A_119 = arith.constant 0 : i32
      %lt3A_120 = arith.cmpi slt, %rem3A_116, %lt3A_119 : i32
      %lt3A_121 = arith.constant 0 : i32
      %lt3A_122 = arith.cmpi slt, %select_n3A_115, %lt3A_121 : i32
      %ne3A_123 = arith.xori %lt3A_120, %lt3A_122 : i1
      %and3A_124 = arith.andi %ne3A_123, %ne3A_118 : i1
      %add3A_125 = arith.addi %rem3A_116, %select_n3A_115 : i32
      %select_n3A_126 = arith.select %and3A_124, %add3A_125, %rem3A_116 : i32
      %eq3A_127 = arith.constant 3 : i32
      %eq3A_128 = arith.cmpi eq, %select_n3A_126, %eq3A_127 : i32
      %convert_element_type3A_129 = arith.extui %eq3A_128 : i1 to i32
      %cond3A_130 = arith.constant 0 : i32
      %cond3A_131 = arith.cmpi ne, %convert_element_type3A_129, %cond3A_130 : i32
      scf.if %cond3A_131 {
        %dma_wait3A_132 = arith.constant 0 : i32
        %dma_wait3A_133 = tpu.memref_slice %arg7[%scan3A_49, %dma_wait3A_132] : memref<79x128xi32, #tpu.memory_space<vmem>> -> memref<1x128xi32, #tpu.memory_space<vmem>>
        %dma_wait3A_134 = tpu.memref_squeeze %dma_wait3A_133 : memref<1x128xi32, #tpu.memory_space<vmem>> -> memref<128xi32, #tpu.memory_space<vmem>>
        %dma_wait3A_135 = arith.constant 0 : i32
        %dma_wait3A_136 = arith.constant 0 : i32
        %dma_wait3A_137 = tpu.memref_slice %arg2[%dma_wait3A_135, %dma_wait3A_136] : memref<10000x40xf32, #tpu.memory_space<hbm>> -> memref<10000x40xf32, #tpu.memory_space<hbm>>
        tpu.wait_indirect_dma semaphore(%arg17 : memref<!tpu.dma_semaphore, #tpu.memory_space<semaphore_mem>>) src(%dma_wait3A_137 : memref<10000x40xf32, #tpu.memory_space<hbm>>) dst(%arg12 : memref<128x40xf32, #tpu.memory_space<vmem>>)
        %dma_start3A_138 = arith.constant 0 : i32
        %dma_start3A_139 = tpu.memref_slice %arg8[%scan3A_49, %dma_start3A_138] : memref<79x128xi32, #tpu.memory_space<vmem>> -> memref<1x128xi32, #tpu.memory_space<vmem>>
        %dma_start3A_140 = tpu.memref_squeeze %dma_start3A_139 : memref<1x128xi32, #tpu.memory_space<vmem>> -> memref<128xi32, #tpu.memory_space<vmem>>
        %dma_start3A_141 = arith.constant 0 : i32
        %dma_start3A_142 = arith.constant 0 : i32
        %dma_start3A_143 = tpu.memref_slice %arg13[%dma_start3A_141, %dma_start3A_142] : memref<10112x40xf32, #tpu.memory_space<vmem_shared>> -> memref<10112x40xf32, #tpu.memory_space<vmem_shared>>
        tpu.enqueue_indirect_dma source(%arg12 : memref<128x40xf32, #tpu.memory_space<vmem>>) target(%dma_start3A_143 : memref<10112x40xf32, #tpu.memory_space<vmem_shared>>) offsets(%dma_start3A_140 : memref<128xi32, #tpu.memory_space<vmem>>) semaphore(%arg21 : memref<!tpu.dma_semaphore, #tpu.memory_space<semaphore_mem>>) {add = true}
      } else {
      }
    }
    %scan3A_20 = arith.constant 79 : i32
    %dma_wait3A = arith.constant 75 : i32
    %dma_wait3A_21 = arith.constant 0 : i32
    %dma_wait3A_22 = tpu.memref_slice %arg8[%dma_wait3A, %dma_wait3A_21] : memref<79x128xi32, #tpu.memory_space<vmem>> -> memref<1x128xi32, #tpu.memory_space<vmem>>
    %dma_wait3A_23 = tpu.memref_squeeze %dma_wait3A_22 : memref<1x128xi32, #tpu.memory_space<vmem>> -> memref<128xi32, #tpu.memory_space<vmem>>
    %dma_wait3A_24 = arith.constant 0 : i32
    %dma_wait3A_25 = arith.constant 0 : i32
    %dma_wait3A_26 = tpu.memref_slice %arg13[%dma_wait3A_24, %dma_wait3A_25] : memref<10112x40xf32, #tpu.memory_space<vmem_shared>> -> memref<10112x40xf32, #tpu.memory_space<vmem_shared>>
    tpu.wait_indirect_dma semaphore(%arg21 : memref<!tpu.dma_semaphore, #tpu.memory_space<semaphore_mem>>) src(%arg12 : memref<128x40xf32, #tpu.memory_space<vmem>>) dst(%dma_wait3A_26 : memref<10112x40xf32, #tpu.memory_space<vmem_shared>>)
    %dma_wait3A_27 = arith.constant 76 : i32
    %dma_wait3A_28 = arith.constant 0 : i32
    %dma_wait3A_29 = tpu.memref_slice %arg8[%dma_wait3A_27, %dma_wait3A_28] : memref<79x128xi32, #tpu.memory_space<vmem>> -> memref<1x128xi32, #tpu.memory_space<vmem>>
    %dma_wait3A_30 = tpu.memref_squeeze %dma_wait3A_29 : memref<1x128xi32, #tpu.memory_space<vmem>> -> memref<128xi32, #tpu.memory_space<vmem>>
    %dma_wait3A_31 = arith.constant 0 : i32
    %dma_wait3A_32 = arith.constant 0 : i32
    %dma_wait3A_33 = tpu.memref_slice %arg13[%dma_wait3A_31, %dma_wait3A_32] : memref<10112x40xf32, #tpu.memory_space<vmem_shared>> -> memref<10112x40xf32, #tpu.memory_space<vmem_shared>>
    tpu.wait_indirect_dma semaphore(%arg18 : memref<!tpu.dma_semaphore, #tpu.memory_space<semaphore_mem>>) src(%arg9 : memref<128x40xf32, #tpu.memory_space<vmem>>) dst(%dma_wait3A_33 : memref<10112x40xf32, #tpu.memory_space<vmem_shared>>)
    %dma_wait3A_34 = arith.constant 77 : i32
    %dma_wait3A_35 = arith.constant 0 : i32
    %dma_wait3A_36 = tpu.memref_slice %arg8[%dma_wait3A_34, %dma_wait3A_35] : memref<79x128xi32, #tpu.memory_space<vmem>> -> memref<1x128xi32, #tpu.memory_space<vmem>>
    %dma_wait3A_37 = tpu.memref_squeeze %dma_wait3A_36 : memref<1x128xi32, #tpu.memory_space<vmem>> -> memref<128xi32, #tpu.memory_space<vmem>>
    %dma_wait3A_38 = arith.constant 0 : i32
    %dma_wait3A_39 = arith.constant 0 : i32
    %dma_wait3A_40 = tpu.memref_slice %arg13[%dma_wait3A_38, %dma_wait3A_39] : memref<10112x40xf32, #tpu.memory_space<vmem_shared>> -> memref<10112x40xf32, #tpu.memory_space<vmem_shared>>
    tpu.wait_indirect_dma semaphore(%arg19 : memref<!tpu.dma_semaphore, #tpu.memory_space<semaphore_mem>>) src(%arg10 : memref<128x40xf32, #tpu.memory_space<vmem>>) dst(%dma_wait3A_40 : memref<10112x40xf32, #tpu.memory_space<vmem_shared>>)
    %dma_wait3A_41 = arith.constant 78 : i32
    %dma_wait3A_42 = arith.constant 0 : i32
    %dma_wait3A_43 = tpu.memref_slice %arg8[%dma_wait3A_41, %dma_wait3A_42] : memref<79x128xi32, #tpu.memory_space<vmem>> -> memref<1x128xi32, #tpu.memory_space<vmem>>
    %dma_wait3A_44 = tpu.memref_squeeze %dma_wait3A_43 : memref<1x128xi32, #tpu.memory_space<vmem>> -> memref<128xi32, #tpu.memory_space<vmem>>
    %dma_wait3A_45 = arith.constant 0 : i32
    %dma_wait3A_46 = arith.constant 0 : i32
    %dma_wait3A_47 = tpu.memref_slice %arg13[%dma_wait3A_45, %dma_wait3A_46] : memref<10112x40xf32, #tpu.memory_space<vmem_shared>> -> memref<10112x40xf32, #tpu.memory_space<vmem_shared>>
    tpu.wait_indirect_dma semaphore(%arg20 : memref<!tpu.dma_semaphore, #tpu.memory_space<semaphore_mem>>) src(%arg11 : memref<128x40xf32, #tpu.memory_space<vmem>>) dst(%dma_wait3A_47 : memref<10112x40xf32, #tpu.memory_space<vmem_shared>>)
    %barrier3A_48 = arith.constant 0 : index
    tpu.barrier barrier_id(%barrier3A_48)
    "tpu.region"() ({
      %run_scoped3A = tpu.sem_alloc : memref<!tpu.dma_semaphore, #tpu.memory_space<semaphore_mem>>
      %dma_start3A_49 = arith.constant 0 : i32
      %dma_start3A_50 = tpu.memref_slice %arg6[%arg0, %mul3A_2, %dma_start3A_49] : memref<2x10112x40xf32, #tpu.memory_space<hbm>> -> memref<1x632x40xf32, #tpu.memory_space<hbm>>
      %dma_start3A_51 = tpu.memref_squeeze %dma_start3A_50 : memref<1x632x40xf32, #tpu.memory_space<hbm>> -> memref<632x40xf32, #tpu.memory_space<hbm>>
      %dma_start3A_52 = arith.constant 0 : i32
      %dma_start3A_53 = tpu.memref_slice %arg13[%mul3A_2, %dma_start3A_52] : memref<10112x40xf32, #tpu.memory_space<vmem_shared>> -> memref<632x40xf32, #tpu.memory_space<vmem_shared>>
      tpu.enqueue_dma source(%dma_start3A_53 : memref<632x40xf32, #tpu.memory_space<vmem_shared>>) target(%dma_start3A_51 : memref<632x40xf32, #tpu.memory_space<hbm>>) target_semaphore(%run_scoped3A : memref<!tpu.dma_semaphore, #tpu.memory_space<semaphore_mem>>)
      %dma_wait3A_54 = arith.constant 0 : i32
      %dma_wait3A_55 = tpu.memref_slice %arg6[%arg0, %mul3A_2, %dma_wait3A_54] : memref<2x10112x40xf32, #tpu.memory_space<hbm>> -> memref<1x632x40xf32, #tpu.memory_space<hbm>>
      %dma_wait3A_56 = tpu.memref_squeeze %dma_wait3A_55 : memref<1x632x40xf32, #tpu.memory_space<hbm>> -> memref<632x40xf32, #tpu.memory_space<hbm>>
      %dma_wait3A_57 = arith.constant 0 : i32
      %dma_wait3A_58 = tpu.memref_slice %arg13[%mul3A_2, %dma_wait3A_57] : memref<10112x40xf32, #tpu.memory_space<vmem_shared>> -> memref<632x40xf32, #tpu.memory_space<vmem_shared>>
      tpu.wait_dma2 semaphore(%run_scoped3A : memref<!tpu.dma_semaphore, #tpu.memory_space<semaphore_mem>>) src(%dma_wait3A_58 : memref<632x40xf32, #tpu.memory_space<vmem_shared>>) dst(%dma_wait3A_56 : memref<632x40xf32, #tpu.memory_space<hbm>>)
      tpu.yield
    }) : () -> ()
    return
  }
}

module attributes {stable_mosaic.version = 14 : i64} {
  func.func @body(%arg0: i32, %arg1: memref<1000x128xf32, #tpu.memory_space<vmem>>, %arg2: memref<128x128xf32, #tpu.memory_space<vmem>>, %arg3: memref<128x128xf32, #tpu.memory_space<vmem>>, %arg4: memref<1x128xf32, #tpu.memory_space<vmem>>, %arg5: memref<1000x64xf32, #tpu.memory_space<vmem>>, %arg6: memref<1000x64xf32, #tpu.memory_space<vmem>>, %arg7: memref<1000x128xf32, #tpu.memory_space<vmem>>) attributes {dimension_semantics = [#tpu.dimension_semantics<arbitrary>], iteration_bounds = array<i64: 10>, scalar_prefetch = 0 : i64, scratch_operands = 0 : i64, tpu.core_type = #tpu.core_type<tc>, window_params = [{transform_indices = @transform_0, window_bounds = array<i64: 1000, 128>}, {pipeline_mode = #tpu.pipeline_mode<synchronous>, transform_indices = @transform_1, window_bounds = array<i64: 128, 128>}, {pipeline_mode = #tpu.pipeline_mode<synchronous>, transform_indices = @transform_2, window_bounds = array<i64: 128, 128>}, {pipeline_mode = #tpu.pipeline_mode<synchronous>, transform_indices = @transform_3, window_bounds = array<i64: 1, 128>}, {transform_indices = @transform_4, window_bounds = array<i64: 1000, 64>}, {transform_indices = @transform_5, window_bounds = array<i64: 1000, 64>}, {transform_indices = @transform_6, window_bounds = array<i64: 1000, 128>}]} {
    %get3A = arith.constant 0 : index
    %get3A_0 = arith.constant 0 : index
    %get3A_1 = vector.load %arg1[%get3A, %get3A_0] : memref<1000x128xf32, #tpu.memory_space<vmem>>, vector<1000x128xf32>
    %get3A_2 = arith.constant 0 : index
    %get3A_3 = arith.constant 0 : index
    %get3A_4 = vector.load %arg2[%get3A_2, %get3A_3] : memref<128x128xf32, #tpu.memory_space<vmem>>, vector<128x128xf32>
    %dot_general3A = arith.constant dense<0.000000e+00> : vector<1000x128xf32>
    %dot_general3A_5 = tpu.matmul %get3A_1, %get3A_4, %dot_general3A {dimension_numbers = #tpu.dot_dimension_numbers<[1], [1], [0], [0], [0, 0, 1, 0], [], []>, transpose_lhs_hint = false} : vector<1000x128xf32>, vector<128x128xf32>, vector<1000x128xf32> -> vector<1000x128xf32>
    %slice3A = vector.extract_strided_slice %dot_general3A_5 {offsets = [0, 0], sizes = [1000, 64], strides = [1, 1]} : vector<1000x128xf32> to vector<1000x64xf32>
    %swap3A = arith.constant 0 : index
    %swap3A_6 = arith.constant 0 : index
    %swap3A_7 = vector.load %arg5[%swap3A, %swap3A_6] : memref<1000x64xf32, #tpu.memory_space<vmem>>, vector<1000x64xf32>
    tpu.vector_store %arg5[%swap3A, %swap3A_6], %slice3A {strides = array<i32>} : memref<1000x64xf32, #tpu.memory_space<vmem>>, vector<1000x64xf32>,
    %slice3A_8 = vector.extract_strided_slice %dot_general3A_5 {offsets = [0, 64], sizes = [1000, 64], strides = [1, 1]} : vector<1000x128xf32> to vector<1000x64xf32>
    %swap3A_9 = arith.constant 0 : index
    %swap3A_10 = arith.constant 0 : index
    %swap3A_11 = vector.load %arg6[%swap3A_9, %swap3A_10] : memref<1000x64xf32, #tpu.memory_space<vmem>>, vector<1000x64xf32>
    tpu.vector_store %arg6[%swap3A_9, %swap3A_10], %slice3A_8 {strides = array<i32>} : memref<1000x64xf32, #tpu.memory_space<vmem>>, vector<1000x64xf32>,
    %get3A_12 = arith.constant 0 : index
    %get3A_13 = arith.constant 0 : index
    %get3A_14 = vector.load %arg3[%get3A_12, %get3A_13] : memref<128x128xf32, #tpu.memory_space<vmem>>, vector<128x128xf32>
    %dot_general3A_15 = arith.constant dense<0.000000e+00> : vector<1000x128xf32>
    %dot_general3A_16 = tpu.matmul %get3A_1, %get3A_14, %dot_general3A_15 {dimension_numbers = #tpu.dot_dimension_numbers<[1], [1], [0], [0], [0, 0, 1, 0], [], []>, transpose_lhs_hint = false} : vector<1000x128xf32>, vector<128x128xf32>, vector<1000x128xf32> -> vector<1000x128xf32>
    %get3A_17 = arith.constant 0 : index
    %get3A_18 = arith.constant 0 : index
    %get3A_19 = vector.load %arg4[%get3A_17, %get3A_18] : memref<1x128xf32, #tpu.memory_space<vmem>>, vector<1x128xf32>
    %add3A = vector.broadcast %get3A_19 : vector<1x128xf32> to vector<1000x128xf32>
    %add3A_20 = arith.addf %dot_general3A_16, %add3A : vector<1000x128xf32>
    %swap3A_21 = arith.constant 0 : index
    %swap3A_22 = arith.constant 0 : index
    %swap3A_23 = vector.load %arg7[%swap3A_21, %swap3A_22] : memref<1000x128xf32, #tpu.memory_space<vmem>>, vector<1000x128xf32>
    tpu.vector_store %arg7[%swap3A_21, %swap3A_22], %add3A_20 {strides = array<i32>} : memref<1000x128xf32, #tpu.memory_space<vmem>>, vector<1000x128xf32>,
    return
  }
  func.func @transform_0(%arg0: i32) -> (i32, i32) {
    %c0_i32 = arith.constant 0 : i32
    %c0_i32_0 = arith.constant 0 : i32
    return %arg0, %c0_i32 : i32, i32
  }
  func.func @transform_1(%arg0: i32) -> (i32, i32) {
    %c0_i32 = arith.constant 0 : i32
    %c0_i32_0 = arith.constant 0 : i32
    %c0_i32_1 = arith.constant 0 : i32
    return %c0_i32, %c0_i32_0 : i32, i32
  }
  func.func @transform_2(%arg0: i32) -> (i32, i32) {
    %c0_i32 = arith.constant 0 : i32
    %c0_i32_0 = arith.constant 0 : i32
    %c0_i32_1 = arith.constant 0 : i32
    return %c0_i32, %c0_i32_0 : i32, i32
  }
  func.func @transform_3(%arg0: i32) -> (i32, i32) {
    %c0_i32 = arith.constant 0 : i32
    %c0_i32_0 = arith.constant 0 : i32
    %c0_i32_1 = arith.constant 0 : i32
    return %c0_i32, %c0_i32_0 : i32, i32
  }
  func.func @transform_4(%arg0: i32) -> (i32, i32) {
    %c0_i32 = arith.constant 0 : i32
    %c0_i32_0 = arith.constant 0 : i32
    return %arg0, %c0_i32 : i32, i32
  }
  func.func @transform_5(%arg0: i32) -> (i32, i32) {
    %c0_i32 = arith.constant 0 : i32
    %c0_i32_0 = arith.constant 0 : i32
    return %arg0, %c0_i32 : i32, i32
  }
  func.func @transform_6(%arg0: i32) -> (i32, i32) {
    %c0_i32 = arith.constant 0 : i32
    %c0_i32_0 = arith.constant 0 : i32
    return %arg0, %c0_i32 : i32, i32
  }
}

module attributes {stable_mosaic.version = 14 : i64} {
  func.func @body(%arg0: i32, %arg1: memref<2x1000x64xf32, #tpu.memory_space<vmem>>, %arg2: memref<1x1000x8xf32, #tpu.memory_space<vmem>>, %arg3: memref<1000x128xf32, #tpu.memory_space<vmem>>, %arg4: memref<1000x128xf32, #tpu.memory_space<vmem>>, %arg5: memref<2x128xf32, #tpu.memory_space<vmem>>, %arg6: memref<1000x1xf32, #tpu.memory_space<vmem>>) attributes {dimension_semantics = [#tpu.dimension_semantics<arbitrary>], iteration_bounds = array<i64: 10>, scalar_prefetch = 0 : i64, scratch_operands = 0 : i64, tpu.core_type = #tpu.core_type<tc>, window_params = [{transform_indices = @transform_0, window_bounds = array<i64: 2, 1000, 64>}, {transform_indices = @transform_1, window_bounds = array<i64: 1, 1000, 8>}, {transform_indices = @transform_2, window_bounds = array<i64: 1000, 128>}, {transform_indices = @transform_3, window_bounds = array<i64: 1000, 128>}, {pipeline_mode = #tpu.pipeline_mode<synchronous>, transform_indices = @transform_4, window_bounds = array<i64: 2, 128>}, {transform_indices = @transform_5, window_bounds = array<i64: 1000, 1>}]} {
    %get3A = arith.constant 0 : index
    %get3A_0 = arith.constant 0 : index
    %get3A_1 = arith.constant 0 : index
    %get3A_2 = vector.load %arg1[%get3A, %get3A_0, %get3A_1] : memref<2x1000x64xf32, #tpu.memory_space<vmem>>, vector<1x1000x64xf32>
    %get3A_3 = vector.shape_cast %get3A_2 : vector<1x1000x64xf32> to vector<1000x64xf32>
    %get3A_4 = arith.constant 1 : index
    %get3A_5 = arith.constant 0 : index
    %get3A_6 = arith.constant 0 : index
    %get3A_7 = vector.load %arg1[%get3A_4, %get3A_5, %get3A_6] : memref<2x1000x64xf32, #tpu.memory_space<vmem>>, vector<1x1000x64xf32>
    %get3A_8 = vector.shape_cast %get3A_7 : vector<1x1000x64xf32> to vector<1000x64xf32>
    %concatenate3A = tpu.concatenate %get3A_3, %get3A_8 in 1 : vector<1000x64xf32>, vector<1000x64xf32> -> vector<1000x128xf32>
    %get3A_9 = arith.constant 0 : index
    %get3A_10 = arith.constant 0 : index
    %get3A_11 = arith.constant 0 : index
    %get3A_12 = vector.load %arg2[%get3A_9, %get3A_10, %get3A_11] : memref<1x1000x8xf32, #tpu.memory_space<vmem>>, vector<1x1000x8xf32>
    %get3A_13 = vector.shape_cast %get3A_12 : vector<1x1000x8xf32> to vector<1000x8xf32>
    %slice3A = vector.extract_strided_slice %get3A_13 {offsets = [0, 0], sizes = [1000, 1], strides = [1, 1]} : vector<1000x8xf32> to vector<1000x1xf32>
    %max3A = arith.constant 1.000000e+00 : f32
    %max3A_14 = vector.broadcast %max3A : f32 to vector<1000x1xf32>
    %max3A_15 = arith.maximumf %slice3A, %max3A_14 : vector<1000x1xf32>
    %div3A = vector.broadcast %max3A_15 : vector<1000x1xf32> to vector<1000x128xf32>
    %div3A_16 = arith.divf %concatenate3A, %div3A : vector<1000x128xf32>
    %get3A_17 = arith.constant 0 : index
    %get3A_18 = arith.constant 0 : index
    %get3A_19 = vector.load %arg3[%get3A_17, %get3A_18] : memref<1000x128xf32, #tpu.memory_space<vmem>>, vector<1000x128xf32>
    %add3A = arith.addf %div3A_16, %get3A_19 : vector<1000x128xf32>
    %swap3A = arith.constant 0 : index
    %swap3A_20 = arith.constant 0 : index
    %swap3A_21 = vector.load %arg4[%swap3A, %swap3A_20] : memref<1000x128xf32, #tpu.memory_space<vmem>>, vector<1000x128xf32>
    tpu.vector_store %arg4[%swap3A, %swap3A_20], %add3A {strides = array<i32>} : memref<1000x128xf32, #tpu.memory_space<vmem>>, vector<1000x128xf32>,
    %swap3A_22 = arith.constant 0 : index
    %swap3A_23 = arith.constant 0 : index
    %swap3A_24 = vector.load %arg6[%swap3A_22, %swap3A_23] : memref<1000x1xf32, #tpu.memory_space<vmem>>, vector<1000x1xf32>
    tpu.vector_store %arg6[%swap3A_22, %swap3A_23], %slice3A {strides = array<i32>} : memref<1000x1xf32, #tpu.memory_space<vmem>>, vector<1000x1xf32>,
    %reduce_sum3A = arith.constant dense<0.000000e+00> : vector<128xf32>
    %reduce_sum3A_25 = vector.multi_reduction <add>, %add3A, %reduce_sum3A [0] : vector<1000x128xf32> to vector<128xf32>
    %broadcast_in_dim3A = vector.shape_cast %reduce_sum3A_25 : vector<128xf32> to vector<1x128xf32>
    %mul3A = arith.mulf %add3A, %add3A : vector<1000x128xf32>
    %reduce_sum3A_26 = arith.constant dense<0.000000e+00> : vector<128xf32>
    %reduce_sum3A_27 = vector.multi_reduction <add>, %mul3A, %reduce_sum3A_26 [0] : vector<1000x128xf32> to vector<128xf32>
    %broadcast_in_dim3A_28 = vector.shape_cast %reduce_sum3A_27 : vector<128xf32> to vector<1x128xf32>
    %eq3A = arith.constant 0 : i32
    %eq3A_29 = arith.cmpi eq, %arg0, %eq3A : i32
    %convert_element_type3A = arith.extui %eq3A_29 : i1 to i32
    %cond3A = arith.constant 0 : i32
    %cond3A_30 = arith.cmpi ne, %convert_element_type3A, %cond3A : i32
    scf.if %cond3A_30 {
      %broadcast_in_dim3A_39 = arith.constant 0.000000e+00 : f32
      %broadcast_in_dim3A_40 = vector.broadcast %broadcast_in_dim3A_39 : f32 to vector<2x128xf32>
      %swap3A_41 = arith.constant 0 : index
      %swap3A_42 = arith.constant 0 : index
      %swap3A_43 = vector.load %arg5[%swap3A_41, %swap3A_42] : memref<2x128xf32, #tpu.memory_space<vmem>>, vector<2x128xf32>
      tpu.vector_store %arg5[%swap3A_41, %swap3A_42], %broadcast_in_dim3A_40 {strides = array<i32>} : memref<2x128xf32, #tpu.memory_space<vmem>>, vector<2x128xf32>,
    } else {
    }
    %get3A_31 = arith.constant 0 : index
    %get3A_32 = arith.constant 0 : index
    %get3A_33 = vector.load %arg5[%get3A_31, %get3A_32] : memref<2x128xf32, #tpu.memory_space<vmem>>, vector<2x128xf32>
    %concatenate3A_34 = tpu.concatenate %broadcast_in_dim3A, %broadcast_in_dim3A_28 in 0 : vector<1x128xf32>, vector<1x128xf32> -> vector<2x128xf32>
    %add3A_35 = arith.addf %get3A_33, %concatenate3A_34 : vector<2x128xf32>
    %swap3A_36 = arith.constant 0 : index
    %swap3A_37 = arith.constant 0 : index
    %swap3A_38 = vector.load %arg5[%swap3A_36, %swap3A_37] : memref<2x128xf32, #tpu.memory_space<vmem>>, vector<2x128xf32>
    tpu.vector_store %arg5[%swap3A_36, %swap3A_37], %add3A_35 {strides = array<i32>} : memref<2x128xf32, #tpu.memory_space<vmem>>, vector<2x128xf32>,
    return
  }
  func.func @transform_0(%arg0: i32) -> (i32, i32, i32) {
    %c0_i32 = arith.constant 0 : i32
    %c0_i32_0 = arith.constant 0 : i32
    %c0_i32_1 = arith.constant 0 : i32
    return %c0_i32, %arg0, %c0_i32_0 : i32, i32, i32
  }
  func.func @transform_1(%arg0: i32) -> (i32, i32, i32) {
    %c0_i32 = arith.constant 0 : i32
    %c0_i32_0 = arith.constant 0 : i32
    %c0_i32_1 = arith.constant 0 : i32
    return %c0_i32, %arg0, %c0_i32_0 : i32, i32, i32
  }
  func.func @transform_2(%arg0: i32) -> (i32, i32) {
    %c0_i32 = arith.constant 0 : i32
    %c0_i32_0 = arith.constant 0 : i32
    return %arg0, %c0_i32 : i32, i32
  }
  func.func @transform_3(%arg0: i32) -> (i32, i32) {
    %c0_i32 = arith.constant 0 : i32
    %c0_i32_0 = arith.constant 0 : i32
    return %arg0, %c0_i32 : i32, i32
  }
  func.func @transform_4(%arg0: i32) -> (i32, i32) {
    %c0_i32 = arith.constant 0 : i32
    %c0_i32_0 = arith.constant 0 : i32
    %c0_i32_1 = arith.constant 0 : i32
    return %c0_i32, %c0_i32_0 : i32, i32
  }
  func.func @transform_5(%arg0: i32) -> (i32, i32) {
    %c0_i32 = arith.constant 0 : i32
    %c0_i32_0 = arith.constant 0 : i32
    return %arg0, %c0_i32 : i32, i32
  }
}

module attributes {stable_mosaic.version = 14 : i64} {
  func.func @body(%arg0: i32, %arg1: memref<1000x128xf32, #tpu.memory_space<vmem>>, %arg2: memref<2x128xf32, #tpu.memory_space<vmem>>, %arg3: memref<1x128xf32, #tpu.memory_space<vmem>>, %arg4: memref<1x128xf32, #tpu.memory_space<vmem>>, %arg5: memref<40x128xf32, #tpu.memory_space<vmem>>, %arg6: memref<40x128xf32, #tpu.memory_space<vmem>>, %arg7: memref<1x40xf32, #tpu.memory_space<vmem>>, %arg8: memref<1000x40xf32, #tpu.memory_space<vmem>>, %arg9: memref<1000x40xf32, #tpu.memory_space<vmem>>) attributes {dimension_semantics = [#tpu.dimension_semantics<arbitrary>], iteration_bounds = array<i64: 10>, scalar_prefetch = 0 : i64, scratch_operands = 0 : i64, tpu.core_type = #tpu.core_type<tc>, window_params = [{transform_indices = @transform_0, window_bounds = array<i64: 1000, 128>}, {pipeline_mode = #tpu.pipeline_mode<synchronous>, transform_indices = @transform_1, window_bounds = array<i64: 2, 128>}, {pipeline_mode = #tpu.pipeline_mode<synchronous>, transform_indices = @transform_2, window_bounds = array<i64: 1, 128>}, {pipeline_mode = #tpu.pipeline_mode<synchronous>, transform_indices = @transform_3, window_bounds = array<i64: 1, 128>}, {pipeline_mode = #tpu.pipeline_mode<synchronous>, transform_indices = @transform_4, window_bounds = array<i64: 40, 128>}, {pipeline_mode = #tpu.pipeline_mode<synchronous>, transform_indices = @transform_5, window_bounds = array<i64: 40, 128>}, {pipeline_mode = #tpu.pipeline_mode<synchronous>, transform_indices = @transform_6, window_bounds = array<i64: 1, 40>}, {transform_indices = @transform_7, window_bounds = array<i64: 1000, 40>}, {transform_indices = @transform_8, window_bounds = array<i64: 1000, 40>}]} {
    %get3A = arith.constant 0 : index
    %get3A_0 = arith.constant 0 : index
    %get3A_1 = vector.load %arg2[%get3A, %get3A_0] : memref<2x128xf32, #tpu.memory_space<vmem>>, vector<1x128xf32>
    %mul3A = arith.constant 9.99999974E-5 : f32
    %mul3A_2 = vector.broadcast %mul3A : f32 to vector<1x128xf32>
    %mul3A_3 = arith.mulf %get3A_1, %mul3A_2 : vector<1x128xf32>
    %get3A_4 = arith.constant 1 : index
    %get3A_5 = arith.constant 0 : index
    %get3A_6 = vector.load %arg2[%get3A_4, %get3A_5] : memref<2x128xf32, #tpu.memory_space<vmem>>, vector<1x128xf32>
    %mul3A_7 = arith.constant 9.99999974E-5 : f32
    %mul3A_8 = vector.broadcast %mul3A_7 : f32 to vector<1x128xf32>
    %mul3A_9 = arith.mulf %get3A_6, %mul3A_8 : vector<1x128xf32>
    %mul3A_10 = arith.mulf %mul3A_3, %mul3A_3 : vector<1x128xf32>
    %sub3A = arith.subf %mul3A_9, %mul3A_10 : vector<1x128xf32>
    %get3A_11 = arith.constant 0 : index
    %get3A_12 = arith.constant 0 : index
    %get3A_13 = vector.load %arg3[%get3A_11, %get3A_12] : memref<1x128xf32, #tpu.memory_space<vmem>>, vector<1x128xf32>
    %add3A = arith.constant 9.99999974E-6 : f32
    %add3A_14 = vector.broadcast %add3A : f32 to vector<1x128xf32>
    %add3A_15 = arith.addf %sub3A, %add3A_14 : vector<1x128xf32>
    %rsqrt3A = math.rsqrt %add3A_15 : vector<1x128xf32>
    %mul3A_16 = arith.mulf %get3A_13, %rsqrt3A : vector<1x128xf32>
    %get3A_17 = arith.constant 0 : index
    %get3A_18 = arith.constant 0 : index
    %get3A_19 = vector.load %arg4[%get3A_17, %get3A_18] : memref<1x128xf32, #tpu.memory_space<vmem>>, vector<1x128xf32>
    %mul3A_20 = arith.mulf %mul3A_3, %mul3A_16 : vector<1x128xf32>
    %sub3A_21 = arith.subf %get3A_19, %mul3A_20 : vector<1x128xf32>
    %get3A_22 = arith.constant 0 : index
    %get3A_23 = arith.constant 0 : index
    %get3A_24 = vector.load %arg1[%get3A_22, %get3A_23] : memref<1000x128xf32, #tpu.memory_space<vmem>>, vector<1000x128xf32>
    %mul3A_25 = vector.broadcast %mul3A_16 : vector<1x128xf32> to vector<1000x128xf32>
    %mul3A_26 = arith.mulf %get3A_24, %mul3A_25 : vector<1000x128xf32>
    %add3A_27 = vector.broadcast %sub3A_21 : vector<1x128xf32> to vector<1000x128xf32>
    %add3A_28 = arith.addf %mul3A_26, %add3A_27 : vector<1000x128xf32>
    %max3A = arith.constant 0.000000e+00 : f32
    %max3A_29 = vector.broadcast %max3A : f32 to vector<1000x128xf32>
    %max3A_30 = arith.maximumf %add3A_28, %max3A_29 : vector<1000x128xf32>
    %get3A_31 = arith.constant 0 : index
    %get3A_32 = arith.constant 0 : index
    %get3A_33 = vector.load %arg5[%get3A_31, %get3A_32] : memref<40x128xf32, #tpu.memory_space<vmem>>, vector<40x128xf32>
    %dot_general3A = arith.constant dense<0.000000e+00> : vector<1000x40xf32>
    %dot_general3A_34 = tpu.matmul %max3A_30, %get3A_33, %dot_general3A {dimension_numbers = #tpu.dot_dimension_numbers<[1], [1], [0], [0], [0, 0, 1, 0], [], []>, transpose_lhs_hint = false} : vector<1000x128xf32>, vector<40x128xf32>, vector<1000x40xf32> -> vector<1000x40xf32>
    %swap3A = arith.constant 0 : index
    %swap3A_35 = arith.constant 0 : index
    %swap3A_36 = vector.load %arg8[%swap3A, %swap3A_35] : memref<1000x40xf32, #tpu.memory_space<vmem>>, vector<1000x40xf32>
    tpu.vector_store %arg8[%swap3A, %swap3A_35], %dot_general3A_34 {strides = array<i32>} : memref<1000x40xf32, #tpu.memory_space<vmem>>, vector<1000x40xf32>,
    %get3A_37 = arith.constant 0 : index
    %get3A_38 = arith.constant 0 : index
    %get3A_39 = vector.load %arg6[%get3A_37, %get3A_38] : memref<40x128xf32, #tpu.memory_space<vmem>>, vector<40x128xf32>
    %dot_general3A_40 = arith.constant dense<0.000000e+00> : vector<1000x40xf32>
    %dot_general3A_41 = tpu.matmul %max3A_30, %get3A_39, %dot_general3A_40 {dimension_numbers = #tpu.dot_dimension_numbers<[1], [1], [0], [0], [0, 0, 1, 0], [], []>, transpose_lhs_hint = false} : vector<1000x128xf32>, vector<40x128xf32>, vector<1000x40xf32> -> vector<1000x40xf32>
    %get3A_42 = arith.constant 0 : index
    %get3A_43 = arith.constant 0 : index
    %get3A_44 = vector.load %arg7[%get3A_42, %get3A_43] : memref<1x40xf32, #tpu.memory_space<vmem>>, vector<1x40xf32>
    %add3A_45 = vector.broadcast %get3A_44 : vector<1x40xf32> to vector<1000x40xf32>
    %add3A_46 = arith.addf %dot_general3A_41, %add3A_45 : vector<1000x40xf32>
    %swap3A_47 = arith.constant 0 : index
    %swap3A_48 = arith.constant 0 : index
    %swap3A_49 = vector.load %arg9[%swap3A_47, %swap3A_48] : memref<1000x40xf32, #tpu.memory_space<vmem>>, vector<1000x40xf32>
    tpu.vector_store %arg9[%swap3A_47, %swap3A_48], %add3A_46 {strides = array<i32>} : memref<1000x40xf32, #tpu.memory_space<vmem>>, vector<1000x40xf32>,
    return
  }
  func.func @transform_0(%arg0: i32) -> (i32, i32) {
    %c0_i32 = arith.constant 0 : i32
    %c0_i32_0 = arith.constant 0 : i32
    return %arg0, %c0_i32 : i32, i32
  }
  func.func @transform_1(%arg0: i32) -> (i32, i32) {
    %c0_i32 = arith.constant 0 : i32
    %c0_i32_0 = arith.constant 0 : i32
    %c0_i32_1 = arith.constant 0 : i32
    return %c0_i32, %c0_i32_0 : i32, i32
  }
  func.func @transform_2(%arg0: i32) -> (i32, i32) {
    %c0_i32 = arith.constant 0 : i32
    %c0_i32_0 = arith.constant 0 : i32
    %c0_i32_1 = arith.constant 0 : i32
    return %c0_i32, %c0_i32_0 : i32, i32
  }
  func.func @transform_3(%arg0: i32) -> (i32, i32) {
    %c0_i32 = arith.constant 0 : i32
    %c0_i32_0 = arith.constant 0 : i32
    %c0_i32_1 = arith.constant 0 : i32
    return %c0_i32, %c0_i32_0 : i32, i32
  }
  func.func @transform_4(%arg0: i32) -> (i32, i32) {
    %c0_i32 = arith.constant 0 : i32
    %c0_i32_0 = arith.constant 0 : i32
    %c0_i32_1 = arith.constant 0 : i32
    return %c0_i32, %c0_i32_0 : i32, i32
  }
  func.func @transform_5(%arg0: i32) -> (i32, i32) {
    %c0_i32 = arith.constant 0 : i32
    %c0_i32_0 = arith.constant 0 : i32
    %c0_i32_1 = arith.constant 0 : i32
    return %c0_i32, %c0_i32_0 : i32, i32
  }
  func.func @transform_6(%arg0: i32) -> (i32, i32) {
    %c0_i32 = arith.constant 0 : i32
    %c0_i32_0 = arith.constant 0 : i32
    %c0_i32_1 = arith.constant 0 : i32
    return %c0_i32, %c0_i32_0 : i32, i32
  }
  func.func @transform_7(%arg0: i32) -> (i32, i32) {
    %c0_i32 = arith.constant 0 : i32
    %c0_i32_0 = arith.constant 0 : i32
    return %arg0, %c0_i32 : i32, i32
  }
  func.func @transform_8(%arg0: i32) -> (i32, i32) {
    %c0_i32 = arith.constant 0 : i32
    %c0_i32_0 = arith.constant 0 : i32
    return %arg0, %c0_i32 : i32, i32
  }
}

module attributes {stable_mosaic.version = 14 : i64} {
  func.func @body(%arg0: i32, %arg1: memref<2x1000x40xf32, #tpu.memory_space<vmem>>, %arg2: memref<1000x1xf32, #tpu.memory_space<vmem>>, %arg3: memref<1000x40xf32, #tpu.memory_space<vmem>>, %arg4: memref<1000x40xf32, #tpu.memory_space<vmem>>) attributes {dimension_semantics = [#tpu.dimension_semantics<arbitrary>], iteration_bounds = array<i64: 10>, scalar_prefetch = 0 : i64, scratch_operands = 0 : i64, tpu.core_type = #tpu.core_type<tc>, window_params = [{transform_indices = @transform_0, window_bounds = array<i64: 2, 1000, 40>}, {transform_indices = @transform_1, window_bounds = array<i64: 1000, 1>}, {transform_indices = @transform_2, window_bounds = array<i64: 1000, 40>}, {transform_indices = @transform_3, window_bounds = array<i64: 1000, 40>}]} {
    %get3A = arith.constant 0 : index
    %get3A_0 = arith.constant 0 : index
    %get3A_1 = arith.constant 0 : index
    %get3A_2 = vector.load %arg1[%get3A, %get3A_0, %get3A_1] : memref<2x1000x40xf32, #tpu.memory_space<vmem>>, vector<1x1000x40xf32>
    %get3A_3 = vector.shape_cast %get3A_2 : vector<1x1000x40xf32> to vector<1000x40xf32>
    %get3A_4 = arith.constant 1 : index
    %get3A_5 = arith.constant 0 : index
    %get3A_6 = arith.constant 0 : index
    %get3A_7 = vector.load %arg1[%get3A_4, %get3A_5, %get3A_6] : memref<2x1000x40xf32, #tpu.memory_space<vmem>>, vector<1x1000x40xf32>
    %get3A_8 = vector.shape_cast %get3A_7 : vector<1x1000x40xf32> to vector<1000x40xf32>
    %add3A = arith.addf %get3A_3, %get3A_8 : vector<1000x40xf32>
    %get3A_9 = arith.constant 0 : index
    %get3A_10 = arith.constant 0 : index
    %get3A_11 = vector.load %arg2[%get3A_9, %get3A_10] : memref<1000x1xf32, #tpu.memory_space<vmem>>, vector<1000x1xf32>
    %max3A = arith.constant 1.000000e+00 : f32
    %max3A_12 = vector.broadcast %max3A : f32 to vector<1000x1xf32>
    %max3A_13 = arith.maximumf %get3A_11, %max3A_12 : vector<1000x1xf32>
    %div3A = vector.broadcast %max3A_13 : vector<1000x1xf32> to vector<1000x40xf32>
    %div3A_14 = arith.divf %add3A, %div3A : vector<1000x40xf32>
    %get3A_15 = arith.constant 0 : index
    %get3A_16 = arith.constant 0 : index
    %get3A_17 = vector.load %arg3[%get3A_15, %get3A_16] : memref<1000x40xf32, #tpu.memory_space<vmem>>, vector<1000x40xf32>
    %add3A_18 = arith.addf %div3A_14, %get3A_17 : vector<1000x40xf32>
    %swap3A = arith.constant 0 : index
    %swap3A_19 = arith.constant 0 : index
    %swap3A_20 = vector.load %arg4[%swap3A, %swap3A_19] : memref<1000x40xf32, #tpu.memory_space<vmem>>, vector<1000x40xf32>
    tpu.vector_store %arg4[%swap3A, %swap3A_19], %add3A_18 {strides = array<i32>} : memref<1000x40xf32, #tpu.memory_space<vmem>>, vector<1000x40xf32>,
    return
  }
  func.func @transform_0(%arg0: i32) -> (i32, i32, i32) {
    %c0_i32 = arith.constant 0 : i32
    %c0_i32_0 = arith.constant 0 : i32
    %c0_i32_1 = arith.constant 0 : i32
    return %c0_i32, %arg0, %c0_i32_0 : i32, i32, i32
  }
  func.func @transform_1(%arg0: i32) -> (i32, i32) {
    %c0_i32 = arith.constant 0 : i32
    %c0_i32_0 = arith.constant 0 : i32
    return %arg0, %c0_i32 : i32, i32
  }
  func.func @transform_2(%arg0: i32) -> (i32, i32) {
    %c0_i32 = arith.constant 0 : i32
    %c0_i32_0 = arith.constant 0 : i32
    return %arg0, %c0_i32 : i32, i32
  }
  func.func @transform_3(%arg0: i32) -> (i32, i32) {
    %c0_i32 = arith.constant 0 : i32
    %c0_i32_0 = arith.constant 0 : i32
    return %arg0, %c0_i32 : i32, i32
  }
}

</mosaic_0001>

<sc_bundles>
// kernel: kernel.11.cloned.1.call-start
scs
__scs_entry_jumppad:
0x0: {  	(pc) =	sbr.rel $0x88, $3  }
0x1: {  	(tag) =	ssettag $0x0;
	lr =	simm.s32 $0x1  }
0x2: {  	[smem:$0x3F97] =	sst lr;
	_ =	strace $0xD0000000  }
0x3: {  	_ = 	snop  }
0x4: {  	_ = 	snop  }
0x5: {  	_ = 	snop  }
0x6: {  	_ = 	snop  }
0x7: {  	_ = 	snop  }
__scs_overlays_trampoline_lowered:
0x8: {  	[smem:$0x3FA6] =	sst s0  }
0x9: {  	[smem:$0x3FA7] =	sst s1  }
0xa: {  	[smem:$0x3FA8] =	sst s2  }
0xb: {  	[smem:$0x3FA9] =	sst s3  }
0xc: {  	[smem:$0x3FAA] =	sst s4  }
0xd: {  	[smem:$0x3FAB] =	sst s5  }
0xe: {  	[smem:$0x3FAC] =	sst s6  }
0xf: {  	[smem:$0x3FAD] =	sst s7  }
0x10: {  	[smem:$0x3FAE] =	sst s8  }
0x11: {  	[smem:$0x3FAF] =	sst s9;
	s0 =	simm.s32 @!p0 $0x0  }
0x12: {  	s1 =	sld [smem:$0x3F95];
	s0 =	simm.s32 @p0 $0x1  }
0x13: {  	[smem:$0x3FB0] =	sst s0;
	s0 =	simm.s32 @!p1 $0x0  }
0x14: {  	s2 =	sld [smem:$0x3F94];
	s0 =	simm.s32 @p1 $0x1  }
0x15: {  	[smem:$0x3FB1] =	sst s0;
	s0 =	simm.s32 @!p2 $0x0  }
0x16: {  	s3 =	sld [smem:$0x3FDB];
	s0 =	simm.s32 @p2 $0x1  }
0x17: {  	s4 =	simm.s32 $0x1BF5;
	[smem:$0x3FB3] =	sst s0  }
0x18: {  	s0 =	sld [smem:$0x3F96];
	_ =	swait.ge [sflag:s4], $0x0  }
0x19: {  	s7 =	sld [smem:$0x3F97]  }
0x1a: {  	s8 =	sadd.s32 $0xFFFFE003, lr  }
0x1b: {  	s9 =	sadd.s32 $0xFFFFFEF7, lr;
	s5 =	simm.s32 $0xFFFFFFFF;
	p2 =	slt.u32 s8, $0xFFFFF086  }
0x1c: {  	p1 =	slt.u32 s9, $0xF7A;
	s5 =	simm.s32 @!p2 $0x0  }
0x1d: {  	s5 =	simm.s32 @p1 $0x1;
	p0 =	seq.s32 s7, s2  }
0x1e: {  	s7 =	smul.u32 @!p0 $0xF7A, s2;
	p2 =	seq.s32 @!p0 s5, $0x0  }
0x1f: {  	s9 =	smul.u32 $0xF7A, s1;
	s8 =	simm.s32 @!p0 $0x1BF5;
	p2 =	por !p2, p0  }
0x20: {  	[sflag:s8] =	ssyncset.s32 @!p0 $0xFFFFF086;
	s6 =	sadd.s32 @!p0 s3, s7;
	s7 =	simm.s32 @!p0 $0x108  }
0x21: {  	s3 =	sadd.s32 s3, s9;
	s6 =	sadd.s32 @!p0 $0x88, s6;
	s7 =	simm.s32 @p2 $0x1082  }
0x22: {  	[simem:s7], [sflag:s8] =	dma.local @!p0 [hbm:s6], $0xF7A  }
0x23: {  	s9 =	sor.u32 $0xD0000000, s2;
	s6 =	simm.s32 $0x108;
	_ =	swait.ge @!p0 [sflag:s8], $0x0  }
0x24: {  	s3 =	sadd.s32 $0x88, s3;
	s6 =	simm.s32 @!p1 $0x1082;
	[sflag:s4] =	ssyncset.s32 $0xFFFFF086  }
0x25: {  	[simem:s6], [sflag:s4] =	dma.local [hbm:s3], $0xF7A  }
0x26: {  	[smem:$0x3F97] =	sst s1;
	(tag) =	ssettag s2;
	_ =	strace s9  }
0x27: {  	s1 =	sld [smem:$0x3FA7]  }
0x28: {  	s2 =	sld [smem:$0x3FA8]  }
0x29: {  	s4 =	sld [smem:$0x3FAA]  }
0x2a: {  	p0 =	seq.s32 s5, $0x0;
	s5 =	sld [smem:$0x3FAB]  }
0x2b: {  	s6 =	sld [smem:$0x3FAC]  }
0x2c: {  	s7 =	sld [smem:$0x3FAD]  }
0x2d: {  	s3 =	simm.s32 $0x108;
	s8 =	sld [smem:$0x3FAE]  }
0x2e: {  	s3 =	simm.s32 @!p0 $0x1082;
	s9 =	sld [smem:$0x3FAF]  }
0x2f: {  	lr =	sadd.s32 s0, s3;
	s0 =	sld [smem:$0x3FA6]  }
0x30: {  	s3 =	sld [smem:$0x3FA9]  }
0x31: {  	[smem:$0x3FB2] =	sst s10  }
0x32: {  	s10 =	sld [smem:$0x3FB0];
	_ =	sdelay $0x3  }
0x33: {  	p0 =	seq.s32 s10, $0x1;
	s10 =	sld [smem:$0x3FB2];
	_ =	sdelay $0x3  }
0x34: {  	[smem:$0x3FB2] =	sst s10  }
0x35: {  	s10 =	sld [smem:$0x3FB1];
	_ =	sdelay $0x3  }
0x36: {  	p1 =	seq.s32 s10, $0x1;
	s10 =	sld [smem:$0x3FB2];
	_ =	sdelay $0x3  }
0x37: {  	[smem:$0x3FB2] =	sst s10  }
0x38: {  	s10 =	sld [smem:$0x3FB3]  }
0x39: {  	_ = 	snop;
	(pc) =	sbr.ind lr, $3  }
0x3a: {  	_ = 	snop  }
0x3b: {  	_ = 	snop  }
0x3c: {  	p2 =	seq.s32 s10, $0x1;
	s10 =	sld [smem:$0x3FB2]  }
0x3d: {  	_ =	shalt  }
0x3e: {  	_ =	shalt  }
0x3f: {  	_ =	shalt  }
0x40: {  	_ =	shalt  }
0x41: {  	_ =	shalt  }
0x42: {  	_ =	shalt  }
0x43: {  	_ =	shalt  }
0x44: {  	_ =	shalt  }
0x45: {  	_ =	shalt  }
0x46: {  	_ =	shalt  }
0x47: {  	_ =	shalt  }
0x48: {  	_ =	shalt  }
0x49: {  	_ =	shalt  }
0x4a: {  	_ =	shalt  }
0x4b: {  	_ =	shalt  }
0x4c: {  	_ =	shalt  }
0x4d: {  	_ =	shalt  }
0x4e: {  	_ =	shalt  }
0x4f: {  	_ =	shalt  }
0x50: {  	_ =	shalt  }
0x51: {  	_ =	shalt  }
0x52: {  	_ =	shalt  }
0x53: {  	_ =	shalt  }
0x54: {  	_ =	shalt  }
0x55: {  	_ =	shalt  }
0x56: {  	_ =	shalt  }
0x57: {  	_ =	shalt  }
0x58: {  	_ =	shalt  }
0x59: {  	_ =	shalt  }
0x5a: {  	_ =	shalt  }
0x5b: {  	_ =	shalt  }
0x5c: {  	_ =	shalt  }
0x5d: {  	_ =	shalt  }
0x5e: {  	_ =	shalt  }
0x5f: {  	_ =	shalt  }
0x60: {  	_ =	shalt  }
0x61: {  	_ =	shalt  }
0x62: {  	_ =	shalt  }
0x63: {  	_ =	shalt  }
0x64: {  	_ =	shalt  }
0x65: {  	_ =	shalt  }
0x66: {  	_ =	shalt  }
0x67: {  	_ =	shalt  }
0x68: {  	_ =	shalt  }
0x69: {  	_ =	shalt  }
0x6a: {  	_ =	shalt  }
0x6b: {  	_ =	shalt  }
0x6c: {  	_ =	shalt  }
0x6d: {  	_ =	shalt  }
0x6e: {  	_ =	shalt  }
0x6f: {  	_ =	shalt  }
0x70: {  	_ =	shalt  }
0x71: {  	_ =	shalt  }
0x72: {  	_ =	shalt  }
0x73: {  	_ =	shalt  }
0x74: {  	_ =	shalt  }
0x75: {  	_ =	shalt  }
0x76: {  	_ =	shalt  }
0x77: {  	_ =	shalt  }
0x78: {  	_ =	shalt  }
0x79: {  	_ =	shalt  }
0x7a: {  	_ =	shalt  }
0x7b: {  	_ =	shalt  }
0x7c: {  	_ =	shalt  }
0x7d: {  	_ =	shalt  }
0x7e: {  	_ =	shalt  }
0x7f: {  	_ =	shalt  }
0x80: {  	_ =	shalt  }
0x81: {  	_ =	shalt  }
0x82: {  	_ =	shalt  }
0x83: {  	_ =	shalt  }
0x84: {  	_ =	shalt  }
0x85: {  	_ =	shalt  }
0x86: {  	_ =	shalt  }
0x87: {  	_ =	shalt  }
.Lfunc_end0:
.L_simem_size_0:
called_computation.1_lowered:
.L_overlay_start_0:
0x88: {  	s2 =	sld [smem:$0x3FD9]  }
0x89: {  	s3 =	sld [smem:$0x3FFE];
	_ =	sdelay $0x1  }
0x8a: {  	s1 =	srdreg.scid  }
0x8b: {  	s0 =	sand.u32 $0x1, s1  }
0x8c: {  	s17 =	sshll.u32 s0, $0xA;
	s2 =	sadd.s32 s3, s2  }
0x8d: {  	s2 =	sadd.s32 s2, s17  }
0x8e: {  	[smem:$0x3FBE] =	sst s2  }
0x8f: {  	_ = 	snop  }
0x90: {  	s2 =	sld [smem:$0x3FD0];
	(tm) =	ssettm $0x1  }
0x91: {  	s18 =	sld [smem:$0x3FFB];
	_ =	sdelay $0x3  }
0x92: {  	_ =	strace s18  }
0x93: {  	s3 =	sld [smem:$0x3FFC];
	_ =	sdelay $0x3  }
0x94: {  	_ =	strace s3  }
0x95: {  	s3 =	sld [smem:$0x3FFD];
	_ =	sdelay $0x3  }
0x96: {  	_ =	strace s3  }
0x97: {  	_ =	strace $0x8FFFFFFF  }
0x98: {  	s19 =	sld [smem:$0x3FDB];
	_ =	sdelay $0x1  }
0x99: {  	s4 =	simm.s32 $_scs_section_size  }
0x9a: {  	s5 =	simm.s32 $_size__tile_overlayer_lowered;
	s6 =	simm.s32 $_tile_overlayer_lowered  }
0x9b: {  	s22 =	simm.s32 $0x1BFF;
	s21 =	sshll.u32 s6, $0x1;
	s3 =	sadd.s32 s4, s19  }
0x9c: {  	s7 =	simm.s32 $0x0;
	s20 =	sshll.u32 s5, $0x1;
	s5 =	sadd.s32 s21, s3  }
0x9d: {  	[timem:s7], [sflag:s22] =	dma.local [hbm:s5], s20  }
0x9e: {  	_ =	swait.ge [sflag:s22], s20  }
0x9f: {  	s4 =	ssub.s32 $0x0, s20;
	[sflag:s22] =	ssyncset.done $0x0  }
0xa0: {  	[sflag:s22] =	ssyncadd.s32 s4;
	_ =	sdelay $0x1  }
0xa1: {  	s23 =	simm.s32 $0x1B8B  }
0xa2: {  	_ =	swait.ge [sflag:s23], $0x1  }
0xa3: {  	[sflag:s23] =	ssyncset.done $0x0  }
0xa4: {  	s25 =	simm.s32 $0x1B8E;
	s24 =	sld [smem:$0x3FFE];
	[sflag:s23] =	ssyncadd.s32 $0xFFFFFFFF  }
0xa5: {  	s26 =	simm.s32 $execute0_lowered;
	[smem:$0x3FD2] =	sst s25  }
0xa6: {  	s5 =	sshll.u32 s26, $0x1;
	_ =	strace $0x80000049;
	[dreg:$0x1] =	wrdreg $0xFFFFFFFF  }
0xa7: {  	s28 =	simm.s32 $_size_execute0_lowered;
	s3 =	sadd.s32 s3, s5;
	[dreg:$0x0] =	wrdreg $0x0  }
0xa8: {  	s5 =	sshll.u32 s28, $0x1;
	[dreg:$0x2] =	wrdreg s3  }
0xa9: {  	[dreg:$0x3] =	wrdreg s5  }
0xaa: {  	[dreg:$0x4] =	wrdreg $0xC0  }
0xab: {  	_ =	task [dreg:s7], $0x5FFFF  }
0xac: {  	[dreg:$0x1] =	wrdreg $0xFFFFFFFF  }
0xad: {  	[dreg:$0x0] =	wrdreg $0x60  }
0xae: {  	[dreg:$0x2] =	wrdreg s2  }
0xaf: {  	[dreg:$0x3] =	wrdreg s24  }
0xb0: {  	[dreg:$0x4] =	wrdreg $0x9F000  }
0xb1: {  	[dreg:$0x5] =	wrdreg $0x9  }
0xb2: {  	_ =	task.clear_ibuf [dreg:s7], $0x6FFFF;
	_ =	strace $0x90000049  }
0xb3: {  	s29 =	simm.s32 $0x9;
	_ =	strace $0x8000004B  }
0xb4: {  	_ =	swait.ge [sflag:s29], $0x1  }
0xb5: {  	[sflag:s29] =	ssyncadd.s32 $0xFFFFFFFF  }
0xb6: {  	_ =	strace $0x9000004B  }
0xb7: {  	_ =	sfence  }
0xb8: {  	s30 =	sld [smem:$0x0];
	_ =	sdelay $0x2  }
0xb9: {  	s31 =	sshll.u32 s1, $0xD;
	s1 =	sshrl.u32 s1, $0x2  }
0xba: {  	s3 =	sand.u32 $0x4000, s31;
	s1 =	sadd.s32 s1, s30  }
0xbb: {  	s0 =	sor.u32 s3, s0;
	s1 =	sshll.u32 s1, $0x11  }
0xbc: {  	s0 =	sor.u32 s1, s0  }
0xbd: {  	s0 =	sadd.s32 $0x8F2B, s0  }
0xbe: {  	[sflag:s0] =	ssyncadd.remote.s32 $0x1  }
0xbf: {  	_ =	sfence.sel $0xFFFF  }
0xc0: {  	[dreg:$0x0] =	wrdreg $0xFFFFFFFF;
	(pc) =	sbr.abs _section_cstart, $3  }
0xc1: {  	[dreg:$0x1] =	wrdreg $0xFFFFFFFF  }
0xc2: {  	_ =	task.clear_ibuf [dreg:s7], $0x2FFFF;
	_ =	strace $0x9FFFFFFF  }
0xc3: {  	(tm) =	ssettm $0x7FFFFFFF  }
tec
execute0_lowered:
.L_overlay_start_1:
0x0: {  	(tag) =	ssettag $0x1  }
0x1: {  	s2 =	rddreg [dreg:$0x0]  }
0x2: {  	s6 =	rddreg [dreg:$0x1];
	s0 =	srdreg.scid  }
0x3: {  	s3 =	rddreg [dreg:$0x2];
	s1 =	stileid.u32  }
0x4: {  	s4 =	simm.s32 $0x0;
	s14 =	simm.s32 $0x4F00;
	s15 =	simm.s32 $0x6300  }
0x5: {  	s16 =	simm.s32 $0x8;
	s17 =	simm.s32 $0x5;
	s18 =	simm.s32 $0x6  }
0x6: {  	s19 =	simm.s32 $0x7;
	s5 =	sand.u32 $0x1, s0;
	s0 =	rddreg [dreg:$0x3]  }
0x7: {  	s20 =	simm.s32 $0x0;
	s8 =	smul.u32 $0x62C0, s1;
	[smem:$0x7FF] =	sst s4  }
0x8: {  	s31 =	sshll.u32 s1, $0x6;
	s7 =	sshll.u32 s5, $0x4;
	s9 =	smul.u32 $0x62C00, s5  }
0x9: {  	_ =	strace $0x8000004A;
	s29 =	ssub.s32 $0x2, s5;
	s7 =	sor.u32 s1, s7  }
0xa: {  	s5 =	sadd.s32 $0x2000, s6;
	s30 =	sshrl.u32 s29, $0x1;
	s7 =	smul.u32 $0x4F0, s7  }
.Ltmp0:
0xb: {  	s13 =	sadd.s32 s8, s3;
	s9 =	sadd.s32 s8, s9;
	(pc) =	sbr.rel .LBB2_1-.Ltmp0, $4  }
0xc: {  	s12 =	ssub.s32 s29, s30;
	s28 =	sshrl.u32 s9, $0x3;
	s10 =	sadd.s32 s7, s6  }
0xd: {  	s11 =	sadd.s32 s28, s6;
	s6 =	sor.u32 $0x1C09, s31;
	s7 =	sadd.s32 $0x33200, s10  }
0xe: {  	s8 =	sadd.s32 $0x29400, s10;
	s9 =	sadd.s32 $0x2E00, s11;
	s10 =	smax.u32 s12, $0x1  }
0xf: {  	s11 =	sshrl.u32 s13, $0x3;
	s12 =	simm.s32 $0x9;
	s13 =	simm.s32 $0x80  }
.LBB2_5:
0x10: {  	_ =	swait.ge [sflag:s16], $0x1400  }
0x11: {  	[sflag:s16] =	ssyncset.done $0x0  }
0x12: {  	[sflag:s16] =	ssyncadd.s32 $0xFFFFEC00  }
0x13: {  	_ =	swait.ge [sflag:s17], $0x1400  }
0x14: {  	[sflag:s17] =	ssyncset.done $0x0  }
0x15: {  	[sflag:s17] =	ssyncadd.s32 $0xFFFFEC00  }
0x16: {  	_ =	swait.ge [sflag:s18], $0x1400  }
0x17: {  	[sflag:s18] =	ssyncset.done $0x0  }
0x18: {  	[sflag:s18] =	ssyncadd.s32 $0xFFFFEC00  }
0x19: {  	_ =	swait.ge [sflag:s19], $0x1400  }
0x1a: {  	s20 =	sadd.s32 $0x1, s20;
	[sflag:s19] =	ssyncset.done $0x0  }
0x1b: {  	p0 =	sne.s32 s20, s10;
	[sflag:s19] =	ssyncadd.s32 $0xFFFFEC00  }
.Ltmp1:
0x1c: {  	[bflag:$0x0] =	sbarrier.arrive $0xFFFF;
	(pc) =	sbr.rel @!p0 .LBB2_6-.Ltmp1, $4  }
0x1d: {  	[hbm:s9], [sflag:s6] =	dma.local [spmem:s11], $0xC58  }
0x1e: {  	_ =	swait.ge [sflag:s12], $0xC58  }
0x1f: {  	[sflag:s12] =	ssyncset.done $0x0  }
0x20: {  	[sflag:s12] =	ssyncadd.s32 $0xFFFFF3A8  }
.LBB2_1:
0x21: {  	[spmem:s11], [sflag:s6] =	dma.local [hbm:s5], $0xC58  }
0x22: {  	_ =	swait.ge [sflag:s12], $0xC58  }
0x23: {  	[sflag:s12] =	ssyncset.done $0x0  }
0x24: {  	[sflag:s12] =	ssyncadd.s32 $0xFFFFF3A8  }
0x25: {  	[tilespmem:s4], [sflag:$0x9] =	stream.linear.gather [hbm4b:s7+s4], $0x2780, $0x38;
	[tilespmem:$0x101C0] =	vst v63  }
0x26: {  	_ =	swait.ge [sflag:s12], $0x2780  }
0x27: {  	[sflag:s12] =	ssyncset.done $0x0  }
0x28: {  	s21 =	simm.s32 $0x2780;
	[sflag:s12] =	ssyncadd.s32 $0xFFFFD880  }
0x29: {  	[tilespmem:s21], [sflag:$0x9] =	stream.linear.gather [hbm4b:s8+s4], $0x2780, $0x38;
	[tilespmem:$0x101C0] =	vst v63  }
0x2a: {  	_ =	swait.ge [sflag:s12], $0x2780  }
0x2b: {  	[sflag:s12] =	ssyncset.done $0x0  }
.Ltmp2:
0x2c: {  	[sflag:s12] =	ssyncadd.s32 $0xFFFFD880;
	(pc) =	sbr.rel .LBB2_2-.Ltmp2, $4  }
0x2d: {  	[bflag:$0x0] =	sbarrier.arrive $0xFFFF  }
0x2e: {  	[tilespmem:s14], [sflag:$0x1] =	stream.indirect.gather [hbm4b:s2+s13], $0x28, s4, s13, $0xb8;
	[tilespmem:$0x101C0] =	vst v63  }
0x2f: {  	s22 =	simm.s32 $0x100;
	s23 =	simm.s32 $0x0  }
0x30: {  	[tilespmem:s15], [sflag:$0x2] =	stream.indirect.gather [hbm4b:s2+s13], $0x28, s13, s13, $0xb8;
	[tilespmem:$0x101C0] =	vst v63  }
.LBB2_4:
0x31: {  	s24 =	sand.u32 $0x3, s23  }
0x32: {  	p0 =	sgt.s32 s24, $0x1  }
0x33: {  	p1 =	seq.s32 @p0 s24, $0x2  }
0x34: {  	p2 =	por !p1, !p0  }
0x35: {  	s25 =	simm.s32 @!p2 $0x3  }
0x36: {  	_ =	swait.ge @!p2 [sflag:s25], $0x1400  }
0x37: {  	p1 =	por p1, !p0;
	[sflag:s25] =	ssyncset.done @!p2 $0x0  }
0x38: {  	s26 =	simm.s32 @!p2 $0x7700;
	[sflag:s25] =	ssyncadd.s32 @!p2 $0xFFFFEC00;
	s25 =	simm.s32 @!p2 $0x80  }
0x39: {  	[spmem:s3] =	stream.indirect.scatter.add.f32 @!p2 [tilespmem:s26], [sflag:$0x7], $0x28, s21, s25, $0xb8;
	[tilespmem:$0x101C0] =	vst v63  }
0x3a: {  	s25 =	simm.s32 @!p1 $0x4  }
0x3b: {  	_ =	swait.ge @!p1 [sflag:s25], $0x1400  }
0x3c: {  	[sflag:s25] =	ssyncset.done @!p1 $0x0  }
0x3d: {  	s26 =	simm.s32 @!p1 $0x8B00;
	[sflag:s25] =	ssyncadd.s32 @!p1 $0xFFFFEC00;
	s25 =	simm.s32 @!p1 $0x80  }
0x3e: {  	[spmem:s3] =	stream.indirect.scatter.add.f32 @!p1 [tilespmem:s26], [sflag:$0x8], $0x28, s21, s25, $0xb8;
	[tilespmem:$0x101C0] =	vst v63  }
0x3f: {  	p1 =	seq.s32 @!p0 s24, $0x0  }
0x40: {  	p2 =	por !p1, p0  }
0x41: {  	s24 =	simm.s32 @!p2 $0x1  }
0x42: {  	_ =	swait.ge @!p2 [sflag:s24], $0x1400  }
0x43: {  	p0 =	por p1, p0;
	[sflag:s24] =	ssyncset.done @!p2 $0x0  }
0x44: {  	s25 =	simm.s32 @!p2 $0x4F00;
	[sflag:s24] =	ssyncadd.s32 @!p2 $0xFFFFEC00;
	s24 =	simm.s32 @!p2 $0x80  }
0x45: {  	[spmem:s3] =	stream.indirect.scatter.add.f32 @!p2 [tilespmem:s25], [sflag:$0x5], $0x28, s21, s24, $0xb8;
	[tilespmem:$0x101C0] =	vst v63  }
0x46: {  	s24 =	simm.s32 @!p0 $0x2  }
0x47: {  	_ =	swait.ge @!p0 [sflag:s24], $0x1400  }
0x48: {  	s23 =	sadd.s32 $0x1, s23;
	[sflag:s24] =	ssyncset.done @!p0 $0x0  }
0x49: {  	s25 =	simm.s32 @!p0 $0x6300;
	[sflag:s24] =	ssyncadd.s32 @!p0 $0xFFFFEC00;
	s24 =	simm.s32 @!p0 $0x80  }
0x4a: {  	[spmem:s3] =	stream.indirect.scatter.add.f32 @!p0 [tilespmem:s25], [sflag:$0x6], $0x28, s21, s24, $0xb8;
	[tilespmem:$0x101C0] =	vst v63  }
0x4b: {  	p0 =	sne.s32 s23, $0x4F  }
.Ltmp3:
0x4c: {  	_ = 	snop;
	(pc) =	sbr.rel @!p0 .LBB2_5-.Ltmp3, $2  }
0x4d: {  	_ =	sdelay $0x2  }
0x4e: {  	s22 =	sadd.s32 $0x80, s22;
	s21 =	sadd.s32 $0x80, s21  }
.LBB2_2:
0x4f: {  	p0 =	sgt.u32 s23, $0x4C  }
.Ltmp4:
0x50: {  	_ = 	snop;
	(pc) =	sbr.rel @p0 .LBB2_4-.Ltmp4, $1  }
0x51: {  	_ =	sdelay $0x3  }
0x52: {  	s24 =	sadd.s32 $0x2, s23  }
0x53: {  	s24 =	sand.u32 $0x3, s24  }
0x54: {  	p0 =	sgt.s32 s24, $0x1  }
0x55: {  	p1 =	seq.s32 @p0 s24, $0x2  }
0x56: {  	p2 =	por !p1, !p0  }
0x57: {  	p3 =	slt.u32 @!p2 s23, $0x2  }
0x58: {  	p3 =	por @p0 p3, !p1  }
0x59: {  	p3 =	por p3, !p0  }
0x5a: {  	s25 =	simm.s32 @!p3 $0x7  }
0x5b: {  	_ =	swait.ge @!p3 [sflag:s25], $0x1400  }
0x5c: {  	[sflag:s25] =	ssyncset.done @!p3 $0x0  }
0x5d: {  	s26 =	simm.s32 @!p2 $0x7700;
	[sflag:s25] =	ssyncadd.s32 @!p3 $0xFFFFEC00;
	s25 =	simm.s32 @!p2 $0x80  }
0x5e: {  	[tilespmem:s26], [sflag:$0x3] =	stream.indirect.gather @!p2 [hbm4b:s2+s25], $0x28, s22, s25, $0xb8;
	[tilespmem:$0x101C0] =	vst v63  }
0x5f: {  	p2 =	por p1, !p0  }
0x60: {  	p3 =	slt.u32 @!p2 s23, $0x2  }
0x61: {  	p1 =	por @p0 p3, p1  }
0x62: {  	p1 =	por p1, !p0  }
0x63: {  	s25 =	simm.s32 @!p1 $0x8  }
0x64: {  	_ =	swait.ge @!p1 [sflag:s25], $0x1400  }
0x65: {  	s26 =	simm.s32 @!p2 $0x8B00;
	[sflag:s25] =	ssyncset.done @!p1 $0x0  }
0x66: {  	[sflag:s25] =	ssyncadd.s32 @!p1 $0xFFFFEC00;
	s25 =	simm.s32 @!p2 $0x80;
	p1 =	seq.s32 @!p0 s24, $0x0  }
0x67: {  	[tilespmem:s26], [sflag:$0x4] =	stream.indirect.gather @!p2 [hbm4b:s2+s25], $0x28, s22, s25, $0xb8;
	[tilespmem:$0x101C0] =	vst v63  }
0x68: {  	p2 =	por !p1, p0  }
0x69: {  	p3 =	slt.u32 @!p2 s23, $0x2  }
0x6a: {  	p3 =	por @!p0 p3, !p1  }
0x6b: {  	p3 =	por p3, p0  }
0x6c: {  	s24 =	simm.s32 @!p3 $0x5  }
0x6d: {  	_ =	swait.ge @!p3 [sflag:s24], $0x1400  }
0x6e: {  	[sflag:s24] =	ssyncset.done @!p3 $0x0  }
0x6f: {  	s25 =	simm.s32 @!p2 $0x4F00;
	[sflag:s24] =	ssyncadd.s32 @!p3 $0xFFFFEC00;
	s24 =	simm.s32 @!p2 $0x80  }
0x70: {  	[tilespmem:s25], [sflag:$0x1] =	stream.indirect.gather @!p2 [hbm4b:s2+s24], $0x28, s22, s24, $0xb8;
	[tilespmem:$0x101C0] =	vst v63  }
0x71: {  	p2 =	por p1, p0  }
0x72: {  	p3 =	slt.u32 @!p2 s23, $0x2  }
0x73: {  	p1 =	por @!p0 p3, p1  }
0x74: {  	p0 =	por p1, p0  }
.Ltmp5:
0x75: {  	s24 =	simm.s32 @!p0 $0x6;
	(pc) =	sbr.rel .LBB2_4-.Ltmp5, $4  }
0x76: {  	_ =	swait.ge @!p0 [sflag:s24], $0x1400  }
0x77: {  	[sflag:s24] =	ssyncset.done @!p0 $0x0  }
0x78: {  	s25 =	simm.s32 @!p2 $0x6300;
	[sflag:s24] =	ssyncadd.s32 @!p0 $0xFFFFEC00;
	s24 =	simm.s32 @!p2 $0x80  }
0x79: {  	[tilespmem:s25], [sflag:$0x2] =	stream.indirect.gather @!p2 [hbm4b:s2+s24], $0x28, s22, s24, $0xb8;
	[tilespmem:$0x101C0] =	vst v63  }
.LBB2_6:
0x7a: {  	_ =	sfence.sel $0x180000  }
0x7b: {  	[bflag:$0x0] =	sbarrier.arrive $0xFFFF  }
0x7c: {  	p0 =	sne.s32 s1, $0x0;
	_ =	strace $0x9000004A  }
0x7d: {  	s0 =	sadd.s32 @!p0 $0x100000, s0;
	[bflag:$0x2] =	sbarrier.arrive $0xFFFF  }
0x7e: {  	[sflag:s0] =	ssyncadd.tile.s32 @!p0 $0x1;
	_ =	shalt  }
.Lfunc_end2:
_tile_overlayer_lowered:
.L_overlay_start_2:
0x7f: {  	(tag) =	ssettag $0x2  }
0x80: {  	s0 =	rddreg [dreg:$0x0];
	s2 =	stileid.u32  }
0x81: {  	s1 =	rddreg [dreg:$0x1];
	p0 =	sne.s32 s2, $0x0  }
0x82: {  	s3 =	rddreg [dreg:$0x2];
	[bflag:$0x3] =	sbarrier.arrive $0xFFFF;
	s2 =	simm.s32 @!p0 $0x1C09  }
0x83: {  	[timem:s3], [sflag:s2] =	dma.local @!p0 [hbm:s0], s1  }
0x84: {  	s0 =	simm.s32 @!p0 $0x9  }
0x85: {  	_ =	swait.ge @!p0 [sflag:s0], s1  }
0x86: {  	s1 =	ssub.s32 @!p0 $0x0, s1;
	[sflag:s0] =	ssyncset.done @!p0 $0x0  }
0x87: {  	[sflag:s0] =	ssyncadd.s32 @!p0 s1  }
0x88: {  	[bflag:$0x3] =	sbarrier.arrive $0xFFFF  }
0x89: {  	_ =	shalt  }

// kernel: kernel.8.cloned.1.call-start
scs
__scs_entry_jumppad:
0x0: {  	(pc) =	sbr.rel $0x88, $3  }
0x1: {  	(tag) =	ssettag $0x0;
	lr =	simm.s32 $0x1  }
0x2: {  	[smem:$0x3F97] =	sst lr;
	_ =	strace $0xD0000000  }
0x3: {  	_ = 	snop  }
0x4: {  	_ = 	snop  }
0x5: {  	_ = 	snop  }
0x6: {  	_ = 	snop  }
0x7: {  	_ = 	snop  }
__scs_overlays_trampoline_lowered:
0x8: {  	[smem:$0x3FA6] =	sst s0  }
0x9: {  	[smem:$0x3FA7] =	sst s1  }
0xa: {  	[smem:$0x3FA8] =	sst s2  }
0xb: {  	[smem:$0x3FA9] =	sst s3  }
0xc: {  	[smem:$0x3FAA] =	sst s4  }
0xd: {  	[smem:$0x3FAB] =	sst s5  }
0xe: {  	[smem:$0x3FAC] =	sst s6  }
0xf: {  	[smem:$0x3FAD] =	sst s7  }
0x10: {  	[smem:$0x3FAE] =	sst s8  }
0x11: {  	[smem:$0x3FAF] =	sst s9;
	s0 =	simm.s32 @!p0 $0x0  }
0x12: {  	s1 =	sld [smem:$0x3F95];
	s0 =	simm.s32 @p0 $0x1  }
0x13: {  	[smem:$0x3FB0] =	sst s0;
	s0 =	simm.s32 @!p1 $0x0  }
0x14: {  	s2 =	sld [smem:$0x3F94];
	s0 =	simm.s32 @p1 $0x1  }
0x15: {  	[smem:$0x3FB1] =	sst s0;
	s0 =	simm.s32 @!p2 $0x0  }
0x16: {  	s3 =	sld [smem:$0x3FDB];
	s0 =	simm.s32 @p2 $0x1  }
0x17: {  	s4 =	simm.s32 $0x1BF5;
	[smem:$0x3FB3] =	sst s0  }
0x18: {  	s0 =	sld [smem:$0x3F96];
	_ =	swait.ge [sflag:s4], $0x0  }
0x19: {  	s7 =	sld [smem:$0x3F97]  }
0x1a: {  	s8 =	sadd.s32 $0xFFFFE003, lr  }
0x1b: {  	s9 =	sadd.s32 $0xFFFFFEF7, lr;
	s5 =	simm.s32 $0xFFFFFFFF;
	p2 =	slt.u32 s8, $0xFFFFF086  }
0x1c: {  	p1 =	slt.u32 s9, $0xF7A;
	s5 =	simm.s32 @!p2 $0x0  }
0x1d: {  	s5 =	simm.s32 @p1 $0x1;
	p0 =	seq.s32 s7, s2  }
0x1e: {  	s7 =	smul.u32 @!p0 $0xF7A, s2;
	p2 =	seq.s32 @!p0 s5, $0x0  }
0x1f: {  	s9 =	smul.u32 $0xF7A, s1;
	s8 =	simm.s32 @!p0 $0x1BF5;
	p2 =	por !p2, p0  }
0x20: {  	[sflag:s8] =	ssyncset.s32 @!p0 $0xFFFFF086;
	s6 =	sadd.s32 @!p0 s3, s7;
	s7 =	simm.s32 @!p0 $0x108  }
0x21: {  	s3 =	sadd.s32 s3, s9;
	s6 =	sadd.s32 @!p0 $0x88, s6;
	s7 =	simm.s32 @p2 $0x1082  }
0x22: {  	[simem:s7], [sflag:s8] =	dma.local @!p0 [hbm:s6], $0xF7A  }
0x23: {  	s9 =	sor.u32 $0xD0000000, s2;
	s6 =	simm.s32 $0x108;
	_ =	swait.ge @!p0 [sflag:s8], $0x0  }
0x24: {  	s3 =	sadd.s32 $0x88, s3;
	s6 =	simm.s32 @!p1 $0x1082;
	[sflag:s4] =	ssyncset.s32 $0xFFFFF086  }
0x25: {  	[simem:s6], [sflag:s4] =	dma.local [hbm:s3], $0xF7A  }
0x26: {  	[smem:$0x3F97] =	sst s1;
	(tag) =	ssettag s2;
	_ =	strace s9  }
0x27: {  	s1 =	sld [smem:$0x3FA7]  }
0x28: {  	s2 =	sld [smem:$0x3FA8]  }
0x29: {  	s4 =	sld [smem:$0x3FAA]  }
0x2a: {  	p0 =	seq.s32 s5, $0x0;
	s5 =	sld [smem:$0x3FAB]  }
0x2b: {  	s6 =	sld [smem:$0x3FAC]  }
0x2c: {  	s7 =	sld [smem:$0x3FAD]  }
0x2d: {  	s3 =	simm.s32 $0x108;
	s8 =	sld [smem:$0x3FAE]  }
0x2e: {  	s3 =	simm.s32 @!p0 $0x1082;
	s9 =	sld [smem:$0x3FAF]  }
0x2f: {  	lr =	sadd.s32 s0, s3;
	s0 =	sld [smem:$0x3FA6]  }
0x30: {  	s3 =	sld [smem:$0x3FA9]  }
0x31: {  	[smem:$0x3FB2] =	sst s10  }
0x32: {  	s10 =	sld [smem:$0x3FB0];
	_ =	sdelay $0x3  }
0x33: {  	p0 =	seq.s32 s10, $0x1;
	s10 =	sld [smem:$0x3FB2];
	_ =	sdelay $0x3  }
0x34: {  	[smem:$0x3FB2] =	sst s10  }
0x35: {  	s10 =	sld [smem:$0x3FB1];
	_ =	sdelay $0x3  }
0x36: {  	p1 =	seq.s32 s10, $0x1;
	s10 =	sld [smem:$0x3FB2];
	_ =	sdelay $0x3  }
0x37: {  	[smem:$0x3FB2] =	sst s10  }
0x38: {  	s10 =	sld [smem:$0x3FB3]  }
0x39: {  	_ = 	snop;
	(pc) =	sbr.ind lr, $3  }
0x3a: {  	_ = 	snop  }
0x3b: {  	_ = 	snop  }
0x3c: {  	p2 =	seq.s32 s10, $0x1;
	s10 =	sld [smem:$0x3FB2]  }
0x3d: {  	_ =	shalt  }
0x3e: {  	_ =	shalt  }
0x3f: {  	_ =	shalt  }
0x40: {  	_ =	shalt  }
0x41: {  	_ =	shalt  }
0x42: {  	_ =	shalt  }
0x43: {  	_ =	shalt  }
0x44: {  	_ =	shalt  }
0x45: {  	_ =	shalt  }
0x46: {  	_ =	shalt  }
0x47: {  	_ =	shalt  }
0x48: {  	_ =	shalt  }
0x49: {  	_ =	shalt  }
0x4a: {  	_ =	shalt  }
0x4b: {  	_ =	shalt  }
0x4c: {  	_ =	shalt  }
0x4d: {  	_ =	shalt  }
0x4e: {  	_ =	shalt  }
0x4f: {  	_ =	shalt  }
0x50: {  	_ =	shalt  }
0x51: {  	_ =	shalt  }
0x52: {  	_ =	shalt  }
0x53: {  	_ =	shalt  }
0x54: {  	_ =	shalt  }
0x55: {  	_ =	shalt  }
0x56: {  	_ =	shalt  }
0x57: {  	_ =	shalt  }
0x58: {  	_ =	shalt  }
0x59: {  	_ =	shalt  }
0x5a: {  	_ =	shalt  }
0x5b: {  	_ =	shalt  }
0x5c: {  	_ =	shalt  }
0x5d: {  	_ =	shalt  }
0x5e: {  	_ =	shalt  }
0x5f: {  	_ =	shalt  }
0x60: {  	_ =	shalt  }
0x61: {  	_ =	shalt  }
0x62: {  	_ =	shalt  }
0x63: {  	_ =	shalt  }
0x64: {  	_ =	shalt  }
0x65: {  	_ =	shalt  }
0x66: {  	_ =	shalt  }
0x67: {  	_ =	shalt  }
0x68: {  	_ =	shalt  }
0x69: {  	_ =	shalt  }
0x6a: {  	_ =	shalt  }
0x6b: {  	_ =	shalt  }
0x6c: {  	_ =	shalt  }
0x6d: {  	_ =	shalt  }
0x6e: {  	_ =	shalt  }
0x6f: {  	_ =	shalt  }
0x70: {  	_ =	shalt  }
0x71: {  	_ =	shalt  }
0x72: {  	_ =	shalt  }
0x73: {  	_ =	shalt  }
0x74: {  	_ =	shalt  }
0x75: {  	_ =	shalt  }
0x76: {  	_ =	shalt  }
0x77: {  	_ =	shalt  }
0x78: {  	_ =	shalt  }
0x79: {  	_ =	shalt  }
0x7a: {  	_ =	shalt  }
0x7b: {  	_ =	shalt  }
0x7c: {  	_ =	shalt  }
0x7d: {  	_ =	shalt  }
0x7e: {  	_ =	shalt  }
0x7f: {  	_ =	shalt  }
0x80: {  	_ =	shalt  }
0x81: {  	_ =	shalt  }
0x82: {  	_ =	shalt  }
0x83: {  	_ =	shalt  }
0x84: {  	_ =	shalt  }
0x85: {  	_ =	shalt  }
0x86: {  	_ =	shalt  }
0x87: {  	_ =	shalt  }
.Lfunc_end0:
.L_simem_size_0:
called_computation_lowered:
.L_overlay_start_0:
0x88: {  	s2 =	sld [smem:$0x3FD9]  }
0x89: {  	s3 =	sld [smem:$0x3FFE];
	_ =	sdelay $0x1  }
0x8a: {  	s1 =	srdreg.scid  }
0x8b: {  	s0 =	sand.u32 $0x1, s1  }
0x8c: {  	s17 =	sshll.u32 s0, $0xA;
	s2 =	sadd.s32 s3, s2  }
0x8d: {  	s2 =	sadd.s32 s2, s17  }
0x8e: {  	[smem:$0x3FBE] =	sst s2  }
0x8f: {  	_ = 	snop  }
0x90: {  	s2 =	sld [smem:$0x3FD0];
	(tm) =	ssettm $0x1  }
0x91: {  	s18 =	sld [smem:$0x3FFB];
	_ =	sdelay $0x3  }
0x92: {  	_ =	strace s18  }
0x93: {  	s3 =	sld [smem:$0x3FFC];
	_ =	sdelay $0x3  }
0x94: {  	_ =	strace s3  }
0x95: {  	s3 =	sld [smem:$0x3FFD];
	_ =	sdelay $0x3  }
0x96: {  	_ =	strace s3  }
0x97: {  	_ =	strace $0x8FFFFFFF  }
0x98: {  	s19 =	sld [smem:$0x3FDB];
	_ =	sdelay $0x1  }
0x99: {  	s4 =	simm.s32 $_scs_section_size  }
0x9a: {  	s5 =	simm.s32 $_size__tile_overlayer_lowered;
	s6 =	simm.s32 $_tile_overlayer_lowered  }
0x9b: {  	s22 =	simm.s32 $0x1BFF;
	s21 =	sshll.u32 s6, $0x1;
	s3 =	sadd.s32 s4, s19  }
0x9c: {  	s7 =	simm.s32 $0x0;
	s20 =	sshll.u32 s5, $0x1;
	s5 =	sadd.s32 s21, s3  }
0x9d: {  	[timem:s7], [sflag:s22] =	dma.local [hbm:s5], s20  }
0x9e: {  	_ =	swait.ge [sflag:s22], s20  }
0x9f: {  	s4 =	ssub.s32 $0x0, s20;
	[sflag:s22] =	ssyncset.done $0x0  }
0xa0: {  	[sflag:s22] =	ssyncadd.s32 s4;
	_ =	sdelay $0x1  }
0xa1: {  	s23 =	simm.s32 $0x1B8B  }
0xa2: {  	_ =	swait.ge [sflag:s23], $0x1  }
0xa3: {  	[sflag:s23] =	ssyncset.done $0x0  }
0xa4: {  	s25 =	simm.s32 $0x1B8E;
	s24 =	sld [smem:$0x3FFE];
	[sflag:s23] =	ssyncadd.s32 $0xFFFFFFFF  }
0xa5: {  	s26 =	simm.s32 $execute0_lowered;
	[smem:$0x3FD2] =	sst s25  }
0xa6: {  	s5 =	sshll.u32 s26, $0x1;
	_ =	strace $0x80000046;
	[dreg:$0x1] =	wrdreg $0xFFFFFFFF  }
0xa7: {  	s28 =	simm.s32 $_size_execute0_lowered;
	s3 =	sadd.s32 s3, s5;
	[dreg:$0x0] =	wrdreg $0x0  }
0xa8: {  	s5 =	sshll.u32 s28, $0x1;
	[dreg:$0x2] =	wrdreg s3  }
0xa9: {  	[dreg:$0x3] =	wrdreg s5  }
0xaa: {  	[dreg:$0x4] =	wrdreg $0xC0  }
0xab: {  	_ =	task [dreg:s7], $0x5FFFF  }
0xac: {  	[dreg:$0x1] =	wrdreg $0xFFFFFFFF  }
0xad: {  	[dreg:$0x0] =	wrdreg $0x60  }
0xae: {  	[dreg:$0x2] =	wrdreg s24  }
0xaf: {  	[dreg:$0x3] =	wrdreg s2  }
0xb0: {  	[dreg:$0x4] =	wrdreg $0x122000  }
0xb1: {  	[dreg:$0x5] =	wrdreg $0x1C0000  }
0xb2: {  	[dreg:$0x6] =	wrdreg $0x9  }
0xb3: {  	_ =	task.clear_ibuf [dreg:s7], $0x7FFFF;
	_ =	strace $0x90000046  }
0xb4: {  	s29 =	simm.s32 $0x9;
	_ =	strace $0x80000048  }
0xb5: {  	_ =	swait.ge [sflag:s29], $0x1  }
0xb6: {  	[sflag:s29] =	ssyncadd.s32 $0xFFFFFFFF  }
0xb7: {  	_ =	strace $0x90000048  }
0xb8: {  	_ =	sfence  }
0xb9: {  	s30 =	sld [smem:$0x0];
	_ =	sdelay $0x2  }
0xba: {  	s31 =	sshll.u32 s1, $0xD;
	s1 =	sshrl.u32 s1, $0x2  }
0xbb: {  	s3 =	sand.u32 $0x4000, s31;
	s1 =	sadd.s32 s1, s30  }
0xbc: {  	s0 =	sor.u32 s3, s0;
	s1 =	sshll.u32 s1, $0x11  }
0xbd: {  	s0 =	sor.u32 s1, s0  }
0xbe: {  	s0 =	sadd.s32 $0x8F2B, s0  }
0xbf: {  	[sflag:s0] =	ssyncadd.remote.s32 $0x1  }
0xc0: {  	_ =	sfence.sel $0xFFFF  }
0xc1: {  	[dreg:$0x0] =	wrdreg $0xFFFFFFFF;
	(pc) =	sbr.abs _section_cstart, $3  }
0xc2: {  	[dreg:$0x1] =	wrdreg $0xFFFFFFFF  }
0xc3: {  	_ =	task.clear_ibuf [dreg:s7], $0x2FFFF;
	_ =	strace $0x9FFFFFFF  }
0xc4: {  	(tm) =	ssettm $0x7FFFFFFF  }
0xc5: {  	_ =	shalt  }
tec
execute0_lowered:
.L_overlay_start_1:
0x0: {  	(tag) =	ssettag $0x1  }
0x1: {  	s0 =	rddreg [dreg:$0x0]  }
0x2: {  	s1 =	rddreg [dreg:$0x1]  }
0x3: {  	s2 =	rddreg [dreg:$0x2]  }
0x4: {  	s3 =	rddreg [dreg:$0x3]  }
0x5: {  	s8 =	stileid.u32;
	s4 =	simm.s32 $0x0;
	s5 =	srdreg.scid  }
0x6: {  	s19 =	simm.s32 $0x11E00;
	s20 =	simm.s32 $0x4F00;
	s28 =	simm.s32 $0x9  }
0x7: {  	s29 =	simm.s32 $0x7;
	s30 =	simm.s32 $0x8;
	s31 =	simm.s32 $0x5  }
0x8: {  	s7 =	smul.u32 $0x9E0, s8;
	[smem:$0x7FF] =	sst s4;
	s13 =	sand.u32 $0x1, s5  }
0x9: {  	s10 =	smul.u32 $0x9E00, s8;
	s5 =	sadd.s32 $0x15A00, s0;
	s6 =	sadd.s32 $0x2000, s0  }
0xa: {  	s9 =	sadd.s32 $0x3D000, s0;
	s21 =	sadd.s32 $0x3E400, s0;
	s22 =	sadd.s32 $0x3E800, s0  }
0xb: {  	s14 =	smul.u32 $0x13C0, s8;
	_ =	strace $0x80000047;
	[dreg:$0x5] =	wrdreg s9  }
0xc: {  	s24 =	sshll.u32 s8, $0x6;
	s11 =	smul.u32 $0x9E000, s13;
	[dreg:$0x6] =	wrdreg s21  }
0xd: {  	[dreg:$0x7] =	wrdreg s22;
	s12 =	ssub.s32 $0x2, s13;
	s15 =	smul.u32 $0x13C00, s13  }
0xe: {  	p0 =	seq.s32 s13, $0x1;
	s21 =	simm.s32 $0x80;
	s22 =	simm.s32 $0x9E00  }
0xf: {  	s7 =	sadd.s32 s7, s0;
	s23 =	sshrl.u32 s12, $0x1;
	s17 =	sadd.s32 s10, s2  }
0x10: {  	s18 =	sadd.s32 s14, s3;
	s11 =	sadd.s32 s10, s11;
	s16 =	ssub.s32 s12, s23  }
0x11: {  	s10 =	sor.u32 $0x1C0A, s24;
	s14 =	sadd.s32 s14, s15;
	s25 =	sadd.s32 $0x33200, s7  }
.Ltmp0:
0x12: {  	s12 =	sadd.s32 $0x29400, s7;
	s18 =	sshrl.u32 s18, $0x3;
	(pc) =	sbr.rel .LBB2_1-.Ltmp0, $4  }
0x13: {  	s11 =	sshrl.u32 s11, $0x3;
	[dreg:$0x8] =	wrdreg s25;
	s26 =	sshrl.u32 s14, $0x3  }
0x14: {  	s15 =	smax.u32 s16, $0x1;
	s16 =	sshrl.u32 s17, $0x3;
	s17 =	simm.s32 $0xA  }
0x15: {  	s0 =	sadd.s32 s11, s0;
	s14 =	sadd.s32 s1, s26;
	s26 =	simm.s32 $0x1  }
0x16: {  	s1 =	simm.s32 $0x0;
	s13 =	sadd.s32 $0x3EA00, s0;
	s0 =	simm.s32 $0x6  }
.LBB2_10:
0x17: {  	_ =	swait.ge [sflag:s29], $0x2000  }
0x18: {  	[sflag:s29] =	ssyncset.done $0x0  }
0x19: {  	[sflag:s29] =	ssyncadd.s32 $0xFFFFE000  }
0x1a: {  	_ =	swait.ge [sflag:s30], $0x2000  }
0x1b: {  	[sflag:s30] =	ssyncset.done $0x0  }
0x1c: {  	[sflag:s30] =	ssyncadd.s32 $0xFFFFE000  }
0x1d: {  	_ =	swait.ge [sflag:s31], $0x2000  }
0x1e: {  	[sflag:s31] =	ssyncset.done $0x0  }
0x1f: {  	[sflag:s31] =	ssyncadd.s32 $0xFFFFE000  }
0x20: {  	_ =	swait.ge [sflag:s0], $0x2000  }
0x21: {  	[sflag:s0] =	ssyncset.done $0x0  }
0x22: {  	[sflag:s0] =	ssyncadd.s32 $0xFFFFE000  }
0x23: {  	_ =	swait.ge [sflag:s28], $0x400  }
0x24: {  	[sflag:s28] =	ssyncset.done $0x0  }
0x25: {  	[sflag:s28] =	ssyncadd.s32 $0xFFFFFC00  }
0x26: {  	[bflag:$0x0] =	sbarrier.arrive $0xFFFF  }
0x27: {  	[hbm:s13], [sflag:s10] =	dma.local [spmem:s16], $0x13C0  }
0x28: {  	s1 =	sadd.s32 $0x1, s1;
	_ =	swait.ge [sflag:s17], $0x13C0  }
0x29: {  	p1 =	sne.s32 s1, s15;
	[sflag:s17] =	ssyncset.done $0x0  }
.Ltmp1:
0x2a: {  	[sflag:s17] =	ssyncadd.s32 $0xFFFFEC40;
	(pc) =	sbr.rel @!p1 .LBB2_11-.Ltmp1, $4  }
0x2b: {  	[hbm:s14], [sflag:s10] =	dma.local [spmem:s18], $0x278  }
0x2c: {  	_ =	swait.ge [sflag:s17], $0x278  }
0x2d: {  	[sflag:s17] =	ssyncset.done $0x0  }
0x2e: {  	[sflag:s17] =	ssyncadd.s32 $0xFFFFFD88  }
.LBB2_1:
0x2f: {  	s7 =	rddreg [dreg:$0x5]  }
0x30: {  	[spmem:s16], [sflag:s10] =	dma.local [hbm:s7], $0x13C0  }
0x31: {  	_ =	swait.ge [sflag:s17], $0x13C0  }
0x32: {  	[sflag:s17] =	ssyncset.done $0x0  }
0x33: {  	s23 =	rddreg [dreg:$0x6];
	[sflag:s17] =	ssyncadd.s32 $0xFFFFEC40  }
0x34: {  	[spmem:s18], [sflag:s10] =	dma.local [hbm:s23], $0x278  }
0x35: {  	_ =	swait.ge [sflag:s17], $0x278  }
0x36: {  	[sflag:s17] =	ssyncset.done $0x0  }
0x37: {  	s24 =	rddreg [dreg:$0x7];
	[sflag:s17] =	ssyncadd.s32 $0xFFFFFD88  }
0x38: {  	[tilespmem:s19], [sflag:$0xA] =	stream.linear.gather [hbm4b:s24+s4], $0x400, $0x38;
	[tilespmem:$0x1D3C0] =	vst v63  }
0x39: {  	_ =	swait.ge [sflag:s17], $0x400  }
0x3a: {  	[sflag:s17] =	ssyncset.done $0x0  }
0x3b: {  	s25 =	rddreg [dreg:$0x8];
	[sflag:s17] =	ssyncadd.s32 $0xFFFFFC00  }
0x3c: {  	[tilespmem:s4], [sflag:$0xA] =	stream.linear.gather [hbm4b:s25+s4], $0x4F00, $0x38;
	[tilespmem:$0x1D3C0] =	vst v63  }
0x3d: {  	_ =	swait.ge [sflag:s17], $0x4F00  }
0x3e: {  	[sflag:s17] =	ssyncset.done $0x0  }
0x3f: {  	[sflag:s17] =	ssyncadd.s32 $0xFFFFB100  }
0x40: {  	[tilespmem:s20], [sflag:$0xA] =	stream.linear.gather [hbm4b:s12+s4], $0x4F00, $0x38;
	[tilespmem:$0x1D3C0] =	vst v63  }
.Ltmp2:
0x41: {  	_ =	swait.ge [sflag:s17], $0x4F00;
	(pc) =	sbr.rel @!p0 .LBB2_2-.Ltmp2, $3  }
0x42: {  	[sflag:s17] =	ssyncset.done $0x0  }
0x43: {  	[sflag:s17] =	ssyncadd.s32 $0xFFFFB100  }
0x44: {  	[bflag:$0x0] =	sbarrier.arrive $0xFFFF;
	_ =	sdelay $0x1  }
0x45: {  	[tilespmem:s22], [sflag:$0x1] =	stream.indirect.gather [hbm4b:s6+s21], $0x40, s4, s21, $0xb8;
	[tilespmem:$0x1D3C0] =	vst v63  }
0x46: {  	s7 =	simm.s32 $0xBE00  }
0x47: {  	[tilespmem:s7], [sflag:$0x2] =	stream.indirect.gather [hbm4b:s6+s21], $0x40, s21, s21, $0xb8;
	[tilespmem:$0x1D3C0] =	vst v63  }
0x48: {  	s25 =	simm.s32 $0x100;
	s8 =	simm.s32 $0xDE00  }
0x49: {  	[tilespmem:s8], [sflag:$0x3] =	stream.indirect.gather [hbm4b:s6+s21], $0x40, s25, s21, $0xb8;
	[tilespmem:$0x1D3C0] =	vst v63  }
0x4a: {  	_ =	swait.ge [sflag:s26], $0x2000  }
.Ltmp3:
0x4b: {  	[sflag:s26] =	ssyncset.done $0x0;
	(pc) =	sbr.rel .LBB2_7-.Ltmp3, $4  }
0x4c: {  	[sflag:s26] =	ssyncadd.s32 $0xFFFFE000  }
0x4d: {  	[spmem:s2] =	stream.indirect.scatter.add.f32 [tilespmem:s22], [sflag:$0x5], $0x40, s20, s21, $0xb8;
	[tilespmem:$0x1D3C0] =	vst v63  }
0x4e: {  	s23 =	simm.s32 $0x3;
	s24 =	simm.s32 $0x4F80;
	s25 =	simm.s32 $0x180  }
0x4f: {  	[spmem:s3] =	stream.indirect.scatter.add.f32 [tilespmem:s19], [sflag:$0x9], $0x8, s20, s21, $0xb8;
	[tilespmem:$0x1D3C0] =	vst v63  }
.LBB2_9:
0x50: {  	s7 =	sand.u32 $0x3, s7  }
0x51: {  	p1 =	sgt.s32 s7, $0x1  }
0x52: {  	p2 =	seq.s32 @p1 s7, $0x2  }
0x53: {  	p3 =	por !p2, !p1  }
0x54: {  	s8 =	simm.s32 @!p3 $0x3  }
0x55: {  	_ =	swait.ge @!p3 [sflag:s8], $0x2000  }
0x56: {  	p2 =	por p2, !p1;
	[sflag:s8] =	ssyncset.done @!p3 $0x0  }
0x57: {  	s9 =	simm.s32 @!p3 $0xDE00;
	[sflag:s8] =	ssyncadd.s32 @!p3 $0xFFFFE000;
	s8 =	simm.s32 @!p3 $0x80  }
0x58: {  	[spmem:s2] =	stream.indirect.scatter.add.f32 @!p3 [tilespmem:s9], [sflag:$0x7], $0x40, s24, s8, $0xb8;
	[tilespmem:$0x1D3C0] =	vst v63  }
0x59: {  	s8 =	simm.s32 @!p2 $0x4  }
0x5a: {  	_ =	swait.ge @!p2 [sflag:s8], $0x2000  }
0x5b: {  	[sflag:s8] =	ssyncset.done @!p2 $0x0  }
0x5c: {  	s9 =	simm.s32 @!p2 $0xFE00;
	[sflag:s8] =	ssyncadd.s32 @!p2 $0xFFFFE000;
	s8 =	simm.s32 @!p2 $0x80  }
0x5d: {  	[spmem:s2] =	stream.indirect.scatter.add.f32 @!p2 [tilespmem:s9], [sflag:$0x8], $0x40, s24, s8, $0xb8;
	[tilespmem:$0x1D3C0] =	vst v63  }
0x5e: {  	p2 =	seq.s32 @!p1 s7, $0x0  }
0x5f: {  	p3 =	por !p2, p1  }
0x60: {  	s7 =	simm.s32 @!p3 $0x1  }
0x61: {  	_ =	swait.ge @!p3 [sflag:s7], $0x2000  }
0x62: {  	p1 =	por p2, p1;
	[sflag:s7] =	ssyncset.done @!p3 $0x0  }
0x63: {  	s8 =	simm.s32 @!p3 $0x9E00;
	[sflag:s7] =	ssyncadd.s32 @!p3 $0xFFFFE000;
	s7 =	simm.s32 @!p3 $0x80  }
0x64: {  	[spmem:s2] =	stream.indirect.scatter.add.f32 @!p3 [tilespmem:s8], [sflag:$0x5], $0x40, s24, s7, $0xb8;
	[tilespmem:$0x1D3C0] =	vst v63  }
0x65: {  	s7 =	simm.s32 @!p1 $0x2  }
0x66: {  	_ =	swait.ge @!p1 [sflag:s7], $0x2000  }
0x67: {  	s23 =	sadd.s32 $0x1, s23;
	[sflag:s7] =	ssyncset.done @!p1 $0x0  }
0x68: {  	s8 =	simm.s32 @!p1 $0xBE00;
	[sflag:s7] =	ssyncadd.s32 @!p1 $0xFFFFE000;
	s7 =	simm.s32 @!p1 $0x80  }
0x69: {  	[spmem:s2] =	stream.indirect.scatter.add.f32 @!p1 [tilespmem:s8], [sflag:$0x6], $0x40, s24, s7, $0xb8;
	[tilespmem:$0x1D3C0] =	vst v63  }
0x6a: {  	p1 =	seq.s32 s23, $0xA0  }
.Ltmp4:
0x6b: {  	_ =	swait.ge [sflag:s28], $0x400;
	(pc) =	sbr.rel @p1 .LBB2_10-.Ltmp4, $4  }
0x6c: {  	[sflag:s28] =	ssyncset.done $0x0  }
0x6d: {  	[sflag:s28] =	ssyncadd.s32 $0xFFFFFC00  }
0x6e: {  	[spmem:s3] =	stream.indirect.scatter.add.f32 [tilespmem:s19], [sflag:$0x9], $0x8, s24, s21, $0xb8;
	[tilespmem:$0x1D3C0] =	vst v63  }
0x6f: {  	s25 =	sadd.s32 $0x80, s25;
	s24 =	sadd.s32 $0x80, s24  }
.LBB2_7:
0x70: {  	s7 =	sadd.s32 $0xFFFFFFFE, s23  }
0x71: {  	p1 =	sgt.u32 s7, $0x9B  }
.Ltmp5:
0x72: {  	_ = 	snop;
	(pc) =	sbr.rel @p1 .LBB2_9-.Ltmp5, $1  }
0x73: {  	_ =	sdelay $0x3  }
0x74: {  	s8 =	sand.u32 $0x3, s23  }
0x75: {  	p1 =	sgt.s32 s8, $0x1  }
0x76: {  	p2 =	seq.s32 @p1 s8, $0x2  }
0x77: {  	p3 =	por !p2, !p1  }
0x78: {  	p4 =	slt.u32 @!p3 s7, $0x2  }
0x79: {  	p4 =	por @p1 p4, !p2  }
0x7a: {  	p4 =	por p4, !p1  }
0x7b: {  	s9 =	simm.s32 @!p4 $0x7  }
0x7c: {  	_ =	swait.ge @!p4 [sflag:s9], $0x2000  }
0x7d: {  	[sflag:s9] =	ssyncset.done @!p4 $0x0  }
0x7e: {  	s11 =	simm.s32 @!p3 $0xDE00;
	[sflag:s9] =	ssyncadd.s32 @!p4 $0xFFFFE000;
	s9 =	simm.s32 @!p3 $0x80  }
0x7f: {  	[tilespmem:s11], [sflag:$0x3] =	stream.indirect.gather @!p3 [hbm4b:s6+s9], $0x40, s25, s9, $0xb8;
	[tilespmem:$0x1D3C0] =	vst v63  }
0x80: {  	p3 =	por p2, !p1  }
0x81: {  	p4 =	slt.u32 @!p3 s7, $0x2  }
0x82: {  	p2 =	por @p1 p4, p2  }
0x83: {  	p2 =	por p2, !p1  }
0x84: {  	s9 =	simm.s32 @!p2 $0x8  }
0x85: {  	_ =	swait.ge @!p2 [sflag:s9], $0x2000  }
0x86: {  	s11 =	simm.s32 @!p3 $0xFE00;
	[sflag:s9] =	ssyncset.done @!p2 $0x0  }
0x87: {  	[sflag:s9] =	ssyncadd.s32 @!p2 $0xFFFFE000;
	s9 =	simm.s32 @!p3 $0x80;
	p2 =	seq.s32 @!p1 s8, $0x0  }
0x88: {  	[tilespmem:s11], [sflag:$0x4] =	stream.indirect.gather @!p3 [hbm4b:s6+s9], $0x40, s25, s9, $0xb8;
	[tilespmem:$0x1D3C0] =	vst v63  }
0x89: {  	p3 =	por !p2, p1  }
0x8a: {  	p4 =	slt.u32 @!p3 s7, $0x2  }
0x8b: {  	p4 =	por @!p1 p4, !p2  }
0x8c: {  	p4 =	por p4, p1  }
0x8d: {  	s8 =	simm.s32 @!p4 $0x5  }
0x8e: {  	_ =	swait.ge @!p4 [sflag:s8], $0x2000  }
0x8f: {  	[sflag:s8] =	ssyncset.done @!p4 $0x0  }
0x90: {  	s9 =	simm.s32 @!p3 $0x9E00;
	[sflag:s8] =	ssyncadd.s32 @!p4 $0xFFFFE000;
	s8 =	simm.s32 @!p3 $0x80  }
0x91: {  	[tilespmem:s9], [sflag:$0x1] =	stream.indirect.gather @!p3 [hbm4b:s6+s8], $0x40, s25, s8, $0xb8;
	[tilespmem:$0x1D3C0] =	vst v63  }
0x92: {  	p3 =	por p2, p1  }
0x93: {  	p4 =	slt.u32 @!p3 s7, $0x2  }
0x94: {  	p2 =	por @!p1 p4, p2  }
0x95: {  	p1 =	por p2, p1  }
.Ltmp6:
0x96: {  	s8 =	simm.s32 @!p1 $0x6;
	(pc) =	sbr.rel .LBB2_9-.Ltmp6, $4  }
0x97: {  	_ =	swait.ge @!p1 [sflag:s8], $0x2000  }
0x98: {  	[sflag:s8] =	ssyncset.done @!p1 $0x0  }
0x99: {  	s9 =	simm.s32 @!p3 $0xBE00;
	[sflag:s8] =	ssyncadd.s32 @!p1 $0xFFFFE000;
	s8 =	simm.s32 @!p3 $0x80  }
0x9a: {  	[tilespmem:s9], [sflag:$0x2] =	stream.indirect.gather @!p3 [hbm4b:s6+s8], $0x40, s25, s8, $0xb8;
	[tilespmem:$0x1D3C0] =	vst v63  }
.LBB2_2:
0x9b: {  	[tilespmem:s22], [sflag:$0x1] =	stream.indirect.gather [hbm4b:s5+s21], $0x40, s4, s21, $0xb8;
	[tilespmem:$0x1D3C0] =	vst v63  }
0x9c: {  	s7 =	simm.s32 $0xBE00  }
0x9d: {  	[tilespmem:s7], [sflag:$0x2] =	stream.indirect.gather [hbm4b:s5+s21], $0x40, s21, s21, $0xb8;
	[tilespmem:$0x1D3C0] =	vst v63  }
0x9e: {  	s25 =	simm.s32 $0x100;
	s8 =	simm.s32 $0xDE00  }
0x9f: {  	[tilespmem:s8], [sflag:$0x3] =	stream.indirect.gather [hbm4b:s5+s21], $0x40, s25, s21, $0xb8;
	[tilespmem:$0x1D3C0] =	vst v63  }
0xa0: {  	_ =	swait.ge [sflag:s26], $0x2000  }
.Ltmp7:
0xa1: {  	[sflag:s26] =	ssyncset.done $0x0;
	(pc) =	sbr.rel .LBB2_3-.Ltmp7, $4  }
0xa2: {  	[sflag:s26] =	ssyncadd.s32 $0xFFFFE000  }
0xa3: {  	[spmem:s2] =	stream.indirect.scatter.add.f32 [tilespmem:s22], [sflag:$0x5], $0x40, s20, s21, $0xb8;
	[tilespmem:$0x1D3C0] =	vst v63  }
0xa4: {  	s23 =	simm.s32 $0x3;
	s24 =	simm.s32 $0x4F80;
	s25 =	simm.s32 $0x180  }
0xa5: {  	[spmem:s3] =	stream.indirect.scatter.add.f32 [tilespmem:s19], [sflag:$0x9], $0x8, s20, s21, $0xb8;
	[tilespmem:$0x1D3C0] =	vst v63  }
.LBB2_5:
0xa6: {  	s7 =	sand.u32 $0x3, s7  }
0xa7: {  	p1 =	sgt.s32 s7, $0x1  }
0xa8: {  	p2 =	seq.s32 @p1 s7, $0x2  }
0xa9: {  	p3 =	por !p2, !p1  }
0xaa: {  	s8 =	simm.s32 @!p3 $0x3  }
0xab: {  	_ =	swait.ge @!p3 [sflag:s8], $0x2000  }
0xac: {  	p2 =	por p2, !p1;
	[sflag:s8] =	ssyncset.done @!p3 $0x0  }
0xad: {  	s9 =	simm.s32 @!p3 $0xDE00;
	[sflag:s8] =	ssyncadd.s32 @!p3 $0xFFFFE000;
	s8 =	simm.s32 @!p3 $0x80  }
0xae: {  	[spmem:s2] =	stream.indirect.scatter.add.f32 @!p3 [tilespmem:s9], [sflag:$0x7], $0x40, s24, s8, $0xb8;
	[tilespmem:$0x1D3C0] =	vst v63  }
0xaf: {  	s8 =	simm.s32 @!p2 $0x4  }
0xb0: {  	_ =	swait.ge @!p2 [sflag:s8], $0x2000  }
0xb1: {  	[sflag:s8] =	ssyncset.done @!p2 $0x0  }
0xb2: {  	s9 =	simm.s32 @!p2 $0xFE00;
	[sflag:s8] =	ssyncadd.s32 @!p2 $0xFFFFE000;
	s8 =	simm.s32 @!p2 $0x80  }
0xb3: {  	[spmem:s2] =	stream.indirect.scatter.add.f32 @!p2 [tilespmem:s9], [sflag:$0x8], $0x40, s24, s8, $0xb8;
	[tilespmem:$0x1D3C0] =	vst v63  }
0xb4: {  	p2 =	seq.s32 @!p1 s7, $0x0  }
0xb5: {  	p3 =	por !p2, p1  }
0xb6: {  	s7 =	simm.s32 @!p3 $0x1  }
0xb7: {  	_ =	swait.ge @!p3 [sflag:s7], $0x2000  }
0xb8: {  	p1 =	por p2, p1;
	[sflag:s7] =	ssyncset.done @!p3 $0x0  }
0xb9: {  	s8 =	simm.s32 @!p3 $0x9E00;
	[sflag:s7] =	ssyncadd.s32 @!p3 $0xFFFFE000;
	s7 =	simm.s32 @!p3 $0x80  }
0xba: {  	[spmem:s2] =	stream.indirect.scatter.add.f32 @!p3 [tilespmem:s8], [sflag:$0x5], $0x40, s24, s7, $0xb8;
	[tilespmem:$0x1D3C0] =	vst v63  }
0xbb: {  	s7 =	simm.s32 @!p1 $0x2  }
0xbc: {  	_ =	swait.ge @!p1 [sflag:s7], $0x2000  }
0xbd: {  	s23 =	sadd.s32 $0x1, s23;
	[sflag:s7] =	ssyncset.done @!p1 $0x0  }
0xbe: {  	s8 =	simm.s32 @!p1 $0xBE00;
	[sflag:s7] =	ssyncadd.s32 @!p1 $0xFFFFE000;
	s7 =	simm.s32 @!p1 $0x80  }
0xbf: {  	[spmem:s2] =	stream.indirect.scatter.add.f32 @!p1 [tilespmem:s8], [sflag:$0x6], $0x40, s24, s7, $0xb8;
	[tilespmem:$0x1D3C0] =	vst v63  }
0xc0: {  	p1 =	seq.s32 s23, $0xA0  }
.Ltmp8:
0xc1: {  	_ =	swait.ge [sflag:s28], $0x400;
	(pc) =	sbr.rel @p1 .LBB2_10-.Ltmp8, $4  }
0xc2: {  	[sflag:s28] =	ssyncset.done $0x0  }
0xc3: {  	[sflag:s28] =	ssyncadd.s32 $0xFFFFFC00  }
0xc4: {  	[spmem:s3] =	stream.indirect.scatter.add.f32 [tilespmem:s19], [sflag:$0x9], $0x8, s24, s21, $0xb8;
	[tilespmem:$0x1D3C0] =	vst v63  }
0xc5: {  	s25 =	sadd.s32 $0x80, s25;
	s24 =	sadd.s32 $0x80, s24  }
.LBB2_3:
0xc6: {  	s7 =	sadd.s32 $0xFFFFFFFE, s23  }
0xc7: {  	p1 =	sgt.u32 s7, $0x9B  }
.Ltmp9:
0xc8: {  	_ = 	snop;
	(pc) =	sbr.rel @p1 .LBB2_5-.Ltmp9, $1  }
0xc9: {  	_ =	sdelay $0x3  }
0xca: {  	s8 =	sand.u32 $0x3, s23  }
0xcb: {  	p1 =	sgt.s32 s8, $0x1  }
0xcc: {  	p2 =	seq.s32 @p1 s8, $0x2  }
0xcd: {  	p3 =	por !p2, !p1  }
0xce: {  	p4 =	slt.u32 @!p3 s7, $0x2  }
0xcf: {  	p4 =	por @p1 p4, !p2  }
0xd0: {  	p4 =	por p4, !p1  }
0xd1: {  	s9 =	simm.s32 @!p4 $0x7  }
0xd2: {  	_ =	swait.ge @!p4 [sflag:s9], $0x2000  }
0xd3: {  	[sflag:s9] =	ssyncset.done @!p4 $0x0  }
0xd4: {  	s11 =	simm.s32 @!p3 $0xDE00;
	[sflag:s9] =	ssyncadd.s32 @!p4 $0xFFFFE000;
	s9 =	simm.s32 @!p3 $0x80  }
0xd5: {  	[tilespmem:s11], [sflag:$0x3] =	stream.indirect.gather @!p3 [hbm4b:s5+s9], $0x40, s25, s9, $0xb8;
	[tilespmem:$0x1D3C0] =	vst v63  }
0xd6: {  	p3 =	por p2, !p1  }
0xd7: {  	p4 =	slt.u32 @!p3 s7, $0x2  }
0xd8: {  	p2 =	por @p1 p4, p2  }
0xd9: {  	p2 =	por p2, !p1  }
0xda: {  	s9 =	simm.s32 @!p2 $0x8  }
0xdb: {  	_ =	swait.ge @!p2 [sflag:s9], $0x2000  }
0xdc: {  	s11 =	simm.s32 @!p3 $0xFE00;
	[sflag:s9] =	ssyncset.done @!p2 $0x0  }
0xdd: {  	[sflag:s9] =	ssyncadd.s32 @!p2 $0xFFFFE000;
	s9 =	simm.s32 @!p3 $0x80;
	p2 =	seq.s32 @!p1 s8, $0x0  }
0xde: {  	[tilespmem:s11], [sflag:$0x4] =	stream.indirect.gather @!p3 [hbm4b:s5+s9], $0x40, s25, s9, $0xb8;
	[tilespmem:$0x1D3C0] =	vst v63  }
0xdf: {  	p3 =	por !p2, p1  }
0xe0: {  	p4 =	slt.u32 @!p3 s7, $0x2  }
0xe1: {  	p4 =	por @!p1 p4, !p2  }
0xe2: {  	p4 =	por p4, p1  }
0xe3: {  	s8 =	simm.s32 @!p4 $0x5  }
0xe4: {  	_ =	swait.ge @!p4 [sflag:s8], $0x2000  }
0xe5: {  	[sflag:s8] =	ssyncset.done @!p4 $0x0  }
0xe6: {  	s9 =	simm.s32 @!p3 $0x9E00;
	[sflag:s8] =	ssyncadd.s32 @!p4 $0xFFFFE000;
	s8 =	simm.s32 @!p3 $0x80  }
0xe7: {  	[tilespmem:s9], [sflag:$0x1] =	stream.indirect.gather @!p3 [hbm4b:s5+s8], $0x40, s25, s8, $0xb8;
	[tilespmem:$0x1D3C0] =	vst v63  }
0xe8: {  	p3 =	por p2, p1  }
0xe9: {  	p4 =	slt.u32 @!p3 s7, $0x2  }
0xea: {  	p2 =	por @!p1 p4, p2  }
0xeb: {  	p1 =	por p2, p1  }
.Ltmp10:
0xec: {  	s8 =	simm.s32 @!p1 $0x6;
	(pc) =	sbr.rel .LBB2_5-.Ltmp10, $4  }
0xed: {  	_ =	swait.ge @!p1 [sflag:s8], $0x2000  }
0xee: {  	[sflag:s8] =	ssyncset.done @!p1 $0x0  }
0xef: {  	s9 =	simm.s32 @!p3 $0xBE00;
	[sflag:s8] =	ssyncadd.s32 @!p1 $0xFFFFE000;
	s8 =	simm.s32 @!p3 $0x80  }
0xf0: {  	[tilespmem:s9], [sflag:$0x2] =	stream.indirect.gather @!p3 [hbm4b:s5+s8], $0x40, s25, s8, $0xb8;
	[tilespmem:$0x1D3C0] =	vst v63  }
.LBB2_11:
0xf1: {  	_ =	sfence.sel $0x180000  }
0xf2: {  	[bflag:$0x0] =	sbarrier.arrive $0xFFFF  }
0xf3: {  	_ =	strace $0x90000047  }
0xf4: {  	s0 =	stileid.u32;
	[bflag:$0x2] =	sbarrier.arrive $0xFFFF  }
0xf5: {  	p0 =	sne.s32 s0, $0x0;
	s0 =	rddreg [dreg:$0x4]  }
0xf6: {  	s0 =	sadd.s32 @!p0 $0x100000, s0  }
0xf7: {  	[sflag:s0] =	ssyncadd.tile.s32 @!p0 $0x1;
	_ =	shalt  }
.Lfunc_end2:
_tile_overlayer_lowered:
.L_overlay_start_2:
0xf8: {  	(tag) =	ssettag $0x2  }
0xf9: {  	s0 =	rddreg [dreg:$0x0];
	s2 =	stileid.u32  }
0xfa: {  	s1 =	rddreg [dreg:$0x1];
	p0 =	sne.s32 s2, $0x0  }
0xfb: {  	s3 =	rddreg [dreg:$0x2];
	[bflag:$0x3] =	sbarrier.arrive $0xFFFF;
	s2 =	simm.s32 @!p0 $0x1C0A  }
0xfc: {  	[timem:s3], [sflag:s2] =	dma.local @!p0 [hbm:s0], s1  }
0xfd: {  	s0 =	simm.s32 @!p0 $0xA  }
0xfe: {  	_ =	swait.ge @!p0 [sflag:s0], s1  }
0xff: {  	s1 =	ssub.s32 @!p0 $0x0, s1;
	[sflag:s0] =	ssyncset.done @!p0 $0x0  }
0x100: {  	[sflag:s0] =	ssyncadd.s32 @!p0 s1  }
0x101: {  	[bflag:$0x3] =	sbarrier.arrive $0xFFFF  }
0x102: {  	_ =	shalt  }

</sc_bundles>
